<compile_context>
chip_gen: v7x
topology: tpu7x:2x2x1
jax: 0.10.2.dev20260603
libtpu: 0.0.44.dev20260713+nightly
codegen_flags: <defaults>
</compile_context>

<pallas_src>
import dataclasses
import functools

import jax
import jax.numpy as jnp
from jax.experimental import pallas as pl
from jax.experimental.pallas import tpu as pltpu
from jax.experimental.pallas import tpu_sc as plsc

_ROWS, _COLS = 16384, 4096


_BLOCK_ROWS = 256
_CHUNK_R, _CHUNK_C = 16, 256
_CHUNKS_C = _COLS // _CHUNK_C


_R_SC = 3840
_SC_BLOCK_ROWS = 4
_SC_STEPS = _R_SC // _SC_BLOCK_ROWS
_SC_UNROLL = 4

_TC_ROW0 = _R_SC // _BLOCK_ROWS
_NUM_BLOCKS_TC = (_ROWS - _R_SC) // _BLOCK_ROWS


def _lookup_tree(tb, w):
    bf = jnp.bfloat16
    mA = tb >= bf(4.5)
    ts = jnp.where(mA, tb - bf(5.0), tb)
    a0 = jnp.where(mA, w[5], w[0])
    a1 = jnp.where(mA, w[6], w[1])
    a2 = jnp.where(mA, w[7], w[2])
    a3 = jnp.where(mA, w[8], w[3])
    a4 = jnp.where(mA, w[9], w[4])
    m1 = ts >= bf(0.5)
    m2 = ts >= bf(1.5)
    m3 = ts >= bf(2.5)
    m4 = ts >= bf(3.5)
    return jnp.where(m4, a4,
                     jnp.where(m3, a3,
                               jnp.where(m2, a2,
                                         jnp.where(m1, a1, a0))))


def _tc_loss_kernel(w_ref, x_ref, t_ref, out_ref):
    w = [w_ref[c].astype(jnp.bfloat16) for c in range(10)]

    def body(i, acc):
        r = i * _CHUNK_R
        bacc = jnp.zeros((_CHUNK_R, _CHUNK_C), jnp.bfloat16)
        for j in range(_CHUNKS_C):
            c = j * _CHUNK_C
            xa = x_ref[pl.ds(r, _CHUNK_R), pl.ds(c, _CHUNK_C)]
            ta = t_ref[pl.ds(r, _CHUNK_R), pl.ds(c, _CHUNK_C)]
            xb = xa.astype(jnp.bfloat16)
            tb = ta.astype(jnp.bfloat16)
            d = xb - tb
            sq = d * d
            wv = _lookup_tree(tb, w)
            bacc = bacc + sq * wv
        return acc + bacc.astype(jnp.float32)

    acc = jax.lax.fori_loop(
        0, _BLOCK_ROWS // _CHUNK_R, body,
        jnp.zeros((_CHUNK_R, _CHUNK_C), jnp.float32))
    out_ref[0, 0, 0] = jnp.sum(acc)


def _tc_loss_part(input, target, weight, blk0, nblocks):
    partials = pl.pallas_call(
        _tc_loss_kernel,
        grid=(nblocks,),
        in_specs=[
            pl.BlockSpec(memory_space=pltpu.SMEM),
            pl.BlockSpec((_BLOCK_ROWS, _COLS), lambda i: (i + blk0, 0)),
            pl.BlockSpec((_BLOCK_ROWS, _COLS), lambda i: (i + blk0, 0)),
        ],
        out_specs=pl.BlockSpec((1, 1, 1), lambda i: (i, 0, 0),
                               memory_space=pltpu.SMEM),
        out_shape=jax.ShapeDtypeStruct((nblocks, 1, 1), jnp.float32),
    )(weight, input, target)
    return jnp.sum(partials)


def _tc_loss(input, target, weight):
    return _tc_loss_part(input, target, weight, _TC_ROW0, _NUM_BLOCKS_TC)


def _sc_loss(x, t, w_pad):
    mesh = plsc.VectorSubcoreMesh(core_axis_name="core",
                                  subcore_axis_name="subcore",
                                  num_cores=1)
    cp = pltpu.CompilerParams()
    if "needs_layout_passes" in pltpu.CompilerParams.__dataclass_fields__:
        cp = dataclasses.replace(cp, needs_layout_passes=False)

    @functools.partial(
        pl.kernel,
        out_type=jax.ShapeDtypeStruct((_SC_STEPS * 16,), jnp.float32),
        mesh=mesh,
        scratch_types=[pltpu.VMEM((16,), jnp.float32)],
        compiler_params=cp,
    )
    def k(x_hbm, t_hbm, w_hbm, o_hbm, w_vmem):
        pltpu.sync_copy(w_hbm, w_vmem)

        def body(x_vmem, t_vmem, o_vmem):
            def make_step(r):
                def step(i, acc):
                    for u in range(_SC_UNROLL):
                        sl = pl.ds((i * _SC_UNROLL + u) * 16, 16)
                        xv = x_vmem[r, sl]
                        tv = t_vmem[r, sl]
                        d = xv - tv
                        idx = tv.astype(jnp.int32)
                        wv = plsc.load_gather(w_vmem, [idx])
                        acc = acc + d * d * wv
                    return acc
                return step

            acc = jnp.zeros((16,), jnp.float32)
            for r in range(_SC_BLOCK_ROWS):
                acc = jax.lax.fori_loop(
                    0, _COLS // (16 * _SC_UNROLL), make_step(r), acc)
            o_vmem[...] = acc

        pltpu.emit_pipeline(
            body,
            grid=(_SC_STEPS,),
            in_specs=[pl.BlockSpec((_SC_BLOCK_ROWS, _COLS),
                                   lambda i: (i, 0)),
                      pl.BlockSpec((_SC_BLOCK_ROWS, _COLS),
                                   lambda i: (i, 0))],
            out_specs=[pl.BlockSpec((16,), lambda i: (i,))],
            core_axis_name=("core", "subcore"),
            dimension_semantics=(pltpu.PARALLEL,),
        )(x_hbm, t_hbm, o_hbm)

    return jnp.sum(k(x, t, w_pad))


@jax.jit
def kernel(input, target, weight):
    w_pad = jnp.pad(weight, (0, 6))
    sc_sum = _sc_loss(input, target, w_pad)
    tc_sum = _tc_loss(input, target, weight)
    return (tc_sum + sc_sum) / (_ROWS * _COLS)

# --- scband reference (transcript-rebuilt; emitter-appended) ---
"""Pipeline reference for scband-weighted-mseloss-73933567033499 (READ-ONLY COPY).

The authoritative reference and input builder live on the scoring server;
editing this copy changes nothing except your own understanding.
"""

import jax, jax.numpy as jnp
import numpy as np

NUM_CLASSES = 10


def setup_inputs(seed: int = 0) -> dict:
    key = jax.random.key(seed)
    k1, k2 = jax.random.split(key)
    inp = jax.random.normal(k1, (16384, 4096), dtype=jnp.float32)
    target = jax.random.randint(k2, (16384, 4096), 0, NUM_CLASSES).astype(jnp.float32)
    weight = jnp.array([1.0, 2.0, 0.5, 1.5, 1.0, 0.8, 1.2, 0.9, 1.1, 1.0], dtype=jnp.float32)
    return {"input": inp, "target": target, "weight": weight}


def reference(input, target, weight):
    # Faithful translation of WeightedMSELoss.forward
    mse_loss = (input - target) ** 2
    idx = target.astype(jnp.int32)
    weighted_loss = mse_loss * jnp.take(weight, idx, axis=0)
    loss = jnp.mean(weighted_loss)
    return loss

if __name__ == "__main__":
    import jax
    _d = setup_inputs()
    print(jax.jit(kernel)(*tuple(_d.values())))

</pallas_src>

<mosaic_0001>
#map = affine_map<(d0, d1) -> (0, 0)>
#map1 = affine_map<(d0, d1) -> (0)>
module attributes {stable_mosaic.version = 14 : i64} {
  func.func @k(%arg0: i32, %arg1: i32, %arg2: memref<16384x4096xf32, #tpu.memory_space<hbm>>, %arg3: memref<16384x4096xf32, #tpu.memory_space<hbm>>, %arg4: memref<16xf32, #tpu.memory_space<hbm>>, %arg5: memref<15360xf32, #tpu.memory_space<hbm>>, %arg6: memref<16xf32, #tpu.memory_space<vmem>>) attributes {dimension_semantics = [#tpu.dimension_semantics<core_parallel>, #tpu.dimension_semantics<subcore_parallel>], iteration_bounds = array<i64: 1, 16>, scalar_prefetch = 0 : i64, scratch_operands = 1 : i64, tpu.core_type = #tpu.core_type<sc_vector_subcore>, window_params = [{transform_indices = #map}, {transform_indices = #map}, {transform_indices = #map1}, {transform_indices = #map1}]} {
    "tpu.region"() ({
      %run_scoped3A = tpu.sem_alloc : memref<!tpu.dma_semaphore, #tpu.memory_space<semaphore_mem>>
      tpu.enqueue_dma source(%arg4 : memref<16xf32, #tpu.memory_space<hbm>>) target(%arg6 : memref<16xf32, #tpu.memory_space<vmem>>) target_semaphore(%run_scoped3A : memref<!tpu.dma_semaphore, #tpu.memory_space<semaphore_mem>>)
      tpu.wait_dma2 semaphore(%run_scoped3A : memref<!tpu.dma_semaphore, #tpu.memory_space<semaphore_mem>>) src(%arg4 : memref<16xf32, #tpu.memory_space<hbm>>) dst(%arg6 : memref<16xf32, #tpu.memory_space<vmem>>)
      tpu.yield
    }) : () -> ()
    %mul3A = arith.constant 1 : i32
    %mul3A_0 = arith.muli %arg1, %mul3A : i32
    %add3A = arith.constant 0 : i32
    %add3A_1 = arith.addi %add3A, %mul3A_0 : i32
    %mul3A_2 = arith.constant 16 : i32
    %mul3A_3 = arith.muli %arg0, %mul3A_2 : i32
    %add3A_4 = arith.addi %add3A_1, %mul3A_3 : i32
    %mul3A_5 = arith.constant 60 : i32
    %mul3A_6 = arith.muli %add3A_4, %mul3A_5 : i32
    "tpu.region"() ({
      %run_scoped3A = memref.alloca() : memref<2x4x4096xf32, #tpu.memory_space<vmem>>
      %run_scoped3A_7 = tpu.sem_alloc : memref<2x!tpu.dma_semaphore, #tpu.memory_space<semaphore_mem>>
      %run_scoped3A_8 = memref.alloca() : memref<2x4x4096xf32, #tpu.memory_space<vmem>>
      %run_scoped3A_9 = tpu.sem_alloc : memref<2x!tpu.dma_semaphore, #tpu.memory_space<semaphore_mem>>
      %run_scoped3A_10 = memref.alloca() : memref<32xf32, #tpu.memory_space<vmem>>
      %run_scoped3A_11 = tpu.sem_alloc : memref<2x!tpu.dma_semaphore, #tpu.memory_space<semaphore_mem>>
      %add3A_12 = arith.constant 0 : i32
      %add3A_13 = arith.addi %add3A_12, %mul3A_6 : i32
      %select_n3A = arith.constant true
      %select_n3A_14 = arith.constant 0 : i32
      %select_n3A_15 = arith.constant -1 : i32
      %select_n3A_16 = arith.select %select_n3A, %select_n3A_15, %select_n3A_14 : i32
      %eq3A = arith.constant -1 : i32
      %eq3A_17 = arith.cmpi eq, %select_n3A_16, %eq3A : i32
      %select_n3A_18 = arith.constant 59 : i32
      %select_n3A_19 = arith.select %eq3A_17, %select_n3A_18, %select_n3A_16 : i32
      %add3A_20 = arith.addi %select_n3A_19, %mul3A_6 : i32
      %select_n3A_21 = arith.constant true
      %select_n3A_22 = arith.constant 0 : i32
      %select_n3A_23 = arith.constant 1 : i32
      %select_n3A_24 = arith.select %select_n3A_21, %select_n3A_23, %select_n3A_22 : i32
      %eq3A_25 = arith.constant 60 : i32
      %eq3A_26 = arith.cmpi eq, %select_n3A_24, %eq3A_25 : i32
      %select_n3A_27 = arith.constant 0 : i32
      %select_n3A_28 = arith.select %eq3A_26, %select_n3A_27, %select_n3A_24 : i32
      %add3A_29 = arith.addi %select_n3A_28, %mul3A_6 : i32
      %add3A_30 = arith.constant 1 : i32
      %add3A_31 = arith.addi %select_n3A_28, %add3A_30 : i32
      %select_n3A_32 = arith.constant true
      %select_n3A_33 = arith.select %select_n3A_32, %add3A_31, %select_n3A_28 : i32
      %eq3A_34 = arith.constant 60 : i32
      %eq3A_35 = arith.cmpi eq, %select_n3A_33, %eq3A_34 : i32
      %select_n3A_36 = arith.constant 0 : i32
      %select_n3A_37 = arith.select %eq3A_35, %select_n3A_36, %select_n3A_33 : i32
      %add3A_38 = arith.addi %select_n3A_37, %mul3A_6 : i32
      "tpu.trace_start"() <{level = 10 : i32, message = "ep_initialize_0"}> : () -> ()
      %rem3A = arith.constant 0 : i32
      %rem3A_39 = arith.constant 2 : i32
      %rem3A_40 = arith.remui %rem3A, %rem3A_39 : i32
      %mul3A_41 = arith.constant 4 : i32
      %mul3A_42 = arith.muli %mul3A_41, %add3A_13 : i32
      %dma_start3A = arith.constant 0 : i32
      %dma_start3A_43 = arith.constant 0 : i32
      %dma_start3A_44 = tpu.memref_slice %run_scoped3A[%rem3A_40, %dma_start3A, %dma_start3A_43] : memref<2x4x4096xf32, #tpu.memory_space<vmem>> -> memref<1x4x4096xf32, #tpu.memory_space<vmem>>
      %dma_start3A_45 = tpu.memref_squeeze %dma_start3A_44 : memref<1x4x4096xf32, #tpu.memory_space<vmem>> -> memref<4x4096xf32, #tpu.memory_space<vmem>>
      %dma_start3A_46 = arith.constant 0 : i32
      %dma_start3A_47 = tpu.memref_slice %arg2[%mul3A_42, %dma_start3A_46] : memref<16384x4096xf32, #tpu.memory_space<hbm>> -> memref<4x4096xf32, #tpu.memory_space<hbm>>
      %dma_start3A_48 = tpu.memref_slice %run_scoped3A_7[%rem3A_40] : memref<2x!tpu.dma_semaphore, #tpu.memory_space<semaphore_mem>> -> memref<1x!tpu.dma_semaphore, #tpu.memory_space<semaphore_mem>>
      %dma_start3A_49 = tpu.memref_squeeze %dma_start3A_48 : memref<1x!tpu.dma_semaphore, #tpu.memory_space<semaphore_mem>> -> memref<!tpu.dma_semaphore, #tpu.memory_space<semaphore_mem>>
      %dma_start3A_50 = arith.constant 0 : i32
      %dma_start3A_51 = arith.constant 0 : i32
      %dma_start3A_52 = tpu.memref_slice %run_scoped3A[%rem3A_40, %dma_start3A_50, %dma_start3A_51] : memref<2x4x4096xf32, #tpu.memory_space<vmem>> -> memref<1x4x4096xf32, #tpu.memory_space<vmem>>
      %dma_start3A_53 = tpu.memref_squeeze %dma_start3A_52 : memref<1x4x4096xf32, #tpu.memory_space<vmem>> -> memref<4x4096xf32, #tpu.memory_space<vmem>>
      %dma_start3A_54 = arith.constant 0 : i32
      %dma_start3A_55 = tpu.memref_slice %arg2[%mul3A_42, %dma_start3A_54] : memref<16384x4096xf32, #tpu.memory_space<hbm>> -> memref<4x4096xf32, #tpu.memory_space<hbm>>
      tpu.enqueue_dma source(%dma_start3A_55 : memref<4x4096xf32, #tpu.memory_space<hbm>>) target(%dma_start3A_53 : memref<4x4096xf32, #tpu.memory_space<vmem>>) target_semaphore(%dma_start3A_49 : memref<!tpu.dma_semaphore, #tpu.memory_space<semaphore_mem>>)
      %add3A_56 = arith.constant 0 : i32
      %add3A_57 = arith.constant 1 : i32
      %add3A_58 = arith.addi %add3A_56, %add3A_57 : i32
      %select_n3A_59 = arith.constant true
      %select_n3A_60 = arith.constant 0 : i32
      %select_n3A_61 = arith.select %select_n3A_59, %add3A_58, %select_n3A_60 : i32
      %rem3A_62 = arith.constant 0 : i32
      %rem3A_63 = arith.constant 2 : i32
      %rem3A_64 = arith.remui %rem3A_62, %rem3A_63 : i32
      %mul3A_65 = arith.constant 4 : i32
      %mul3A_66 = arith.muli %mul3A_65, %add3A_13 : i32
      %dma_start3A_67 = arith.constant 0 : i32
      %dma_start3A_68 = arith.constant 0 : i32
      %dma_start3A_69 = tpu.memref_slice %run_scoped3A_8[%rem3A_64, %dma_start3A_67, %dma_start3A_68] : memref<2x4x4096xf32, #tpu.memory_space<vmem>> -> memref<1x4x4096xf32, #tpu.memory_space<vmem>>
      %dma_start3A_70 = tpu.memref_squeeze %dma_start3A_69 : memref<1x4x4096xf32, #tpu.memory_space<vmem>> -> memref<4x4096xf32, #tpu.memory_space<vmem>>
      %dma_start3A_71 = arith.constant 0 : i32
      %dma_start3A_72 = tpu.memref_slice %arg3[%mul3A_66, %dma_start3A_71] : memref<16384x4096xf32, #tpu.memory_space<hbm>> -> memref<4x4096xf32, #tpu.memory_space<hbm>>
      %dma_start3A_73 = tpu.memref_slice %run_scoped3A_9[%rem3A_64] : memref<2x!tpu.dma_semaphore, #tpu.memory_space<semaphore_mem>> -> memref<1x!tpu.dma_semaphore, #tpu.memory_space<semaphore_mem>>
      %dma_start3A_74 = tpu.memref_squeeze %dma_start3A_73 : memref<1x!tpu.dma_semaphore, #tpu.memory_space<semaphore_mem>> -> memref<!tpu.dma_semaphore, #tpu.memory_space<semaphore_mem>>
      %dma_start3A_75 = arith.constant 0 : i32
      %dma_start3A_76 = arith.constant 0 : i32
      %dma_start3A_77 = tpu.memref_slice %run_scoped3A_8[%rem3A_64, %dma_start3A_75, %dma_start3A_76] : memref<2x4x4096xf32, #tpu.memory_space<vmem>> -> memref<1x4x4096xf32, #tpu.memory_space<vmem>>
      %dma_start3A_78 = tpu.memref_squeeze %dma_start3A_77 : memref<1x4x4096xf32, #tpu.memory_space<vmem>> -> memref<4x4096xf32, #tpu.memory_space<vmem>>
      %dma_start3A_79 = arith.constant 0 : i32
      %dma_start3A_80 = tpu.memref_slice %arg3[%mul3A_66, %dma_start3A_79] : memref<16384x4096xf32, #tpu.memory_space<hbm>> -> memref<4x4096xf32, #tpu.memory_space<hbm>>
      tpu.enqueue_dma source(%dma_start3A_80 : memref<4x4096xf32, #tpu.memory_space<hbm>>) target(%dma_start3A_78 : memref<4x4096xf32, #tpu.memory_space<vmem>>) target_semaphore(%dma_start3A_74 : memref<!tpu.dma_semaphore, #tpu.memory_space<semaphore_mem>>)
      %add3A_81 = arith.constant 0 : i32
      %add3A_82 = arith.constant 1 : i32
      %add3A_83 = arith.addi %add3A_81, %add3A_82 : i32
      %select_n3A_84 = arith.constant true
      %select_n3A_85 = arith.constant 0 : i32
      %select_n3A_86 = arith.select %select_n3A_84, %add3A_83, %select_n3A_85 : i32
      "tpu.trace_stop"() : () -> ()
      %scan3A = arith.constant 0 : i32
      %scan3A_87 = arith.constant 0 : i32
      %scan3A_88 = arith.constant 0 : i32
      %scan3A_89 = arith.constant 0 : i32
      %scan3A_90 = arith.constant 0 : i32
      %scan3A_91 = arith.constant 0 : i32
      %scan3A_92 = arith.constant 60 : i32
      %scan3A_93 = arith.addi %scan3A_91, %scan3A_92 : i32
      %scan3A_94 = arith.constant 1 : i32
      %scan3A_95:7 = scf.for %scan3A_145 = %scan3A_91 to %scan3A_93 step %scan3A_94 iter_args(%scan3A_146 = %select_n3A_61, %scan3A_147 = %scan3A, %scan3A_148 = %select_n3A_86, %scan3A_149 = %scan3A_87, %scan3A_150 = %scan3A_88, %scan3A_151 = %scan3A_89, %scan3A_152 = %scan3A_90) -> (i32, i32, i32, i32, i32, i32, i32)  : i32 {
        %eq3A_153 = arith.constant 0 : i32
        %eq3A_154 = arith.cmpi eq, %scan3A_145, %eq3A_153 : i32
        %eq3A_155 = arith.constant 59 : i32
        %eq3A_156 = arith.cmpi eq, %scan3A_145, %eq3A_155 : i32
        %add3A_157 = arith.addi %scan3A_152, %mul3A_6 : i32
        %sub3A_158 = arith.constant 1 : i32
        %sub3A_159 = arith.subi %scan3A_152, %sub3A_158 : i32
        %select_n3A_160 = arith.constant true
        %select_n3A_161 = arith.select %select_n3A_160, %sub3A_159, %scan3A_152 : i32
        %eq3A_162 = arith.constant -1 : i32
        %eq3A_163 = arith.cmpi eq, %select_n3A_161, %eq3A_162 : i32
        %select_n3A_164 = arith.constant 59 : i32
        %select_n3A_165 = arith.select %eq3A_163, %select_n3A_164, %select_n3A_161 : i32
        %add3A_166 = arith.addi %select_n3A_165, %mul3A_6 : i32
        %add3A_167 = arith.constant 1 : i32
        %add3A_168 = arith.addi %scan3A_152, %add3A_167 : i32
        %select_n3A_169 = arith.constant true
        %select_n3A_170 = arith.select %select_n3A_169, %add3A_168, %scan3A_152 : i32
        %eq3A_171 = arith.constant 60 : i32
        %eq3A_172 = arith.cmpi eq, %select_n3A_170, %eq3A_171 : i32
        %select_n3A_173 = arith.constant 0 : i32
        %select_n3A_174 = arith.select %eq3A_172, %select_n3A_173, %select_n3A_170 : i32
        %add3A_175 = arith.addi %select_n3A_174, %mul3A_6 : i32
        %add3A_176 = arith.constant 1 : i32
        %add3A_177 = arith.addi %select_n3A_174, %add3A_176 : i32
        %select_n3A_178 = arith.constant true
        %select_n3A_179 = arith.select %select_n3A_178, %add3A_177, %select_n3A_174 : i32
        %eq3A_180 = arith.constant 60 : i32
        %eq3A_181 = arith.cmpi eq, %select_n3A_179, %eq3A_180 : i32
        %select_n3A_182 = arith.constant 0 : i32
        %select_n3A_183 = arith.select %eq3A_181, %select_n3A_182, %select_n3A_179 : i32
        %add3A_184 = arith.addi %select_n3A_183, %mul3A_6 : i32
        %ne3A = arith.cmpi ne, %add3A_157, %add3A_175 : i32
        %or3A = arith.constant false
        %or3A_185 = arith.ori %or3A, %ne3A : i1
        %or3A_186 = arith.constant false
        %or3A_187 = arith.ori %or3A_185, %or3A_186 : i1
        %ge3A = arith.constant 59 : i32
        %ge3A_188 = arith.cmpi sge, %scan3A_145, %ge3A : i32
        %not3A = arith.constant true
        %not3A_189 = arith.xori %ge3A_188, %not3A : i1
        %and3A = arith.andi %or3A_187, %not3A_189 : i1
        %convert_element_type3A = arith.extui %and3A : i1 to i32
        %cond3A = arith.constant 0 : i32
        %cond3A_190 = arith.cmpi ne, %convert_element_type3A, %cond3A : i32
        scf.if %cond3A_190 {
          "tpu.trace_start"() <{level = 10 : i32, message = "ep_copy_in"}> : () -> ()
          %rem3A_381 = arith.constant 2 : i32
          %rem3A_382 = arith.remui %scan3A_146, %rem3A_381 : i32
          %mul3A_383 = arith.constant 4 : i32
          %mul3A_384 = arith.muli %mul3A_383, %add3A_175 : i32
          %dma_start3A_385 = arith.constant 0 : i32
          %dma_start3A_386 = arith.constant 0 : i32
          %dma_start3A_387 = tpu.memref_slice %run_scoped3A[%rem3A_382, %dma_start3A_385, %dma_start3A_386] : memref<2x4x4096xf32, #tpu.memory_space<vmem>> -> memref<1x4x4096xf32, #tpu.memory_space<vmem>>
          %dma_start3A_388 = tpu.memref_squeeze %dma_start3A_387 : memref<1x4x4096xf32, #tpu.memory_space<vmem>> -> memref<4x4096xf32, #tpu.memory_space<vmem>>
          %dma_start3A_389 = arith.constant 0 : i32
          %dma_start3A_390 = tpu.memref_slice %arg2[%mul3A_384, %dma_start3A_389] : memref<16384x4096xf32, #tpu.memory_space<hbm>> -> memref<4x4096xf32, #tpu.memory_space<hbm>>
          %dma_start3A_391 = tpu.memref_slice %run_scoped3A_7[%rem3A_382] : memref<2x!tpu.dma_semaphore, #tpu.memory_space<semaphore_mem>> -> memref<1x!tpu.dma_semaphore, #tpu.memory_space<semaphore_mem>>
          %dma_start3A_392 = tpu.memref_squeeze %dma_start3A_391 : memref<1x!tpu.dma_semaphore, #tpu.memory_space<semaphore_mem>> -> memref<!tpu.dma_semaphore, #tpu.memory_space<semaphore_mem>>
          %dma_start3A_393 = arith.constant 0 : i32
          %dma_start3A_394 = arith.constant 0 : i32
          %dma_start3A_395 = tpu.memref_slice %run_scoped3A[%rem3A_382, %dma_start3A_393, %dma_start3A_394] : memref<2x4x4096xf32, #tpu.memory_space<vmem>> -> memref<1x4x4096xf32, #tpu.memory_space<vmem>>
          %dma_start3A_396 = tpu.memref_squeeze %dma_start3A_395 : memref<1x4x4096xf32, #tpu.memory_space<vmem>> -> memref<4x4096xf32, #tpu.memory_space<vmem>>
          %dma_start3A_397 = arith.constant 0 : i32
          %dma_start3A_398 = tpu.memref_slice %arg2[%mul3A_384, %dma_start3A_397] : memref<16384x4096xf32, #tpu.memory_space<hbm>> -> memref<4x4096xf32, #tpu.memory_space<hbm>>
          tpu.enqueue_dma source(%dma_start3A_398 : memref<4x4096xf32, #tpu.memory_space<hbm>>) target(%dma_start3A_396 : memref<4x4096xf32, #tpu.memory_space<vmem>>) target_semaphore(%dma_start3A_392 : memref<!tpu.dma_semaphore, #tpu.memory_space<semaphore_mem>>)
          "tpu.trace_stop"() : () -> ()
        } else {
        }
        %and3A_191 = arith.constant true
        %and3A_192 = arith.andi %and3A, %and3A_191 : i1
        %add3A_193 = arith.constant 1 : i32
        %add3A_194 = arith.addi %scan3A_146, %add3A_193 : i32
        %select_n3A_195 = arith.select %and3A_192, %add3A_194, %scan3A_146 : i32
        %ne3A_196 = arith.cmpi ne, %add3A_157, %add3A_175 : i32
        %or3A_197 = arith.constant false
        %or3A_198 = arith.ori %or3A_197, %ne3A_196 : i1
        %or3A_199 = arith.constant false
        %or3A_200 = arith.ori %or3A_198, %or3A_199 : i1
        %ge3A_201 = arith.constant 59 : i32
        %ge3A_202 = arith.cmpi sge, %scan3A_145, %ge3A_201 : i32
        %not3A_203 = arith.constant true
        %not3A_204 = arith.xori %ge3A_202, %not3A_203 : i1
        %and3A_205 = arith.andi %or3A_200, %not3A_204 : i1
        %convert_element_type3A_206 = arith.extui %and3A_205 : i1 to i32
        %cond3A_207 = arith.constant 0 : i32
        %cond3A_208 = arith.cmpi ne, %convert_element_type3A_206, %cond3A_207 : i32
        scf.if %cond3A_208 {
          "tpu.trace_start"() <{level = 10 : i32, message = "ep_copy_in"}> : () -> ()
          %rem3A_381 = arith.constant 2 : i32
          %rem3A_382 = arith.remui %scan3A_148, %rem3A_381 : i32
          %mul3A_383 = arith.constant 4 : i32
          %mul3A_384 = arith.muli %mul3A_383, %add3A_175 : i32
          %dma_start3A_385 = arith.constant 0 : i32
          %dma_start3A_386 = arith.constant 0 : i32
          %dma_start3A_387 = tpu.memref_slice %run_scoped3A_8[%rem3A_382, %dma_start3A_385, %dma_start3A_386] : memref<2x4x4096xf32, #tpu.memory_space<vmem>> -> memref<1x4x4096xf32, #tpu.memory_space<vmem>>
          %dma_start3A_388 = tpu.memref_squeeze %dma_start3A_387 : memref<1x4x4096xf32, #tpu.memory_space<vmem>> -> memref<4x4096xf32, #tpu.memory_space<vmem>>
          %dma_start3A_389 = arith.constant 0 : i32
          %dma_start3A_390 = tpu.memref_slice %arg3[%mul3A_384, %dma_start3A_389] : memref<16384x4096xf32, #tpu.memory_space<hbm>> -> memref<4x4096xf32, #tpu.memory_space<hbm>>
          %dma_start3A_391 = tpu.memref_slice %run_scoped3A_9[%rem3A_382] : memref<2x!tpu.dma_semaphore, #tpu.memory_space<semaphore_mem>> -> memref<1x!tpu.dma_semaphore, #tpu.memory_space<semaphore_mem>>
          %dma_start3A_392 = tpu.memref_squeeze %dma_start3A_391 : memref<1x!tpu.dma_semaphore, #tpu.memory_space<semaphore_mem>> -> memref<!tpu.dma_semaphore, #tpu.memory_space<semaphore_mem>>
          %dma_start3A_393 = arith.constant 0 : i32
          %dma_start3A_394 = arith.constant 0 : i32
          %dma_start3A_395 = tpu.memref_slice %run_scoped3A_8[%rem3A_382, %dma_start3A_393, %dma_start3A_394] : memref<2x4x4096xf32, #tpu.memory_space<vmem>> -> memref<1x4x4096xf32, #tpu.memory_space<vmem>>
          %dma_start3A_396 = tpu.memref_squeeze %dma_start3A_395 : memref<1x4x4096xf32, #tpu.memory_space<vmem>> -> memref<4x4096xf32, #tpu.memory_space<vmem>>
          %dma_start3A_397 = arith.constant 0 : i32
          %dma_start3A_398 = tpu.memref_slice %arg3[%mul3A_384, %dma_start3A_397] : memref<16384x4096xf32, #tpu.memory_space<hbm>> -> memref<4x4096xf32, #tpu.memory_space<hbm>>
          tpu.enqueue_dma source(%dma_start3A_398 : memref<4x4096xf32, #tpu.memory_space<hbm>>) target(%dma_start3A_396 : memref<4x4096xf32, #tpu.memory_space<vmem>>) target_semaphore(%dma_start3A_392 : memref<!tpu.dma_semaphore, #tpu.memory_space<semaphore_mem>>)
          "tpu.trace_stop"() : () -> ()
        } else {
        }
        %and3A_209 = arith.constant true
        %and3A_210 = arith.andi %and3A_205, %and3A_209 : i1
        %add3A_211 = arith.constant 1 : i32
        %add3A_212 = arith.addi %scan3A_148, %add3A_211 : i32
        %select_n3A_213 = arith.select %and3A_210, %add3A_212, %scan3A_148 : i32
        %ne3A_214 = arith.cmpi ne, %add3A_157, %add3A_175 : i32
        %or3A_215 = arith.constant false
        %or3A_216 = arith.ori %or3A_215, %ne3A_214 : i1
        %ge3A_217 = arith.constant 59 : i32
        %ge3A_218 = arith.cmpi sge, %scan3A_145, %ge3A_217 : i32
        %not3A_219 = arith.constant true
        %not3A_220 = arith.xori %ge3A_218, %not3A_219 : i1
        %and3A_221 = arith.andi %or3A_216, %not3A_220 : i1
        %ne3A_222 = arith.cmpi ne, %add3A_157, %add3A_166 : i32
        %or3A_223 = arith.constant false
        %or3A_224 = arith.ori %or3A_223, %ne3A_222 : i1
        %or3A_225 = arith.constant false
        %or3A_226 = arith.ori %or3A_224, %or3A_225 : i1
        %or3A_227 = arith.ori %or3A_226, %eq3A_154 : i1
        %convert_element_type3A_228 = arith.extui %or3A_227 : i1 to i32
        %cond3A_229 = arith.constant 0 : i32
        %cond3A_230 = arith.cmpi ne, %convert_element_type3A_228, %cond3A_229 : i32
        scf.if %cond3A_230 {
          "tpu.trace_start"() <{level = 10 : i32, message = "ep_wait_in"}> : () -> ()
          %mul3A_381 = arith.constant 4 : i32
          %mul3A_382 = arith.muli %mul3A_381, %add3A_157 : i32
          %rem3A_383 = arith.constant 2 : i32
          %rem3A_384 = arith.remui %scan3A_147, %rem3A_383 : i32
          %dma_wait3A_385 = arith.constant 0 : i32
          %dma_wait3A_386 = arith.constant 0 : i32
          %dma_wait3A_387 = tpu.memref_slice %run_scoped3A[%rem3A_384, %dma_wait3A_385, %dma_wait3A_386] : memref<2x4x4096xf32, #tpu.memory_space<vmem>> -> memref<1x4x4096xf32, #tpu.memory_space<vmem>>
          %dma_wait3A_388 = tpu.memref_squeeze %dma_wait3A_387 : memref<1x4x4096xf32, #tpu.memory_space<vmem>> -> memref<4x4096xf32, #tpu.memory_space<vmem>>
          %dma_wait3A_389 = arith.constant 0 : i32
          %dma_wait3A_390 = tpu.memref_slice %arg2[%mul3A_382, %dma_wait3A_389] : memref<16384x4096xf32, #tpu.memory_space<hbm>> -> memref<4x4096xf32, #tpu.memory_space<hbm>>
          %dma_wait3A_391 = tpu.memref_slice %run_scoped3A_7[%rem3A_384] : memref<2x!tpu.dma_semaphore, #tpu.memory_space<semaphore_mem>> -> memref<1x!tpu.dma_semaphore, #tpu.memory_space<semaphore_mem>>
          %dma_wait3A_392 = tpu.memref_squeeze %dma_wait3A_391 : memref<1x!tpu.dma_semaphore, #tpu.memory_space<semaphore_mem>> -> memref<!tpu.dma_semaphore, #tpu.memory_space<semaphore_mem>>
          %dma_wait3A_393 = arith.constant 0 : i32
          %dma_wait3A_394 = arith.constant 0 : i32
          %dma_wait3A_395 = tpu.memref_slice %run_scoped3A[%rem3A_384, %dma_wait3A_393, %dma_wait3A_394] : memref<2x4x4096xf32, #tpu.memory_space<vmem>> -> memref<1x4x4096xf32, #tpu.memory_space<vmem>>
          %dma_wait3A_396 = tpu.memref_squeeze %dma_wait3A_395 : memref<1x4x4096xf32, #tpu.memory_space<vmem>> -> memref<4x4096xf32, #tpu.memory_space<vmem>>
          %dma_wait3A_397 = arith.constant 0 : i32
          %dma_wait3A_398 = tpu.memref_slice %arg2[%mul3A_382, %dma_wait3A_397] : memref<16384x4096xf32, #tpu.memory_space<hbm>> -> memref<4x4096xf32, #tpu.memory_space<hbm>>
          tpu.wait_dma2 semaphore(%dma_wait3A_392 : memref<!tpu.dma_semaphore, #tpu.memory_space<semaphore_mem>>) src(%dma_wait3A_398 : memref<4x4096xf32, #tpu.memory_space<hbm>>) dst(%dma_wait3A_396 : memref<4x4096xf32, #tpu.memory_space<vmem>>)
          "tpu.trace_stop"() : () -> ()
        } else {
        }
        %ne3A_231 = arith.cmpi ne, %add3A_157, %add3A_166 : i32
        %or3A_232 = arith.constant false
        %or3A_233 = arith.ori %or3A_232, %ne3A_231 : i1
        %or3A_234 = arith.constant false
        %or3A_235 = arith.ori %or3A_233, %or3A_234 : i1
        %or3A_236 = arith.ori %or3A_235, %eq3A_154 : i1
        %convert_element_type3A_237 = arith.extui %or3A_236 : i1 to i32
        %cond3A_238 = arith.constant 0 : i32
        %cond3A_239 = arith.cmpi ne, %convert_element_type3A_237, %cond3A_238 : i32
        scf.if %cond3A_239 {
          "tpu.trace_start"() <{level = 10 : i32, message = "ep_wait_in"}> : () -> ()
          %mul3A_381 = arith.constant 4 : i32
          %mul3A_382 = arith.muli %mul3A_381, %add3A_157 : i32
          %rem3A_383 = arith.constant 2 : i32
          %rem3A_384 = arith.remui %scan3A_149, %rem3A_383 : i32
          %dma_wait3A_385 = arith.constant 0 : i32
          %dma_wait3A_386 = arith.constant 0 : i32
          %dma_wait3A_387 = tpu.memref_slice %run_scoped3A_8[%rem3A_384, %dma_wait3A_385, %dma_wait3A_386] : memref<2x4x4096xf32, #tpu.memory_space<vmem>> -> memref<1x4x4096xf32, #tpu.memory_space<vmem>>
          %dma_wait3A_388 = tpu.memref_squeeze %dma_wait3A_387 : memref<1x4x4096xf32, #tpu.memory_space<vmem>> -> memref<4x4096xf32, #tpu.memory_space<vmem>>
          %dma_wait3A_389 = arith.constant 0 : i32
          %dma_wait3A_390 = tpu.memref_slice %arg3[%mul3A_382, %dma_wait3A_389] : memref<16384x4096xf32, #tpu.memory_space<hbm>> -> memref<4x4096xf32, #tpu.memory_space<hbm>>
          %dma_wait3A_391 = tpu.memref_slice %run_scoped3A_9[%rem3A_384] : memref<2x!tpu.dma_semaphore, #tpu.memory_space<semaphore_mem>> -> memref<1x!tpu.dma_semaphore, #tpu.memory_space<semaphore_mem>>
          %dma_wait3A_392 = tpu.memref_squeeze %dma_wait3A_391 : memref<1x!tpu.dma_semaphore, #tpu.memory_space<semaphore_mem>> -> memref<!tpu.dma_semaphore, #tpu.memory_space<semaphore_mem>>
          %dma_wait3A_393 = arith.constant 0 : i32
          %dma_wait3A_394 = arith.constant 0 : i32
          %dma_wait3A_395 = tpu.memref_slice %run_scoped3A_8[%rem3A_384, %dma_wait3A_393, %dma_wait3A_394] : memref<2x4x4096xf32, #tpu.memory_space<vmem>> -> memref<1x4x4096xf32, #tpu.memory_space<vmem>>
          %dma_wait3A_396 = tpu.memref_squeeze %dma_wait3A_395 : memref<1x4x4096xf32, #tpu.memory_space<vmem>> -> memref<4x4096xf32, #tpu.memory_space<vmem>>
          %dma_wait3A_397 = arith.constant 0 : i32
          %dma_wait3A_398 = tpu.memref_slice %arg3[%mul3A_382, %dma_wait3A_397] : memref<16384x4096xf32, #tpu.memory_space<hbm>> -> memref<4x4096xf32, #tpu.memory_space<hbm>>
          tpu.wait_dma2 semaphore(%dma_wait3A_392 : memref<!tpu.dma_semaphore, #tpu.memory_space<semaphore_mem>>) src(%dma_wait3A_398 : memref<4x4096xf32, #tpu.memory_space<hbm>>) dst(%dma_wait3A_396 : memref<4x4096xf32, #tpu.memory_space<vmem>>)
          "tpu.trace_stop"() : () -> ()
        } else {
        }
        %ne3A_240 = arith.cmpi ne, %add3A_157, %add3A_166 : i32
        %or3A_241 = arith.constant false
        %or3A_242 = arith.ori %or3A_241, %ne3A_240 : i1
        %or3A_243 = arith.ori %or3A_242, %eq3A_154 : i1
        %convert_element_type3A_244 = arith.extui %or3A_243 : i1 to i32
        %cond3A_245 = arith.constant 0 : i32
        %cond3A_246 = arith.cmpi ne, %convert_element_type3A_244, %cond3A_245 : i32
        scf.if %cond3A_246 {
        } else {
        }
        %rem3A_247 = arith.constant 2 : i32
        %rem3A_248 = arith.remui %scan3A_147, %rem3A_247 : i32
        %rem3A_249 = arith.constant 2 : i32
        %rem3A_250 = arith.remui %scan3A_149, %rem3A_249 : i32
        %rem3A_251 = arith.constant 2 : i32
        %rem3A_252 = arith.remui %scan3A_150, %rem3A_251 : i32
        %mul3A_253 = arith.constant 16 : i32
        %mul3A_254 = arith.muli %rem3A_252, %mul3A_253 : i32
        %broadcast_in_dim3A = arith.constant 0.000000e+00 : f32
        "tpu.trace_start"() <{level = 10 : i32, message = "ep_run_kernel"}> : () -> ()
        %broadcast_in_dim3A_255 = vector.broadcast %broadcast_in_dim3A : f32 to vector<16xf32>
        %scan3A_256 = arith.constant 0 : i32
        %scan3A_257 = arith.constant 64 : i32
        %scan3A_258 = arith.addi %scan3A_256, %scan3A_257 : i32
        %scan3A_259 = arith.constant 1 : i32
        %scan3A_260 = scf.for %scan3A_381 = %scan3A_256 to %scan3A_258 step %scan3A_259 iter_args(%scan3A_382 = %broadcast_in_dim3A_255) -> (vector<16xf32>)  : i32 {
          %mul3A_383 = arith.constant 4 : i32
          %mul3A_384 = arith.muli %scan3A_381, %mul3A_383 : i32
          %add3A_385 = arith.constant 0 : i32
          %add3A_386 = arith.addi %mul3A_384, %add3A_385 : i32
          %mul3A_387 = arith.constant 16 : i32
          %mul3A_388 = arith.muli %add3A_386, %mul3A_387 : i32
          %get3A = arith.constant 0 : i32
          %get3A_389 = arith.constant 0 : i32
          %get3A_390 = arith.constant 0 : i32
          %get3A_391 = tpu.memref_slice %run_scoped3A[%rem3A_248, %get3A_389, %get3A_390] : memref<2x4x4096xf32, #tpu.memory_space<vmem>> -> memref<1x4x4096xf32, #tpu.memory_space<vmem>>
          %get3A_392 = tpu.memref_squeeze %get3A_391 : memref<1x4x4096xf32, #tpu.memory_space<vmem>> -> memref<4x4096xf32, #tpu.memory_space<vmem>>
          %get3A_393 = arith.index_cast %get3A : i32 to index
          %get3A_394 = arith.index_cast %mul3A_388 : i32 to index
          %get3A_395 = tpu.vector_load %get3A_392[%get3A_393, %get3A_394] {strides = array<i32>} : memref<4x4096xf32, #tpu.memory_space<vmem>>, vector<16xf32>,
          %get3A_396 = arith.constant 0 : i32
          %get3A_397 = arith.constant 0 : i32
          %get3A_398 = arith.constant 0 : i32
          %get3A_399 = tpu.memref_slice %run_scoped3A_8[%rem3A_250, %get3A_397, %get3A_398] : memref<2x4x4096xf32, #tpu.memory_space<vmem>> -> memref<1x4x4096xf32, #tpu.memory_space<vmem>>
          %get3A_400 = tpu.memref_squeeze %get3A_399 : memref<1x4x4096xf32, #tpu.memory_space<vmem>> -> memref<4x4096xf32, #tpu.memory_space<vmem>>
          %get3A_401 = arith.index_cast %get3A_396 : i32 to index
          %get3A_402 = arith.index_cast %mul3A_388 : i32 to index
          %get3A_403 = tpu.vector_load %get3A_400[%get3A_401, %get3A_402] {strides = array<i32>} : memref<4x4096xf32, #tpu.memory_space<vmem>>, vector<16xf32>,
          %sub3A_404 = arith.subf %get3A_395, %get3A_403 : vector<16xf32>
          %convert_element_type3A_405 = arith.fptosi %get3A_403 : vector<16xf32> to vector<16xi32>
          %gather3A = tpu.vector_load_idx %arg6[%convert_element_type3A_405] : memref<16xf32, #tpu.memory_space<vmem>>[vector<16xi32>], vector<16xf32>,
          %mul3A_406 = arith.mulf %sub3A_404, %sub3A_404 : vector<16xf32>
          %mul3A_407 = arith.mulf %mul3A_406, %gather3A : vector<16xf32>
          %add3A_408 = arith.addf %scan3A_382, %mul3A_407 : vector<16xf32>
          %mul3A_409 = arith.constant 4 : i32
          %mul3A_410 = arith.muli %scan3A_381, %mul3A_409 : i32
          %add3A_411 = arith.constant 1 : i32
          %add3A_412 = arith.addi %mul3A_410, %add3A_411 : i32
          %mul3A_413 = arith.constant 16 : i32
          %mul3A_414 = arith.muli %add3A_412, %mul3A_413 : i32
          %get3A_415 = arith.constant 0 : i32
          %get3A_416 = arith.constant 0 : i32
          %get3A_417 = arith.constant 0 : i32
          %get3A_418 = tpu.memref_slice %run_scoped3A[%rem3A_248, %get3A_416, %get3A_417] : memref<2x4x4096xf32, #tpu.memory_space<vmem>> -> memref<1x4x4096xf32, #tpu.memory_space<vmem>>
          %get3A_419 = tpu.memref_squeeze %get3A_418 : memref<1x4x4096xf32, #tpu.memory_space<vmem>> -> memref<4x4096xf32, #tpu.memory_space<vmem>>
          %get3A_420 = arith.index_cast %get3A_415 : i32 to index
          %get3A_421 = arith.index_cast %mul3A_414 : i32 to index
          %get3A_422 = tpu.vector_load %get3A_419[%get3A_420, %get3A_421] {strides = array<i32>} : memref<4x4096xf32, #tpu.memory_space<vmem>>, vector<16xf32>,
          %get3A_423 = arith.constant 0 : i32
          %get3A_424 = arith.constant 0 : i32
          %get3A_425 = arith.constant 0 : i32
          %get3A_426 = tpu.memref_slice %run_scoped3A_8[%rem3A_250, %get3A_424, %get3A_425] : memref<2x4x4096xf32, #tpu.memory_space<vmem>> -> memref<1x4x4096xf32, #tpu.memory_space<vmem>>
          %get3A_427 = tpu.memref_squeeze %get3A_426 : memref<1x4x4096xf32, #tpu.memory_space<vmem>> -> memref<4x4096xf32, #tpu.memory_space<vmem>>
          %get3A_428 = arith.index_cast %get3A_423 : i32 to index
          %get3A_429 = arith.index_cast %mul3A_414 : i32 to index
          %get3A_430 = tpu.vector_load %get3A_427[%get3A_428, %get3A_429] {strides = array<i32>} : memref<4x4096xf32, #tpu.memory_space<vmem>>, vector<16xf32>,
          %sub3A_431 = arith.subf %get3A_422, %get3A_430 : vector<16xf32>
          %convert_element_type3A_432 = arith.fptosi %get3A_430 : vector<16xf32> to vector<16xi32>
          %gather3A_433 = tpu.vector_load_idx %arg6[%convert_element_type3A_432] : memref<16xf32, #tpu.memory_space<vmem>>[vector<16xi32>], vector<16xf32>,
          %mul3A_434 = arith.mulf %sub3A_431, %sub3A_431 : vector<16xf32>
          %mul3A_435 = arith.mulf %mul3A_434, %gather3A_433 : vector<16xf32>
          %add3A_436 = arith.addf %add3A_408, %mul3A_435 : vector<16xf32>
          %mul3A_437 = arith.constant 4 : i32
          %mul3A_438 = arith.muli %scan3A_381, %mul3A_437 : i32
          %add3A_439 = arith.constant 2 : i32
          %add3A_440 = arith.addi %mul3A_438, %add3A_439 : i32
          %mul3A_441 = arith.constant 16 : i32
          %mul3A_442 = arith.muli %add3A_440, %mul3A_441 : i32
          %get3A_443 = arith.constant 0 : i32
          %get3A_444 = arith.constant 0 : i32
          %get3A_445 = arith.constant 0 : i32
          %get3A_446 = tpu.memref_slice %run_scoped3A[%rem3A_248, %get3A_444, %get3A_445] : memref<2x4x4096xf32, #tpu.memory_space<vmem>> -> memref<1x4x4096xf32, #tpu.memory_space<vmem>>
          %get3A_447 = tpu.memref_squeeze %get3A_446 : memref<1x4x4096xf32, #tpu.memory_space<vmem>> -> memref<4x4096xf32, #tpu.memory_space<vmem>>
          %get3A_448 = arith.index_cast %get3A_443 : i32 to index
          %get3A_449 = arith.index_cast %mul3A_442 : i32 to index
          %get3A_450 = tpu.vector_load %get3A_447[%get3A_448, %get3A_449] {strides = array<i32>} : memref<4x4096xf32, #tpu.memory_space<vmem>>, vector<16xf32>,
          %get3A_451 = arith.constant 0 : i32
          %get3A_452 = arith.constant 0 : i32
          %get3A_453 = arith.constant 0 : i32
          %get3A_454 = tpu.memref_slice %run_scoped3A_8[%rem3A_250, %get3A_452, %get3A_453] : memref<2x4x4096xf32, #tpu.memory_space<vmem>> -> memref<1x4x4096xf32, #tpu.memory_space<vmem>>
          %get3A_455 = tpu.memref_squeeze %get3A_454 : memref<1x4x4096xf32, #tpu.memory_space<vmem>> -> memref<4x4096xf32, #tpu.memory_space<vmem>>
          %get3A_456 = arith.index_cast %get3A_451 : i32 to index
          %get3A_457 = arith.index_cast %mul3A_442 : i32 to index
          %get3A_458 = tpu.vector_load %get3A_455[%get3A_456, %get3A_457] {strides = array<i32>} : memref<4x4096xf32, #tpu.memory_space<vmem>>, vector<16xf32>,
          %sub3A_459 = arith.subf %get3A_450, %get3A_458 : vector<16xf32>
          %convert_element_type3A_460 = arith.fptosi %get3A_458 : vector<16xf32> to vector<16xi32>
          %gather3A_461 = tpu.vector_load_idx %arg6[%convert_element_type3A_460] : memref<16xf32, #tpu.memory_space<vmem>>[vector<16xi32>], vector<16xf32>,
          %mul3A_462 = arith.mulf %sub3A_459, %sub3A_459 : vector<16xf32>
          %mul3A_463 = arith.mulf %mul3A_462, %gather3A_461 : vector<16xf32>
          %add3A_464 = arith.addf %add3A_436, %mul3A_463 : vector<16xf32>
          %mul3A_465 = arith.constant 4 : i32
          %mul3A_466 = arith.muli %scan3A_381, %mul3A_465 : i32
          %add3A_467 = arith.constant 3 : i32
          %add3A_468 = arith.addi %mul3A_466, %add3A_467 : i32
          %mul3A_469 = arith.constant 16 : i32
          %mul3A_470 = arith.muli %add3A_468, %mul3A_469 : i32
          %get3A_471 = arith.constant 0 : i32
          %get3A_472 = arith.constant 0 : i32
          %get3A_473 = arith.constant 0 : i32
          %get3A_474 = tpu.memref_slice %run_scoped3A[%rem3A_248, %get3A_472, %get3A_473] : memref<2x4x4096xf32, #tpu.memory_space<vmem>> -> memref<1x4x4096xf32, #tpu.memory_space<vmem>>
          %get3A_475 = tpu.memref_squeeze %get3A_474 : memref<1x4x4096xf32, #tpu.memory_space<vmem>> -> memref<4x4096xf32, #tpu.memory_space<vmem>>
          %get3A_476 = arith.index_cast %get3A_471 : i32 to index
          %get3A_477 = arith.index_cast %mul3A_470 : i32 to index
          %get3A_478 = tpu.vector_load %get3A_475[%get3A_476, %get3A_477] {strides = array<i32>} : memref<4x4096xf32, #tpu.memory_space<vmem>>, vector<16xf32>,
          %get3A_479 = arith.constant 0 : i32
          %get3A_480 = arith.constant 0 : i32
          %get3A_481 = arith.constant 0 : i32
          %get3A_482 = tpu.memref_slice %run_scoped3A_8[%rem3A_250, %get3A_480, %get3A_481] : memref<2x4x4096xf32, #tpu.memory_space<vmem>> -> memref<1x4x4096xf32, #tpu.memory_space<vmem>>
          %get3A_483 = tpu.memref_squeeze %get3A_482 : memref<1x4x4096xf32, #tpu.memory_space<vmem>> -> memref<4x4096xf32, #tpu.memory_space<vmem>>
          %get3A_484 = arith.index_cast %get3A_479 : i32 to index
          %get3A_485 = arith.index_cast %mul3A_470 : i32 to index
          %get3A_486 = tpu.vector_load %get3A_483[%get3A_484, %get3A_485] {strides = array<i32>} : memref<4x4096xf32, #tpu.memory_space<vmem>>, vector<16xf32>,
          %sub3A_487 = arith.subf %get3A_478, %get3A_486 : vector<16xf32>
          %convert_element_type3A_488 = arith.fptosi %get3A_486 : vector<16xf32> to vector<16xi32>
          %gather3A_489 = tpu.vector_load_idx %arg6[%convert_element_type3A_488] : memref<16xf32, #tpu.memory_space<vmem>>[vector<16xi32>], vector<16xf32>,
          %mul3A_490 = arith.mulf %sub3A_487, %sub3A_487 : vector<16xf32>
          %mul3A_491 = arith.mulf %mul3A_490, %gather3A_489 : vector<16xf32>
          %add3A_492 = arith.addf %add3A_464, %mul3A_491 : vector<16xf32>
          scf.yield %add3A_492 : vector<16xf32>
        }
        %scan3A_261 = arith.constant 64 : i32
        %scan3A_262 = arith.constant 0 : i32
        %scan3A_263 = arith.constant 64 : i32
        %scan3A_264 = arith.addi %scan3A_262, %scan3A_263 : i32
        %scan3A_265 = arith.constant 1 : i32
        %scan3A_266 = scf.for %scan3A_381 = %scan3A_262 to %scan3A_264 step %scan3A_265 iter_args(%scan3A_382 = %scan3A_260) -> (vector<16xf32>)  : i32 {
          %mul3A_383 = arith.constant 4 : i32
          %mul3A_384 = arith.muli %scan3A_381, %mul3A_383 : i32
          %add3A_385 = arith.constant 0 : i32
          %add3A_386 = arith.addi %mul3A_384, %add3A_385 : i32
          %mul3A_387 = arith.constant 16 : i32
          %mul3A_388 = arith.muli %add3A_386, %mul3A_387 : i32
          %get3A = arith.constant 1 : i32
          %get3A_389 = arith.constant 0 : i32
          %get3A_390 = arith.constant 0 : i32
          %get3A_391 = tpu.memref_slice %run_scoped3A[%rem3A_248, %get3A_389, %get3A_390] : memref<2x4x4096xf32, #tpu.memory_space<vmem>> -> memref<1x4x4096xf32, #tpu.memory_space<vmem>>
          %get3A_392 = tpu.memref_squeeze %get3A_391 : memref<1x4x4096xf32, #tpu.memory_space<vmem>> -> memref<4x4096xf32, #tpu.memory_space<vmem>>
          %get3A_393 = arith.index_cast %get3A : i32 to index
          %get3A_394 = arith.index_cast %mul3A_388 : i32 to index
          %get3A_395 = tpu.vector_load %get3A_392[%get3A_393, %get3A_394] {strides = array<i32>} : memref<4x4096xf32, #tpu.memory_space<vmem>>, vector<16xf32>,
          %get3A_396 = arith.constant 1 : i32
          %get3A_397 = arith.constant 0 : i32
          %get3A_398 = arith.constant 0 : i32
          %get3A_399 = tpu.memref_slice %run_scoped3A_8[%rem3A_250, %get3A_397, %get3A_398] : memref<2x4x4096xf32, #tpu.memory_space<vmem>> -> memref<1x4x4096xf32, #tpu.memory_space<vmem>>
          %get3A_400 = tpu.memref_squeeze %get3A_399 : memref<1x4x4096xf32, #tpu.memory_space<vmem>> -> memref<4x4096xf32, #tpu.memory_space<vmem>>
          %get3A_401 = arith.index_cast %get3A_396 : i32 to index
          %get3A_402 = arith.index_cast %mul3A_388 : i32 to index
          %get3A_403 = tpu.vector_load %get3A_400[%get3A_401, %get3A_402] {strides = array<i32>} : memref<4x4096xf32, #tpu.memory_space<vmem>>, vector<16xf32>,
          %sub3A_404 = arith.subf %get3A_395, %get3A_403 : vector<16xf32>
          %convert_element_type3A_405 = arith.fptosi %get3A_403 : vector<16xf32> to vector<16xi32>
          %gather3A = tpu.vector_load_idx %arg6[%convert_element_type3A_405] : memref<16xf32, #tpu.memory_space<vmem>>[vector<16xi32>], vector<16xf32>,
          %mul3A_406 = arith.mulf %sub3A_404, %sub3A_404 : vector<16xf32>
          %mul3A_407 = arith.mulf %mul3A_406, %gather3A : vector<16xf32>
          %add3A_408 = arith.addf %scan3A_382, %mul3A_407 : vector<16xf32>
          %mul3A_409 = arith.constant 4 : i32
          %mul3A_410 = arith.muli %scan3A_381, %mul3A_409 : i32
          %add3A_411 = arith.constant 1 : i32
          %add3A_412 = arith.addi %mul3A_410, %add3A_411 : i32
          %mul3A_413 = arith.constant 16 : i32
          %mul3A_414 = arith.muli %add3A_412, %mul3A_413 : i32
          %get3A_415 = arith.constant 1 : i32
          %get3A_416 = arith.constant 0 : i32
          %get3A_417 = arith.constant 0 : i32
          %get3A_418 = tpu.memref_slice %run_scoped3A[%rem3A_248, %get3A_416, %get3A_417] : memref<2x4x4096xf32, #tpu.memory_space<vmem>> -> memref<1x4x4096xf32, #tpu.memory_space<vmem>>
          %get3A_419 = tpu.memref_squeeze %get3A_418 : memref<1x4x4096xf32, #tpu.memory_space<vmem>> -> memref<4x4096xf32, #tpu.memory_space<vmem>>
          %get3A_420 = arith.index_cast %get3A_415 : i32 to index
          %get3A_421 = arith.index_cast %mul3A_414 : i32 to index
          %get3A_422 = tpu.vector_load %get3A_419[%get3A_420, %get3A_421] {strides = array<i32>} : memref<4x4096xf32, #tpu.memory_space<vmem>>, vector<16xf32>,
          %get3A_423 = arith.constant 1 : i32
          %get3A_424 = arith.constant 0 : i32
          %get3A_425 = arith.constant 0 : i32
          %get3A_426 = tpu.memref_slice %run_scoped3A_8[%rem3A_250, %get3A_424, %get3A_425] : memref<2x4x4096xf32, #tpu.memory_space<vmem>> -> memref<1x4x4096xf32, #tpu.memory_space<vmem>>
          %get3A_427 = tpu.memref_squeeze %get3A_426 : memref<1x4x4096xf32, #tpu.memory_space<vmem>> -> memref<4x4096xf32, #tpu.memory_space<vmem>>
          %get3A_428 = arith.index_cast %get3A_423 : i32 to index
          %get3A_429 = arith.index_cast %mul3A_414 : i32 to index
          %get3A_430 = tpu.vector_load %get3A_427[%get3A_428, %get3A_429] {strides = array<i32>} : memref<4x4096xf32, #tpu.memory_space<vmem>>, vector<16xf32>,
          %sub3A_431 = arith.subf %get3A_422, %get3A_430 : vector<16xf32>
          %convert_element_type3A_432 = arith.fptosi %get3A_430 : vector<16xf32> to vector<16xi32>
          %gather3A_433 = tpu.vector_load_idx %arg6[%convert_element_type3A_432] : memref<16xf32, #tpu.memory_space<vmem>>[vector<16xi32>], vector<16xf32>,
          %mul3A_434 = arith.mulf %sub3A_431, %sub3A_431 : vector<16xf32>
          %mul3A_435 = arith.mulf %mul3A_434, %gather3A_433 : vector<16xf32>
          %add3A_436 = arith.addf %add3A_408, %mul3A_435 : vector<16xf32>
          %mul3A_437 = arith.constant 4 : i32
          %mul3A_438 = arith.muli %scan3A_381, %mul3A_437 : i32
          %add3A_439 = arith.constant 2 : i32
          %add3A_440 = arith.addi %mul3A_438, %add3A_439 : i32
          %mul3A_441 = arith.constant 16 : i32
          %mul3A_442 = arith.muli %add3A_440, %mul3A_441 : i32
          %get3A_443 = arith.constant 1 : i32
          %get3A_444 = arith.constant 0 : i32
          %get3A_445 = arith.constant 0 : i32
          %get3A_446 = tpu.memref_slice %run_scoped3A[%rem3A_248, %get3A_444, %get3A_445] : memref<2x4x4096xf32, #tpu.memory_space<vmem>> -> memref<1x4x4096xf32, #tpu.memory_space<vmem>>
          %get3A_447 = tpu.memref_squeeze %get3A_446 : memref<1x4x4096xf32, #tpu.memory_space<vmem>> -> memref<4x4096xf32, #tpu.memory_space<vmem>>
          %get3A_448 = arith.index_cast %get3A_443 : i32 to index
          %get3A_449 = arith.index_cast %mul3A_442 : i32 to index
          %get3A_450 = tpu.vector_load %get3A_447[%get3A_448, %get3A_449] {strides = array<i32>} : memref<4x4096xf32, #tpu.memory_space<vmem>>, vector<16xf32>,
          %get3A_451 = arith.constant 1 : i32
          %get3A_452 = arith.constant 0 : i32
          %get3A_453 = arith.constant 0 : i32
          %get3A_454 = tpu.memref_slice %run_scoped3A_8[%rem3A_250, %get3A_452, %get3A_453] : memref<2x4x4096xf32, #tpu.memory_space<vmem>> -> memref<1x4x4096xf32, #tpu.memory_space<vmem>>
          %get3A_455 = tpu.memref_squeeze %get3A_454 : memref<1x4x4096xf32, #tpu.memory_space<vmem>> -> memref<4x4096xf32, #tpu.memory_space<vmem>>
          %get3A_456 = arith.index_cast %get3A_451 : i32 to index
          %get3A_457 = arith.index_cast %mul3A_442 : i32 to index
          %get3A_458 = tpu.vector_load %get3A_455[%get3A_456, %get3A_457] {strides = array<i32>} : memref<4x4096xf32, #tpu.memory_space<vmem>>, vector<16xf32>,
          %sub3A_459 = arith.subf %get3A_450, %get3A_458 : vector<16xf32>
          %convert_element_type3A_460 = arith.fptosi %get3A_458 : vector<16xf32> to vector<16xi32>
          %gather3A_461 = tpu.vector_load_idx %arg6[%convert_element_type3A_460] : memref<16xf32, #tpu.memory_space<vmem>>[vector<16xi32>], vector<16xf32>,
          %mul3A_462 = arith.mulf %sub3A_459, %sub3A_459 : vector<16xf32>
          %mul3A_463 = arith.mulf %mul3A_462, %gather3A_461 : vector<16xf32>
          %add3A_464 = arith.addf %add3A_436, %mul3A_463 : vector<16xf32>
          %mul3A_465 = arith.constant 4 : i32
          %mul3A_466 = arith.muli %scan3A_381, %mul3A_465 : i32
          %add3A_467 = arith.constant 3 : i32
          %add3A_468 = arith.addi %mul3A_466, %add3A_467 : i32
          %mul3A_469 = arith.constant 16 : i32
          %mul3A_470 = arith.muli %add3A_468, %mul3A_469 : i32
          %get3A_471 = arith.constant 1 : i32
          %get3A_472 = arith.constant 0 : i32
          %get3A_473 = arith.constant 0 : i32
          %get3A_474 = tpu.memref_slice %run_scoped3A[%rem3A_248, %get3A_472, %get3A_473] : memref<2x4x4096xf32, #tpu.memory_space<vmem>> -> memref<1x4x4096xf32, #tpu.memory_space<vmem>>
          %get3A_475 = tpu.memref_squeeze %get3A_474 : memref<1x4x4096xf32, #tpu.memory_space<vmem>> -> memref<4x4096xf32, #tpu.memory_space<vmem>>
          %get3A_476 = arith.index_cast %get3A_471 : i32 to index
          %get3A_477 = arith.index_cast %mul3A_470 : i32 to index
          %get3A_478 = tpu.vector_load %get3A_475[%get3A_476, %get3A_477] {strides = array<i32>} : memref<4x4096xf32, #tpu.memory_space<vmem>>, vector<16xf32>,
          %get3A_479 = arith.constant 1 : i32
          %get3A_480 = arith.constant 0 : i32
          %get3A_481 = arith.constant 0 : i32
          %get3A_482 = tpu.memref_slice %run_scoped3A_8[%rem3A_250, %get3A_480, %get3A_481] : memref<2x4x4096xf32, #tpu.memory_space<vmem>> -> memref<1x4x4096xf32, #tpu.memory_space<vmem>>
          %get3A_483 = tpu.memref_squeeze %get3A_482 : memref<1x4x4096xf32, #tpu.memory_space<vmem>> -> memref<4x4096xf32, #tpu.memory_space<vmem>>
          %get3A_484 = arith.index_cast %get3A_479 : i32 to index
          %get3A_485 = arith.index_cast %mul3A_470 : i32 to index
          %get3A_486 = tpu.vector_load %get3A_483[%get3A_484, %get3A_485] {strides = array<i32>} : memref<4x4096xf32, #tpu.memory_space<vmem>>, vector<16xf32>,
          %sub3A_487 = arith.subf %get3A_478, %get3A_486 : vector<16xf32>
          %convert_element_type3A_488 = arith.fptosi %get3A_486 : vector<16xf32> to vector<16xi32>
          %gather3A_489 = tpu.vector_load_idx %arg6[%convert_element_type3A_488] : memref<16xf32, #tpu.memory_space<vmem>>[vector<16xi32>], vector<16xf32>,
          %mul3A_490 = arith.mulf %sub3A_487, %sub3A_487 : vector<16xf32>
          %mul3A_491 = arith.mulf %mul3A_490, %gather3A_489 : vector<16xf32>
          %add3A_492 = arith.addf %add3A_464, %mul3A_491 : vector<16xf32>
          scf.yield %add3A_492 : vector<16xf32>
        }
        %scan3A_267 = arith.constant 64 : i32
        %scan3A_268 = arith.constant 0 : i32
        %scan3A_269 = arith.constant 64 : i32
        %scan3A_270 = arith.addi %scan3A_268, %scan3A_269 : i32
        %scan3A_271 = arith.constant 1 : i32
        %scan3A_272 = scf.for %scan3A_381 = %scan3A_268 to %scan3A_270 step %scan3A_271 iter_args(%scan3A_382 = %scan3A_266) -> (vector<16xf32>)  : i32 {
          %mul3A_383 = arith.constant 4 : i32
          %mul3A_384 = arith.muli %scan3A_381, %mul3A_383 : i32
          %add3A_385 = arith.constant 0 : i32
          %add3A_386 = arith.addi %mul3A_384, %add3A_385 : i32
          %mul3A_387 = arith.constant 16 : i32
          %mul3A_388 = arith.muli %add3A_386, %mul3A_387 : i32
          %get3A = arith.constant 2 : i32
          %get3A_389 = arith.constant 0 : i32
          %get3A_390 = arith.constant 0 : i32
          %get3A_391 = tpu.memref_slice %run_scoped3A[%rem3A_248, %get3A_389, %get3A_390] : memref<2x4x4096xf32, #tpu.memory_space<vmem>> -> memref<1x4x4096xf32, #tpu.memory_space<vmem>>
          %get3A_392 = tpu.memref_squeeze %get3A_391 : memref<1x4x4096xf32, #tpu.memory_space<vmem>> -> memref<4x4096xf32, #tpu.memory_space<vmem>>
          %get3A_393 = arith.index_cast %get3A : i32 to index
          %get3A_394 = arith.index_cast %mul3A_388 : i32 to index
          %get3A_395 = tpu.vector_load %get3A_392[%get3A_393, %get3A_394] {strides = array<i32>} : memref<4x4096xf32, #tpu.memory_space<vmem>>, vector<16xf32>,
          %get3A_396 = arith.constant 2 : i32
          %get3A_397 = arith.constant 0 : i32
          %get3A_398 = arith.constant 0 : i32
          %get3A_399 = tpu.memref_slice %run_scoped3A_8[%rem3A_250, %get3A_397, %get3A_398] : memref<2x4x4096xf32, #tpu.memory_space<vmem>> -> memref<1x4x4096xf32, #tpu.memory_space<vmem>>
          %get3A_400 = tpu.memref_squeeze %get3A_399 : memref<1x4x4096xf32, #tpu.memory_space<vmem>> -> memref<4x4096xf32, #tpu.memory_space<vmem>>
          %get3A_401 = arith.index_cast %get3A_396 : i32 to index
          %get3A_402 = arith.index_cast %mul3A_388 : i32 to index
          %get3A_403 = tpu.vector_load %get3A_400[%get3A_401, %get3A_402] {strides = array<i32>} : memref<4x4096xf32, #tpu.memory_space<vmem>>, vector<16xf32>,
          %sub3A_404 = arith.subf %get3A_395, %get3A_403 : vector<16xf32>
          %convert_element_type3A_405 = arith.fptosi %get3A_403 : vector<16xf32> to vector<16xi32>
          %gather3A = tpu.vector_load_idx %arg6[%convert_element_type3A_405] : memref<16xf32, #tpu.memory_space<vmem>>[vector<16xi32>], vector<16xf32>,
          %mul3A_406 = arith.mulf %sub3A_404, %sub3A_404 : vector<16xf32>
          %mul3A_407 = arith.mulf %mul3A_406, %gather3A : vector<16xf32>
          %add3A_408 = arith.addf %scan3A_382, %mul3A_407 : vector<16xf32>
          %mul3A_409 = arith.constant 4 : i32
          %mul3A_410 = arith.muli %scan3A_381, %mul3A_409 : i32
          %add3A_411 = arith.constant 1 : i32
          %add3A_412 = arith.addi %mul3A_410, %add3A_411 : i32
          %mul3A_413 = arith.constant 16 : i32
          %mul3A_414 = arith.muli %add3A_412, %mul3A_413 : i32
          %get3A_415 = arith.constant 2 : i32
          %get3A_416 = arith.constant 0 : i32
          %get3A_417 = arith.constant 0 : i32
          %get3A_418 = tpu.memref_slice %run_scoped3A[%rem3A_248, %get3A_416, %get3A_417] : memref<2x4x4096xf32, #tpu.memory_space<vmem>> -> memref<1x4x4096xf32, #tpu.memory_space<vmem>>
          %get3A_419 = tpu.memref_squeeze %get3A_418 : memref<1x4x4096xf32, #tpu.memory_space<vmem>> -> memref<4x4096xf32, #tpu.memory_space<vmem>>
          %get3A_420 = arith.index_cast %get3A_415 : i32 to index
          %get3A_421 = arith.index_cast %mul3A_414 : i32 to index
          %get3A_422 = tpu.vector_load %get3A_419[%get3A_420, %get3A_421] {strides = array<i32>} : memref<4x4096xf32, #tpu.memory_space<vmem>>, vector<16xf32>,
          %get3A_423 = arith.constant 2 : i32
          %get3A_424 = arith.constant 0 : i32
          %get3A_425 = arith.constant 0 : i32
          %get3A_426 = tpu.memref_slice %run_scoped3A_8[%rem3A_250, %get3A_424, %get3A_425] : memref<2x4x4096xf32, #tpu.memory_space<vmem>> -> memref<1x4x4096xf32, #tpu.memory_space<vmem>>
          %get3A_427 = tpu.memref_squeeze %get3A_426 : memref<1x4x4096xf32, #tpu.memory_space<vmem>> -> memref<4x4096xf32, #tpu.memory_space<vmem>>
          %get3A_428 = arith.index_cast %get3A_423 : i32 to index
          %get3A_429 = arith.index_cast %mul3A_414 : i32 to index
          %get3A_430 = tpu.vector_load %get3A_427[%get3A_428, %get3A_429] {strides = array<i32>} : memref<4x4096xf32, #tpu.memory_space<vmem>>, vector<16xf32>,
          %sub3A_431 = arith.subf %get3A_422, %get3A_430 : vector<16xf32>
          %convert_element_type3A_432 = arith.fptosi %get3A_430 : vector<16xf32> to vector<16xi32>
          %gather3A_433 = tpu.vector_load_idx %arg6[%convert_element_type3A_432] : memref<16xf32, #tpu.memory_space<vmem>>[vector<16xi32>], vector<16xf32>,
          %mul3A_434 = arith.mulf %sub3A_431, %sub3A_431 : vector<16xf32>
          %mul3A_435 = arith.mulf %mul3A_434, %gather3A_433 : vector<16xf32>
          %add3A_436 = arith.addf %add3A_408, %mul3A_435 : vector<16xf32>
          %mul3A_437 = arith.constant 4 : i32
          %mul3A_438 = arith.muli %scan3A_381, %mul3A_437 : i32
          %add3A_439 = arith.constant 2 : i32
          %add3A_440 = arith.addi %mul3A_438, %add3A_439 : i32
          %mul3A_441 = arith.constant 16 : i32
          %mul3A_442 = arith.muli %add3A_440, %mul3A_441 : i32
          %get3A_443 = arith.constant 2 : i32
          %get3A_444 = arith.constant 0 : i32
          %get3A_445 = arith.constant 0 : i32
          %get3A_446 = tpu.memref_slice %run_scoped3A[%rem3A_248, %get3A_444, %get3A_445] : memref<2x4x4096xf32, #tpu.memory_space<vmem>> -> memref<1x4x4096xf32, #tpu.memory_space<vmem>>
          %get3A_447 = tpu.memref_squeeze %get3A_446 : memref<1x4x4096xf32, #tpu.memory_space<vmem>> -> memref<4x4096xf32, #tpu.memory_space<vmem>>
          %get3A_448 = arith.index_cast %get3A_443 : i32 to index
          %get3A_449 = arith.index_cast %mul3A_442 : i32 to index
          %get3A_450 = tpu.vector_load %get3A_447[%get3A_448, %get3A_449] {strides = array<i32>} : memref<4x4096xf32, #tpu.memory_space<vmem>>, vector<16xf32>,
          %get3A_451 = arith.constant 2 : i32
          %get3A_452 = arith.constant 0 : i32
          %get3A_453 = arith.constant 0 : i32
          %get3A_454 = tpu.memref_slice %run_scoped3A_8[%rem3A_250, %get3A_452, %get3A_453] : memref<2x4x4096xf32, #tpu.memory_space<vmem>> -> memref<1x4x4096xf32, #tpu.memory_space<vmem>>
          %get3A_455 = tpu.memref_squeeze %get3A_454 : memref<1x4x4096xf32, #tpu.memory_space<vmem>> -> memref<4x4096xf32, #tpu.memory_space<vmem>>
          %get3A_456 = arith.index_cast %get3A_451 : i32 to index
          %get3A_457 = arith.index_cast %mul3A_442 : i32 to index
          %get3A_458 = tpu.vector_load %get3A_455[%get3A_456, %get3A_457] {strides = array<i32>} : memref<4x4096xf32, #tpu.memory_space<vmem>>, vector<16xf32>,
          %sub3A_459 = arith.subf %get3A_450, %get3A_458 : vector<16xf32>
          %convert_element_type3A_460 = arith.fptosi %get3A_458 : vector<16xf32> to vector<16xi32>
          %gather3A_461 = tpu.vector_load_idx %arg6[%convert_element_type3A_460] : memref<16xf32, #tpu.memory_space<vmem>>[vector<16xi32>], vector<16xf32>,
          %mul3A_462 = arith.mulf %sub3A_459, %sub3A_459 : vector<16xf32>
          %mul3A_463 = arith.mulf %mul3A_462, %gather3A_461 : vector<16xf32>
          %add3A_464 = arith.addf %add3A_436, %mul3A_463 : vector<16xf32>
          %mul3A_465 = arith.constant 4 : i32
          %mul3A_466 = arith.muli %scan3A_381, %mul3A_465 : i32
          %add3A_467 = arith.constant 3 : i32
          %add3A_468 = arith.addi %mul3A_466, %add3A_467 : i32
          %mul3A_469 = arith.constant 16 : i32
          %mul3A_470 = arith.muli %add3A_468, %mul3A_469 : i32
          %get3A_471 = arith.constant 2 : i32
          %get3A_472 = arith.constant 0 : i32
          %get3A_473 = arith.constant 0 : i32
          %get3A_474 = tpu.memref_slice %run_scoped3A[%rem3A_248, %get3A_472, %get3A_473] : memref<2x4x4096xf32, #tpu.memory_space<vmem>> -> memref<1x4x4096xf32, #tpu.memory_space<vmem>>
          %get3A_475 = tpu.memref_squeeze %get3A_474 : memref<1x4x4096xf32, #tpu.memory_space<vmem>> -> memref<4x4096xf32, #tpu.memory_space<vmem>>
          %get3A_476 = arith.index_cast %get3A_471 : i32 to index
          %get3A_477 = arith.index_cast %mul3A_470 : i32 to index
          %get3A_478 = tpu.vector_load %get3A_475[%get3A_476, %get3A_477] {strides = array<i32>} : memref<4x4096xf32, #tpu.memory_space<vmem>>, vector<16xf32>,
          %get3A_479 = arith.constant 2 : i32
          %get3A_480 = arith.constant 0 : i32
          %get3A_481 = arith.constant 0 : i32
          %get3A_482 = tpu.memref_slice %run_scoped3A_8[%rem3A_250, %get3A_480, %get3A_481] : memref<2x4x4096xf32, #tpu.memory_space<vmem>> -> memref<1x4x4096xf32, #tpu.memory_space<vmem>>
          %get3A_483 = tpu.memref_squeeze %get3A_482 : memref<1x4x4096xf32, #tpu.memory_space<vmem>> -> memref<4x4096xf32, #tpu.memory_space<vmem>>
          %get3A_484 = arith.index_cast %get3A_479 : i32 to index
          %get3A_485 = arith.index_cast %mul3A_470 : i32 to index
          %get3A_486 = tpu.vector_load %get3A_483[%get3A_484, %get3A_485] {strides = array<i32>} : memref<4x4096xf32, #tpu.memory_space<vmem>>, vector<16xf32>,
          %sub3A_487 = arith.subf %get3A_478, %get3A_486 : vector<16xf32>
          %convert_element_type3A_488 = arith.fptosi %get3A_486 : vector<16xf32> to vector<16xi32>
          %gather3A_489 = tpu.vector_load_idx %arg6[%convert_element_type3A_488] : memref<16xf32, #tpu.memory_space<vmem>>[vector<16xi32>], vector<16xf32>,
          %mul3A_490 = arith.mulf %sub3A_487, %sub3A_487 : vector<16xf32>
          %mul3A_491 = arith.mulf %mul3A_490, %gather3A_489 : vector<16xf32>
          %add3A_492 = arith.addf %add3A_464, %mul3A_491 : vector<16xf32>
          scf.yield %add3A_492 : vector<16xf32>
        }
        %scan3A_273 = arith.constant 64 : i32
        %scan3A_274 = arith.constant 0 : i32
        %scan3A_275 = arith.constant 64 : i32
        %scan3A_276 = arith.addi %scan3A_274, %scan3A_275 : i32
        %scan3A_277 = arith.constant 1 : i32
        %scan3A_278 = scf.for %scan3A_381 = %scan3A_274 to %scan3A_276 step %scan3A_277 iter_args(%scan3A_382 = %scan3A_272) -> (vector<16xf32>)  : i32 {
          %mul3A_383 = arith.constant 4 : i32
          %mul3A_384 = arith.muli %scan3A_381, %mul3A_383 : i32
          %add3A_385 = arith.constant 0 : i32
          %add3A_386 = arith.addi %mul3A_384, %add3A_385 : i32
          %mul3A_387 = arith.constant 16 : i32
          %mul3A_388 = arith.muli %add3A_386, %mul3A_387 : i32
          %get3A = arith.constant 3 : i32
          %get3A_389 = arith.constant 0 : i32
          %get3A_390 = arith.constant 0 : i32
          %get3A_391 = tpu.memref_slice %run_scoped3A[%rem3A_248, %get3A_389, %get3A_390] : memref<2x4x4096xf32, #tpu.memory_space<vmem>> -> memref<1x4x4096xf32, #tpu.memory_space<vmem>>
          %get3A_392 = tpu.memref_squeeze %get3A_391 : memref<1x4x4096xf32, #tpu.memory_space<vmem>> -> memref<4x4096xf32, #tpu.memory_space<vmem>>
          %get3A_393 = arith.index_cast %get3A : i32 to index
          %get3A_394 = arith.index_cast %mul3A_388 : i32 to index
          %get3A_395 = tpu.vector_load %get3A_392[%get3A_393, %get3A_394] {strides = array<i32>} : memref<4x4096xf32, #tpu.memory_space<vmem>>, vector<16xf32>,
          %get3A_396 = arith.constant 3 : i32
          %get3A_397 = arith.constant 0 : i32
          %get3A_398 = arith.constant 0 : i32
          %get3A_399 = tpu.memref_slice %run_scoped3A_8[%rem3A_250, %get3A_397, %get3A_398] : memref<2x4x4096xf32, #tpu.memory_space<vmem>> -> memref<1x4x4096xf32, #tpu.memory_space<vmem>>
          %get3A_400 = tpu.memref_squeeze %get3A_399 : memref<1x4x4096xf32, #tpu.memory_space<vmem>> -> memref<4x4096xf32, #tpu.memory_space<vmem>>
          %get3A_401 = arith.index_cast %get3A_396 : i32 to index
          %get3A_402 = arith.index_cast %mul3A_388 : i32 to index
          %get3A_403 = tpu.vector_load %get3A_400[%get3A_401, %get3A_402] {strides = array<i32>} : memref<4x4096xf32, #tpu.memory_space<vmem>>, vector<16xf32>,
          %sub3A_404 = arith.subf %get3A_395, %get3A_403 : vector<16xf32>
          %convert_element_type3A_405 = arith.fptosi %get3A_403 : vector<16xf32> to vector<16xi32>
          %gather3A = tpu.vector_load_idx %arg6[%convert_element_type3A_405] : memref<16xf32, #tpu.memory_space<vmem>>[vector<16xi32>], vector<16xf32>,
          %mul3A_406 = arith.mulf %sub3A_404, %sub3A_404 : vector<16xf32>
          %mul3A_407 = arith.mulf %mul3A_406, %gather3A : vector<16xf32>
          %add3A_408 = arith.addf %scan3A_382, %mul3A_407 : vector<16xf32>
          %mul3A_409 = arith.constant 4 : i32
          %mul3A_410 = arith.muli %scan3A_381, %mul3A_409 : i32
          %add3A_411 = arith.constant 1 : i32
          %add3A_412 = arith.addi %mul3A_410, %add3A_411 : i32
          %mul3A_413 = arith.constant 16 : i32
          %mul3A_414 = arith.muli %add3A_412, %mul3A_413 : i32
          %get3A_415 = arith.constant 3 : i32
          %get3A_416 = arith.constant 0 : i32
          %get3A_417 = arith.constant 0 : i32
          %get3A_418 = tpu.memref_slice %run_scoped3A[%rem3A_248, %get3A_416, %get3A_417] : memref<2x4x4096xf32, #tpu.memory_space<vmem>> -> memref<1x4x4096xf32, #tpu.memory_space<vmem>>
          %get3A_419 = tpu.memref_squeeze %get3A_418 : memref<1x4x4096xf32, #tpu.memory_space<vmem>> -> memref<4x4096xf32, #tpu.memory_space<vmem>>
          %get3A_420 = arith.index_cast %get3A_415 : i32 to index
          %get3A_421 = arith.index_cast %mul3A_414 : i32 to index
          %get3A_422 = tpu.vector_load %get3A_419[%get3A_420, %get3A_421] {strides = array<i32>} : memref<4x4096xf32, #tpu.memory_space<vmem>>, vector<16xf32>,
          %get3A_423 = arith.constant 3 : i32
          %get3A_424 = arith.constant 0 : i32
          %get3A_425 = arith.constant 0 : i32
          %get3A_426 = tpu.memref_slice %run_scoped3A_8[%rem3A_250, %get3A_424, %get3A_425] : memref<2x4x4096xf32, #tpu.memory_space<vmem>> -> memref<1x4x4096xf32, #tpu.memory_space<vmem>>
          %get3A_427 = tpu.memref_squeeze %get3A_426 : memref<1x4x4096xf32, #tpu.memory_space<vmem>> -> memref<4x4096xf32, #tpu.memory_space<vmem>>
          %get3A_428 = arith.index_cast %get3A_423 : i32 to index
          %get3A_429 = arith.index_cast %mul3A_414 : i32 to index
          %get3A_430 = tpu.vector_load %get3A_427[%get3A_428, %get3A_429] {strides = array<i32>} : memref<4x4096xf32, #tpu.memory_space<vmem>>, vector<16xf32>,
          %sub3A_431 = arith.subf %get3A_422, %get3A_430 : vector<16xf32>
          %convert_element_type3A_432 = arith.fptosi %get3A_430 : vector<16xf32> to vector<16xi32>
          %gather3A_433 = tpu.vector_load_idx %arg6[%convert_element_type3A_432] : memref<16xf32, #tpu.memory_space<vmem>>[vector<16xi32>], vector<16xf32>,
          %mul3A_434 = arith.mulf %sub3A_431, %sub3A_431 : vector<16xf32>
          %mul3A_435 = arith.mulf %mul3A_434, %gather3A_433 : vector<16xf32>
          %add3A_436 = arith.addf %add3A_408, %mul3A_435 : vector<16xf32>
          %mul3A_437 = arith.constant 4 : i32
          %mul3A_438 = arith.muli %scan3A_381, %mul3A_437 : i32
          %add3A_439 = arith.constant 2 : i32
          %add3A_440 = arith.addi %mul3A_438, %add3A_439 : i32
          %mul3A_441 = arith.constant 16 : i32
          %mul3A_442 = arith.muli %add3A_440, %mul3A_441 : i32
          %get3A_443 = arith.constant 3 : i32
          %get3A_444 = arith.constant 0 : i32
          %get3A_445 = arith.constant 0 : i32
          %get3A_446 = tpu.memref_slice %run_scoped3A[%rem3A_248, %get3A_444, %get3A_445] : memref<2x4x4096xf32, #tpu.memory_space<vmem>> -> memref<1x4x4096xf32, #tpu.memory_space<vmem>>
          %get3A_447 = tpu.memref_squeeze %get3A_446 : memref<1x4x4096xf32, #tpu.memory_space<vmem>> -> memref<4x4096xf32, #tpu.memory_space<vmem>>
          %get3A_448 = arith.index_cast %get3A_443 : i32 to index
          %get3A_449 = arith.index_cast %mul3A_442 : i32 to index
          %get3A_450 = tpu.vector_load %get3A_447[%get3A_448, %get3A_449] {strides = array<i32>} : memref<4x4096xf32, #tpu.memory_space<vmem>>, vector<16xf32>,
          %get3A_451 = arith.constant 3 : i32
          %get3A_452 = arith.constant 0 : i32
          %get3A_453 = arith.constant 0 : i32
          %get3A_454 = tpu.memref_slice %run_scoped3A_8[%rem3A_250, %get3A_452, %get3A_453] : memref<2x4x4096xf32, #tpu.memory_space<vmem>> -> memref<1x4x4096xf32, #tpu.memory_space<vmem>>
          %get3A_455 = tpu.memref_squeeze %get3A_454 : memref<1x4x4096xf32, #tpu.memory_space<vmem>> -> memref<4x4096xf32, #tpu.memory_space<vmem>>
          %get3A_456 = arith.index_cast %get3A_451 : i32 to index
          %get3A_457 = arith.index_cast %mul3A_442 : i32 to index
          %get3A_458 = tpu.vector_load %get3A_455[%get3A_456, %get3A_457] {strides = array<i32>} : memref<4x4096xf32, #tpu.memory_space<vmem>>, vector<16xf32>,
          %sub3A_459 = arith.subf %get3A_450, %get3A_458 : vector<16xf32>
          %convert_element_type3A_460 = arith.fptosi %get3A_458 : vector<16xf32> to vector<16xi32>
          %gather3A_461 = tpu.vector_load_idx %arg6[%convert_element_type3A_460] : memref<16xf32, #tpu.memory_space<vmem>>[vector<16xi32>], vector<16xf32>,
          %mul3A_462 = arith.mulf %sub3A_459, %sub3A_459 : vector<16xf32>
          %mul3A_463 = arith.mulf %mul3A_462, %gather3A_461 : vector<16xf32>
          %add3A_464 = arith.addf %add3A_436, %mul3A_463 : vector<16xf32>
          %mul3A_465 = arith.constant 4 : i32
          %mul3A_466 = arith.muli %scan3A_381, %mul3A_465 : i32
          %add3A_467 = arith.constant 3 : i32
          %add3A_468 = arith.addi %mul3A_466, %add3A_467 : i32
          %mul3A_469 = arith.constant 16 : i32
          %mul3A_470 = arith.muli %add3A_468, %mul3A_469 : i32
          %get3A_471 = arith.constant 3 : i32
          %get3A_472 = arith.constant 0 : i32
          %get3A_473 = arith.constant 0 : i32
          %get3A_474 = tpu.memref_slice %run_scoped3A[%rem3A_248, %get3A_472, %get3A_473] : memref<2x4x4096xf32, #tpu.memory_space<vmem>> -> memref<1x4x4096xf32, #tpu.memory_space<vmem>>
          %get3A_475 = tpu.memref_squeeze %get3A_474 : memref<1x4x4096xf32, #tpu.memory_space<vmem>> -> memref<4x4096xf32, #tpu.memory_space<vmem>>
          %get3A_476 = arith.index_cast %get3A_471 : i32 to index
          %get3A_477 = arith.index_cast %mul3A_470 : i32 to index
          %get3A_478 = tpu.vector_load %get3A_475[%get3A_476, %get3A_477] {strides = array<i32>} : memref<4x4096xf32, #tpu.memory_space<vmem>>, vector<16xf32>,
          %get3A_479 = arith.constant 3 : i32
          %get3A_480 = arith.constant 0 : i32
          %get3A_481 = arith.constant 0 : i32
          %get3A_482 = tpu.memref_slice %run_scoped3A_8[%rem3A_250, %get3A_480, %get3A_481] : memref<2x4x4096xf32, #tpu.memory_space<vmem>> -> memref<1x4x4096xf32, #tpu.memory_space<vmem>>
          %get3A_483 = tpu.memref_squeeze %get3A_482 : memref<1x4x4096xf32, #tpu.memory_space<vmem>> -> memref<4x4096xf32, #tpu.memory_space<vmem>>
          %get3A_484 = arith.index_cast %get3A_479 : i32 to index
          %get3A_485 = arith.index_cast %mul3A_470 : i32 to index
          %get3A_486 = tpu.vector_load %get3A_483[%get3A_484, %get3A_485] {strides = array<i32>} : memref<4x4096xf32, #tpu.memory_space<vmem>>, vector<16xf32>,
          %sub3A_487 = arith.subf %get3A_478, %get3A_486 : vector<16xf32>
          %convert_element_type3A_488 = arith.fptosi %get3A_486 : vector<16xf32> to vector<16xi32>
          %gather3A_489 = tpu.vector_load_idx %arg6[%convert_element_type3A_488] : memref<16xf32, #tpu.memory_space<vmem>>[vector<16xi32>], vector<16xf32>,
          %mul3A_490 = arith.mulf %sub3A_487, %sub3A_487 : vector<16xf32>
          %mul3A_491 = arith.mulf %mul3A_490, %gather3A_489 : vector<16xf32>
          %add3A_492 = arith.addf %add3A_464, %mul3A_491 : vector<16xf32>
          scf.yield %add3A_492 : vector<16xf32>
        }
        %scan3A_279 = arith.constant 64 : i32
        %swap3A = arith.index_cast %mul3A_254 : i32 to index
        %swap3A_280 = tpu.vector_load %run_scoped3A_10[%swap3A] {strides = array<i32>} : memref<32xf32, #tpu.memory_space<vmem>>, vector<16xf32>,
        tpu.vector_store %run_scoped3A_10[%swap3A], %scan3A_278 {strides = array<i32>} : memref<32xf32, #tpu.memory_space<vmem>>, vector<16xf32>,
        "tpu.trace_stop"() : () -> ()
        %ne3A_281 = arith.cmpi ne, %add3A_157, %add3A_175 : i32
        %or3A_282 = arith.constant false
        %or3A_283 = arith.ori %or3A_282, %ne3A_281 : i1
        %or3A_284 = arith.constant false
        %or3A_285 = arith.ori %or3A_283, %or3A_284 : i1
        %or3A_286 = arith.ori %or3A_285, %eq3A_156 : i1
        %convert_element_type3A_287 = arith.extui %or3A_286 : i1 to i32
        %cond3A_288 = arith.constant 0 : i32
        %cond3A_289 = arith.cmpi ne, %convert_element_type3A_287, %cond3A_288 : i32
        scf.if %cond3A_289 {
        } else {
        }
        %and3A_290 = arith.constant false
        %and3A_291 = arith.andi %or3A_286, %and3A_290 : i1
        %ne3A_292 = arith.cmpi ne, %add3A_157, %add3A_175 : i32
        %or3A_293 = arith.constant false
        %or3A_294 = arith.ori %or3A_293, %ne3A_292 : i1
        %or3A_295 = arith.constant false
        %or3A_296 = arith.ori %or3A_294, %or3A_295 : i1
        %or3A_297 = arith.ori %or3A_296, %eq3A_156 : i1
        %convert_element_type3A_298 = arith.extui %or3A_297 : i1 to i32
        %cond3A_299 = arith.constant 0 : i32
        %cond3A_300 = arith.cmpi ne, %convert_element_type3A_298, %cond3A_299 : i32
        scf.if %cond3A_300 {
        } else {
        }
        %and3A_301 = arith.constant false
        %and3A_302 = arith.andi %or3A_297, %and3A_301 : i1
        %ne3A_303 = arith.cmpi ne, %add3A_157, %add3A_175 : i32
        %or3A_304 = arith.constant false
        %or3A_305 = arith.ori %or3A_304, %ne3A_303 : i1
        %or3A_306 = arith.ori %or3A_305, %eq3A_156 : i1
        %convert_element_type3A_307 = arith.extui %or3A_306 : i1 to i32
        %cond3A_308 = arith.constant 0 : i32
        %cond3A_309 = arith.cmpi ne, %convert_element_type3A_307, %cond3A_308 : i32
        scf.if %cond3A_309 {
          "tpu.trace_start"() <{level = 10 : i32, message = "ep_copy_out"}> : () -> ()
          %rem3A_381 = arith.constant 2 : i32
          %rem3A_382 = arith.remui %scan3A_150, %rem3A_381 : i32
          %mul3A_383 = arith.constant 16 : i32
          %mul3A_384 = arith.muli %mul3A_383, %add3A_157 : i32
          %mul3A_385 = arith.constant 16 : i32
          %mul3A_386 = arith.muli %rem3A_382, %mul3A_385 : i32
          %add3A_387 = arith.constant 0 : i32
          %add3A_388 = arith.addi %mul3A_386, %add3A_387 : i32
          %dma_start3A_389 = tpu.memref_slice %run_scoped3A_10[%add3A_388] : memref<32xf32, #tpu.memory_space<vmem>> -> memref<16xf32, #tpu.memory_space<vmem>>
          %dma_start3A_390 = tpu.memref_slice %arg5[%mul3A_384] : memref<15360xf32, #tpu.memory_space<hbm>> -> memref<16xf32, #tpu.memory_space<hbm>>
          %dma_start3A_391 = tpu.memref_slice %run_scoped3A_11[%rem3A_382] : memref<2x!tpu.dma_semaphore, #tpu.memory_space<semaphore_mem>> -> memref<1x!tpu.dma_semaphore, #tpu.memory_space<semaphore_mem>>
          %dma_start3A_392 = tpu.memref_squeeze %dma_start3A_391 : memref<1x!tpu.dma_semaphore, #tpu.memory_space<semaphore_mem>> -> memref<!tpu.dma_semaphore, #tpu.memory_space<semaphore_mem>>
          %dma_start3A_393 = tpu.memref_slice %arg5[%mul3A_384] : memref<15360xf32, #tpu.memory_space<hbm>> -> memref<16xf32, #tpu.memory_space<hbm>>
          %dma_start3A_394 = tpu.memref_slice %run_scoped3A_10[%add3A_388] : memref<32xf32, #tpu.memory_space<vmem>> -> memref<16xf32, #tpu.memory_space<vmem>>
          tpu.enqueue_dma source(%dma_start3A_394 : memref<16xf32, #tpu.memory_space<vmem>>) target(%dma_start3A_393 : memref<16xf32, #tpu.memory_space<hbm>>) target_semaphore(%dma_start3A_392 : memref<!tpu.dma_semaphore, #tpu.memory_space<semaphore_mem>>)
          "tpu.trace_stop"() : () -> ()
        } else {
        }
        %and3A_310 = arith.constant true
        %and3A_311 = arith.andi %or3A_306, %and3A_310 : i1
        %add3A_312 = arith.constant 1 : i32
        %add3A_313 = arith.addi %scan3A_150, %add3A_312 : i32
        %select_n3A_314 = arith.select %and3A_311, %add3A_313, %scan3A_150 : i32
        %ne3A_315 = arith.cmpi ne, %add3A_157, %add3A_166 : i32
        %or3A_316 = arith.constant false
        %or3A_317 = arith.ori %or3A_316, %ne3A_315 : i1
        %or3A_318 = arith.constant false
        %or3A_319 = arith.ori %or3A_317, %or3A_318 : i1
        %not3A_320 = arith.constant true
        %not3A_321 = arith.xori %eq3A_154, %not3A_320 : i1
        %and3A_322 = arith.andi %or3A_319, %not3A_321 : i1
        %convert_element_type3A_323 = arith.extui %and3A_322 : i1 to i32
        %cond3A_324 = arith.constant 0 : i32
        %cond3A_325 = arith.cmpi ne, %convert_element_type3A_323, %cond3A_324 : i32
        scf.if %cond3A_325 {
        } else {
        }
        %and3A_326 = arith.constant false
        %and3A_327 = arith.andi %and3A_322, %and3A_326 : i1
        %ne3A_328 = arith.cmpi ne, %add3A_157, %add3A_166 : i32
        %or3A_329 = arith.constant false
        %or3A_330 = arith.ori %or3A_329, %ne3A_328 : i1
        %or3A_331 = arith.constant false
        %or3A_332 = arith.ori %or3A_330, %or3A_331 : i1
        %not3A_333 = arith.constant true
        %not3A_334 = arith.xori %eq3A_154, %not3A_333 : i1
        %and3A_335 = arith.andi %or3A_332, %not3A_334 : i1
        %convert_element_type3A_336 = arith.extui %and3A_335 : i1 to i32
        %cond3A_337 = arith.constant 0 : i32
        %cond3A_338 = arith.cmpi ne, %convert_element_type3A_336, %cond3A_337 : i32
        scf.if %cond3A_338 {
        } else {
        }
        %and3A_339 = arith.constant false
        %and3A_340 = arith.andi %and3A_335, %and3A_339 : i1
        %ne3A_341 = arith.cmpi ne, %add3A_157, %add3A_166 : i32
        %or3A_342 = arith.constant false
        %or3A_343 = arith.ori %or3A_342, %ne3A_341 : i1
        %not3A_344 = arith.constant true
        %not3A_345 = arith.xori %eq3A_154, %not3A_344 : i1
        %and3A_346 = arith.andi %or3A_343, %not3A_345 : i1
        %convert_element_type3A_347 = arith.extui %and3A_346 : i1 to i32
        %cond3A_348 = arith.constant 0 : i32
        %cond3A_349 = arith.cmpi ne, %convert_element_type3A_347, %cond3A_348 : i32
        scf.if %cond3A_349 {
          "tpu.trace_start"() <{level = 10 : i32, message = "ep_wait_out"}> : () -> ()
          %rem3A_381 = arith.constant 2 : i32
          %rem3A_382 = arith.remui %scan3A_151, %rem3A_381 : i32
          %mul3A_383 = arith.constant 16 : i32
          %mul3A_384 = arith.muli %mul3A_383, %add3A_166 : i32
          %mul3A_385 = arith.constant 16 : i32
          %mul3A_386 = arith.muli %rem3A_382, %mul3A_385 : i32
          %add3A_387 = arith.constant 0 : i32
          %add3A_388 = arith.addi %mul3A_386, %add3A_387 : i32
          %dma_wait3A_389 = tpu.memref_slice %run_scoped3A_10[%add3A_388] : memref<32xf32, #tpu.memory_space<vmem>> -> memref<16xf32, #tpu.memory_space<vmem>>
          %dma_wait3A_390 = tpu.memref_slice %arg5[%mul3A_384] : memref<15360xf32, #tpu.memory_space<hbm>> -> memref<16xf32, #tpu.memory_space<hbm>>
          %dma_wait3A_391 = tpu.memref_slice %run_scoped3A_11[%rem3A_382] : memref<2x!tpu.dma_semaphore, #tpu.memory_space<semaphore_mem>> -> memref<1x!tpu.dma_semaphore, #tpu.memory_space<semaphore_mem>>
          %dma_wait3A_392 = tpu.memref_squeeze %dma_wait3A_391 : memref<1x!tpu.dma_semaphore, #tpu.memory_space<semaphore_mem>> -> memref<!tpu.dma_semaphore, #tpu.memory_space<semaphore_mem>>
          %dma_wait3A_393 = tpu.memref_slice %arg5[%mul3A_384] : memref<15360xf32, #tpu.memory_space<hbm>> -> memref<16xf32, #tpu.memory_space<hbm>>
          %dma_wait3A_394 = tpu.memref_slice %run_scoped3A_10[%add3A_388] : memref<32xf32, #tpu.memory_space<vmem>> -> memref<16xf32, #tpu.memory_space<vmem>>
          tpu.wait_dma2 semaphore(%dma_wait3A_392 : memref<!tpu.dma_semaphore, #tpu.memory_space<semaphore_mem>>) src(%dma_wait3A_394 : memref<16xf32, #tpu.memory_space<vmem>>) dst(%dma_wait3A_393 : memref<16xf32, #tpu.memory_space<hbm>>)
          "tpu.trace_stop"() : () -> ()
        } else {
        }
        %and3A_350 = arith.constant true
        %and3A_351 = arith.andi %and3A_346, %and3A_350 : i1
        %add3A_352 = arith.constant 1 : i32
        %add3A_353 = arith.addi %scan3A_151, %add3A_352 : i32
        %select_n3A_354 = arith.select %and3A_351, %add3A_353, %scan3A_151 : i32
        %ne3A_355 = arith.cmpi ne, %add3A_157, %add3A_175 : i32
        %or3A_356 = arith.constant false
        %or3A_357 = arith.ori %or3A_356, %ne3A_355 : i1
        %or3A_358 = arith.constant false
        %or3A_359 = arith.ori %or3A_357, %or3A_358 : i1
        %or3A_360 = arith.ori %or3A_359, %eq3A_156 : i1
        %add3A_361 = arith.constant 1 : i32
        %add3A_362 = arith.addi %scan3A_147, %add3A_361 : i32
        %select_n3A_363 = arith.select %or3A_360, %add3A_362, %scan3A_147 : i32
        %ne3A_364 = arith.cmpi ne, %add3A_157, %add3A_175 : i32
        %or3A_365 = arith.constant false
        %or3A_366 = arith.ori %or3A_365, %ne3A_364 : i1
        %or3A_367 = arith.constant false
        %or3A_368 = arith.ori %or3A_366, %or3A_367 : i1
        %or3A_369 = arith.ori %or3A_368, %eq3A_156 : i1
        %add3A_370 = arith.constant 1 : i32
        %add3A_371 = arith.addi %scan3A_149, %add3A_370 : i32
        %select_n3A_372 = arith.select %or3A_369, %add3A_371, %scan3A_149 : i32
        %add3A_373 = arith.constant 1 : i32
        %add3A_374 = arith.addi %scan3A_152, %add3A_373 : i32
        %select_n3A_375 = arith.constant true
        %select_n3A_376 = arith.select %select_n3A_375, %add3A_374, %scan3A_152 : i32
        %eq3A_377 = arith.constant 60 : i32
        %eq3A_378 = arith.cmpi eq, %select_n3A_376, %eq3A_377 : i32
        %select_n3A_379 = arith.constant 0 : i32
        %select_n3A_380 = arith.select %eq3A_378, %select_n3A_379, %select_n3A_376 : i32
        scf.yield %select_n3A_195, %select_n3A_363, %select_n3A_213, %select_n3A_372, %select_n3A_314, %select_n3A_354, %select_n3A_380 : i32, i32, i32, i32, i32, i32, i32
      }
      %scan3A_96 = arith.constant 60 : i32
      %sub3A = arith.constant 1 : i32
      %sub3A_97 = arith.subi %scan3A_95#6, %sub3A : i32
      %select_n3A_98 = arith.constant true
      %select_n3A_99 = arith.select %select_n3A_98, %sub3A_97, %scan3A_95#6 : i32
      %eq3A_100 = arith.constant -1 : i32
      %eq3A_101 = arith.cmpi eq, %select_n3A_99, %eq3A_100 : i32
      %select_n3A_102 = arith.constant 59 : i32
      %select_n3A_103 = arith.select %eq3A_101, %select_n3A_102, %select_n3A_99 : i32
      %add3A_104 = arith.addi %select_n3A_103, %mul3A_6 : i32
      %sub3A_105 = arith.constant 1 : i32
      %sub3A_106 = arith.subi %select_n3A_103, %sub3A_105 : i32
      %select_n3A_107 = arith.constant true
      %select_n3A_108 = arith.select %select_n3A_107, %sub3A_106, %select_n3A_103 : i32
      %eq3A_109 = arith.constant -1 : i32
      %eq3A_110 = arith.cmpi eq, %select_n3A_108, %eq3A_109 : i32
      %select_n3A_111 = arith.constant 59 : i32
      %select_n3A_112 = arith.select %eq3A_110, %select_n3A_111, %select_n3A_108 : i32
      %add3A_113 = arith.addi %select_n3A_112, %mul3A_6 : i32
      %add3A_114 = arith.constant 1 : i32
      %add3A_115 = arith.addi %select_n3A_103, %add3A_114 : i32
      %select_n3A_116 = arith.constant true
      %select_n3A_117 = arith.select %select_n3A_116, %add3A_115, %select_n3A_103 : i32
      %eq3A_118 = arith.constant 60 : i32
      %eq3A_119 = arith.cmpi eq, %select_n3A_117, %eq3A_118 : i32
      %select_n3A_120 = arith.constant 0 : i32
      %select_n3A_121 = arith.select %eq3A_119, %select_n3A_120, %select_n3A_117 : i32
      %add3A_122 = arith.addi %select_n3A_121, %mul3A_6 : i32
      %add3A_123 = arith.constant 1 : i32
      %add3A_124 = arith.addi %select_n3A_121, %add3A_123 : i32
      %select_n3A_125 = arith.constant true
      %select_n3A_126 = arith.select %select_n3A_125, %add3A_124, %select_n3A_121 : i32
      %eq3A_127 = arith.constant 60 : i32
      %eq3A_128 = arith.cmpi eq, %select_n3A_126, %eq3A_127 : i32
      %select_n3A_129 = arith.constant 0 : i32
      %select_n3A_130 = arith.select %eq3A_128, %select_n3A_129, %select_n3A_126 : i32
      %add3A_131 = arith.addi %select_n3A_130, %mul3A_6 : i32
      "tpu.trace_start"() <{level = 10 : i32, message = "ep_finalize"}> : () -> ()
      %rem3A_132 = arith.constant 2 : i32
      %rem3A_133 = arith.remui %scan3A_95#5, %rem3A_132 : i32
      %mul3A_134 = arith.constant 16 : i32
      %mul3A_135 = arith.muli %mul3A_134, %add3A_104 : i32
      %mul3A_136 = arith.constant 16 : i32
      %mul3A_137 = arith.muli %rem3A_133, %mul3A_136 : i32
      %add3A_138 = arith.constant 0 : i32
      %add3A_139 = arith.addi %mul3A_137, %add3A_138 : i32
      %dma_wait3A = tpu.memref_slice %run_scoped3A_10[%add3A_139] : memref<32xf32, #tpu.memory_space<vmem>> -> memref<16xf32, #tpu.memory_space<vmem>>
      %dma_wait3A_140 = tpu.memref_slice %arg5[%mul3A_135] : memref<15360xf32, #tpu.memory_space<hbm>> -> memref<16xf32, #tpu.memory_space<hbm>>
      %dma_wait3A_141 = tpu.memref_slice %run_scoped3A_11[%rem3A_133] : memref<2x!tpu.dma_semaphore, #tpu.memory_space<semaphore_mem>> -> memref<1x!tpu.dma_semaphore, #tpu.memory_space<semaphore_mem>>
      %dma_wait3A_142 = tpu.memref_squeeze %dma_wait3A_141 : memref<1x!tpu.dma_semaphore, #tpu.memory_space<semaphore_mem>> -> memref<!tpu.dma_semaphore, #tpu.memory_space<semaphore_mem>>
      %dma_wait3A_143 = tpu.memref_slice %arg5[%mul3A_135] : memref<15360xf32, #tpu.memory_space<hbm>> -> memref<16xf32, #tpu.memory_space<hbm>>
      %dma_wait3A_144 = tpu.memref_slice %run_scoped3A_10[%add3A_139] : memref<32xf32, #tpu.memory_space<vmem>> -> memref<16xf32, #tpu.memory_space<vmem>>
      tpu.wait_dma2 semaphore(%dma_wait3A_142 : memref<!tpu.dma_semaphore, #tpu.memory_space<semaphore_mem>>) src(%dma_wait3A_144 : memref<16xf32, #tpu.memory_space<vmem>>) dst(%dma_wait3A_143 : memref<16xf32, #tpu.memory_space<hbm>>)
      "tpu.trace_stop"() : () -> ()
      tpu.yield
    }) : () -> ()
    return
  }
}

module attributes {stable_mosaic.version = 14 : i64} {
  func.func @_tc_loss_kernel(%arg0: i32, %arg1: memref<10xf32, #tpu.memory_space<smem>>, %arg2: memref<256x4096xf32, #tpu.memory_space<vmem>>, %arg3: memref<256x4096xf32, #tpu.memory_space<vmem>>, %arg4: memref<1x1x1xf32, #tpu.memory_space<smem>>) attributes {dimension_semantics = [#tpu.dimension_semantics<arbitrary>], iteration_bounds = array<i64: 49>, scalar_prefetch = 0 : i64, scratch_operands = 0 : i64, tpu.core_type = #tpu.core_type<tc>, window_params = [{transform_indices = @transform_0, window_bounds = array<i64: 10>}, {transform_indices = @transform_1, window_bounds = array<i64: 256, 4096>}, {transform_indices = @transform_2, window_bounds = array<i64: 256, 4096>}, {transform_indices = @transform_3, window_bounds = array<i64: 1, 1, 1>}]} {
    %get3A = arith.constant 0 : index
    %get3A_0 = memref.load %arg1[%get3A] : memref<10xf32, #tpu.memory_space<smem>>
    %convert_element_type3A = arith.truncf %get3A_0 : f32 to bf16
    %get3A_1 = arith.constant 1 : index
    %get3A_2 = memref.load %arg1[%get3A_1] : memref<10xf32, #tpu.memory_space<smem>>
    %convert_element_type3A_3 = arith.truncf %get3A_2 : f32 to bf16
    %get3A_4 = arith.constant 2 : index
    %get3A_5 = memref.load %arg1[%get3A_4] : memref<10xf32, #tpu.memory_space<smem>>
    %convert_element_type3A_6 = arith.truncf %get3A_5 : f32 to bf16
    %get3A_7 = arith.constant 3 : index
    %get3A_8 = memref.load %arg1[%get3A_7] : memref<10xf32, #tpu.memory_space<smem>>
    %convert_element_type3A_9 = arith.truncf %get3A_8 : f32 to bf16
    %get3A_10 = arith.constant 4 : index
    %get3A_11 = memref.load %arg1[%get3A_10] : memref<10xf32, #tpu.memory_space<smem>>
    %convert_element_type3A_12 = arith.truncf %get3A_11 : f32 to bf16
    %get3A_13 = arith.constant 5 : index
    %get3A_14 = memref.load %arg1[%get3A_13] : memref<10xf32, #tpu.memory_space<smem>>
    %convert_element_type3A_15 = arith.truncf %get3A_14 : f32 to bf16
    %get3A_16 = arith.constant 6 : index
    %get3A_17 = memref.load %arg1[%get3A_16] : memref<10xf32, #tpu.memory_space<smem>>
    %convert_element_type3A_18 = arith.truncf %get3A_17 : f32 to bf16
    %get3A_19 = arith.constant 7 : index
    %get3A_20 = memref.load %arg1[%get3A_19] : memref<10xf32, #tpu.memory_space<smem>>
    %convert_element_type3A_21 = arith.truncf %get3A_20 : f32 to bf16
    %get3A_22 = arith.constant 8 : index
    %get3A_23 = memref.load %arg1[%get3A_22] : memref<10xf32, #tpu.memory_space<smem>>
    %convert_element_type3A_24 = arith.truncf %get3A_23 : f32 to bf16
    %get3A_25 = arith.constant 9 : index
    %get3A_26 = memref.load %arg1[%get3A_25] : memref<10xf32, #tpu.memory_space<smem>>
    %convert_element_type3A_27 = arith.truncf %get3A_26 : f32 to bf16
    %broadcast_in_dim3A = arith.constant 0.000000e+00 : f32
    %broadcast_in_dim3A_28 = vector.broadcast %broadcast_in_dim3A : f32 to vector<16x256xf32>
    %scan3A = arith.constant 0 : i32
    %scan3A_29 = arith.constant 16 : i32
    %scan3A_30 = arith.addi %scan3A, %scan3A_29 : i32
    %scan3A_31 = arith.constant 1 : i32
    %scan3A_32 = scf.for %scan3A_41 = %scan3A to %scan3A_30 step %scan3A_31 iter_args(%scan3A_42 = %broadcast_in_dim3A_28) -> (vector<16x256xf32>)  : i32 {
      %mul3A = arith.constant 16 : i32
      %mul3A_43 = arith.muli %scan3A_41, %mul3A : i32
      %broadcast_in_dim3A_44 = arith.constant 0.000000e+00 : bf16
      %broadcast_in_dim3A_45 = vector.broadcast %broadcast_in_dim3A_44 : bf16 to vector<16x256xbf16>
      %get3A_46 = arith.index_cast %mul3A_43 : i32 to index
      %get3A_47 = arith.constant 0 : index
      %get3A_48 = vector.load %arg2[%get3A_46, %get3A_47] : memref<256x4096xf32, #tpu.memory_space<vmem>>, vector<16x256xf32>
      %get3A_49 = arith.index_cast %mul3A_43 : i32 to index
      %get3A_50 = arith.constant 0 : index
      %get3A_51 = vector.load %arg3[%get3A_49, %get3A_50] : memref<256x4096xf32, #tpu.memory_space<vmem>>, vector<16x256xf32>
      %convert_element_type3A_52 = arith.truncf %get3A_48 : vector<16x256xf32> to vector<16x256xbf16>
      %convert_element_type3A_53 = arith.truncf %get3A_51 : vector<16x256xf32> to vector<16x256xbf16>
      %sub3A = arith.subf %convert_element_type3A_52, %convert_element_type3A_53 : vector<16x256xbf16>
      %mul3A_54 = arith.mulf %sub3A, %sub3A : vector<16x256xbf16>
      %ge3A = arith.constant 4.500000e+00 : bf16
      %ge3A_55 = vector.broadcast %ge3A : bf16 to vector<16x256xbf16>
      %ge3A_56 = arith.cmpf oge, %convert_element_type3A_53, %ge3A_55 : vector<16x256xbf16>
      %sub3A_57 = arith.constant 5.000000e+00 : bf16
      %sub3A_58 = vector.broadcast %sub3A_57 : bf16 to vector<16x256xbf16>
      %sub3A_59 = arith.subf %convert_element_type3A_53, %sub3A_58 : vector<16x256xbf16>
      %select_n3A = arith.select %ge3A_56, %sub3A_59, %convert_element_type3A_53 : vector<16x256xi1>, vector<16x256xbf16>
      %broadcast_in_dim3A_60 = vector.broadcast %convert_element_type3A_15 : bf16 to vector<16x256xbf16>
      %broadcast_in_dim3A_61 = vector.broadcast %convert_element_type3A : bf16 to vector<16x256xbf16>
      %select_n3A_62 = arith.select %ge3A_56, %broadcast_in_dim3A_60, %broadcast_in_dim3A_61 : vector<16x256xi1>, vector<16x256xbf16>
      %broadcast_in_dim3A_63 = vector.broadcast %convert_element_type3A_18 : bf16 to vector<16x256xbf16>
      %broadcast_in_dim3A_64 = vector.broadcast %convert_element_type3A_3 : bf16 to vector<16x256xbf16>
      %select_n3A_65 = arith.select %ge3A_56, %broadcast_in_dim3A_63, %broadcast_in_dim3A_64 : vector<16x256xi1>, vector<16x256xbf16>
      %broadcast_in_dim3A_66 = vector.broadcast %convert_element_type3A_21 : bf16 to vector<16x256xbf16>
      %broadcast_in_dim3A_67 = vector.broadcast %convert_element_type3A_6 : bf16 to vector<16x256xbf16>
      %select_n3A_68 = arith.select %ge3A_56, %broadcast_in_dim3A_66, %broadcast_in_dim3A_67 : vector<16x256xi1>, vector<16x256xbf16>
      %broadcast_in_dim3A_69 = vector.broadcast %convert_element_type3A_24 : bf16 to vector<16x256xbf16>
      %broadcast_in_dim3A_70 = vector.broadcast %convert_element_type3A_9 : bf16 to vector<16x256xbf16>
      %select_n3A_71 = arith.select %ge3A_56, %broadcast_in_dim3A_69, %broadcast_in_dim3A_70 : vector<16x256xi1>, vector<16x256xbf16>
      %broadcast_in_dim3A_72 = vector.broadcast %convert_element_type3A_27 : bf16 to vector<16x256xbf16>
      %broadcast_in_dim3A_73 = vector.broadcast %convert_element_type3A_12 : bf16 to vector<16x256xbf16>
      %select_n3A_74 = arith.select %ge3A_56, %broadcast_in_dim3A_72, %broadcast_in_dim3A_73 : vector<16x256xi1>, vector<16x256xbf16>
      %ge3A_75 = arith.constant 5.000000e-01 : bf16
      %ge3A_76 = vector.broadcast %ge3A_75 : bf16 to vector<16x256xbf16>
      %ge3A_77 = arith.cmpf oge, %select_n3A, %ge3A_76 : vector<16x256xbf16>
      %ge3A_78 = arith.constant 1.500000e+00 : bf16
      %ge3A_79 = vector.broadcast %ge3A_78 : bf16 to vector<16x256xbf16>
      %ge3A_80 = arith.cmpf oge, %select_n3A, %ge3A_79 : vector<16x256xbf16>
      %ge3A_81 = arith.constant 2.500000e+00 : bf16
      %ge3A_82 = vector.broadcast %ge3A_81 : bf16 to vector<16x256xbf16>
      %ge3A_83 = arith.cmpf oge, %select_n3A, %ge3A_82 : vector<16x256xbf16>
      %ge3A_84 = arith.constant 3.500000e+00 : bf16
      %ge3A_85 = vector.broadcast %ge3A_84 : bf16 to vector<16x256xbf16>
      %ge3A_86 = arith.cmpf oge, %select_n3A, %ge3A_85 : vector<16x256xbf16>
      %select_n3A_87 = arith.select %ge3A_77, %select_n3A_65, %select_n3A_62 : vector<16x256xi1>, vector<16x256xbf16>
      %select_n3A_88 = arith.select %ge3A_80, %select_n3A_68, %select_n3A_87 : vector<16x256xi1>, vector<16x256xbf16>
      %select_n3A_89 = arith.select %ge3A_83, %select_n3A_71, %select_n3A_88 : vector<16x256xi1>, vector<16x256xbf16>
      %select_n3A_90 = arith.select %ge3A_86, %select_n3A_74, %select_n3A_89 : vector<16x256xi1>, vector<16x256xbf16>
      %mul3A_91 = arith.mulf %mul3A_54, %select_n3A_90 : vector<16x256xbf16>
      %add3A = arith.addf %broadcast_in_dim3A_45, %mul3A_91 : vector<16x256xbf16>
      %get3A_92 = arith.index_cast %mul3A_43 : i32 to index
      %get3A_93 = arith.constant 256 : index
      %get3A_94 = vector.load %arg2[%get3A_92, %get3A_93] : memref<256x4096xf32, #tpu.memory_space<vmem>>, vector<16x256xf32>
      %get3A_95 = arith.index_cast %mul3A_43 : i32 to index
      %get3A_96 = arith.constant 256 : index
      %get3A_97 = vector.load %arg3[%get3A_95, %get3A_96] : memref<256x4096xf32, #tpu.memory_space<vmem>>, vector<16x256xf32>
      %convert_element_type3A_98 = arith.truncf %get3A_94 : vector<16x256xf32> to vector<16x256xbf16>
      %convert_element_type3A_99 = arith.truncf %get3A_97 : vector<16x256xf32> to vector<16x256xbf16>
      %sub3A_100 = arith.subf %convert_element_type3A_98, %convert_element_type3A_99 : vector<16x256xbf16>
      %mul3A_101 = arith.mulf %sub3A_100, %sub3A_100 : vector<16x256xbf16>
      %ge3A_102 = arith.constant 4.500000e+00 : bf16
      %ge3A_103 = vector.broadcast %ge3A_102 : bf16 to vector<16x256xbf16>
      %ge3A_104 = arith.cmpf oge, %convert_element_type3A_99, %ge3A_103 : vector<16x256xbf16>
      %sub3A_105 = arith.constant 5.000000e+00 : bf16
      %sub3A_106 = vector.broadcast %sub3A_105 : bf16 to vector<16x256xbf16>
      %sub3A_107 = arith.subf %convert_element_type3A_99, %sub3A_106 : vector<16x256xbf16>
      %select_n3A_108 = arith.select %ge3A_104, %sub3A_107, %convert_element_type3A_99 : vector<16x256xi1>, vector<16x256xbf16>
      %broadcast_in_dim3A_109 = vector.broadcast %convert_element_type3A_15 : bf16 to vector<16x256xbf16>
      %broadcast_in_dim3A_110 = vector.broadcast %convert_element_type3A : bf16 to vector<16x256xbf16>
      %select_n3A_111 = arith.select %ge3A_104, %broadcast_in_dim3A_109, %broadcast_in_dim3A_110 : vector<16x256xi1>, vector<16x256xbf16>
      %broadcast_in_dim3A_112 = vector.broadcast %convert_element_type3A_18 : bf16 to vector<16x256xbf16>
      %broadcast_in_dim3A_113 = vector.broadcast %convert_element_type3A_3 : bf16 to vector<16x256xbf16>
      %select_n3A_114 = arith.select %ge3A_104, %broadcast_in_dim3A_112, %broadcast_in_dim3A_113 : vector<16x256xi1>, vector<16x256xbf16>
      %broadcast_in_dim3A_115 = vector.broadcast %convert_element_type3A_21 : bf16 to vector<16x256xbf16>
      %broadcast_in_dim3A_116 = vector.broadcast %convert_element_type3A_6 : bf16 to vector<16x256xbf16>
      %select_n3A_117 = arith.select %ge3A_104, %broadcast_in_dim3A_115, %broadcast_in_dim3A_116 : vector<16x256xi1>, vector<16x256xbf16>
      %broadcast_in_dim3A_118 = vector.broadcast %convert_element_type3A_24 : bf16 to vector<16x256xbf16>
      %broadcast_in_dim3A_119 = vector.broadcast %convert_element_type3A_9 : bf16 to vector<16x256xbf16>
      %select_n3A_120 = arith.select %ge3A_104, %broadcast_in_dim3A_118, %broadcast_in_dim3A_119 : vector<16x256xi1>, vector<16x256xbf16>
      %broadcast_in_dim3A_121 = vector.broadcast %convert_element_type3A_27 : bf16 to vector<16x256xbf16>
      %broadcast_in_dim3A_122 = vector.broadcast %convert_element_type3A_12 : bf16 to vector<16x256xbf16>
      %select_n3A_123 = arith.select %ge3A_104, %broadcast_in_dim3A_121, %broadcast_in_dim3A_122 : vector<16x256xi1>, vector<16x256xbf16>
      %ge3A_124 = arith.constant 5.000000e-01 : bf16
      %ge3A_125 = vector.broadcast %ge3A_124 : bf16 to vector<16x256xbf16>
      %ge3A_126 = arith.cmpf oge, %select_n3A_108, %ge3A_125 : vector<16x256xbf16>
      %ge3A_127 = arith.constant 1.500000e+00 : bf16
      %ge3A_128 = vector.broadcast %ge3A_127 : bf16 to vector<16x256xbf16>
      %ge3A_129 = arith.cmpf oge, %select_n3A_108, %ge3A_128 : vector<16x256xbf16>
      %ge3A_130 = arith.constant 2.500000e+00 : bf16
      %ge3A_131 = vector.broadcast %ge3A_130 : bf16 to vector<16x256xbf16>
      %ge3A_132 = arith.cmpf oge, %select_n3A_108, %ge3A_131 : vector<16x256xbf16>
      %ge3A_133 = arith.constant 3.500000e+00 : bf16
      %ge3A_134 = vector.broadcast %ge3A_133 : bf16 to vector<16x256xbf16>
      %ge3A_135 = arith.cmpf oge, %select_n3A_108, %ge3A_134 : vector<16x256xbf16>
      %select_n3A_136 = arith.select %ge3A_126, %select_n3A_114, %select_n3A_111 : vector<16x256xi1>, vector<16x256xbf16>
      %select_n3A_137 = arith.select %ge3A_129, %select_n3A_117, %select_n3A_136 : vector<16x256xi1>, vector<16x256xbf16>
      %select_n3A_138 = arith.select %ge3A_132, %select_n3A_120, %select_n3A_137 : vector<16x256xi1>, vector<16x256xbf16>
      %select_n3A_139 = arith.select %ge3A_135, %select_n3A_123, %select_n3A_138 : vector<16x256xi1>, vector<16x256xbf16>
      %mul3A_140 = arith.mulf %mul3A_101, %select_n3A_139 : vector<16x256xbf16>
      %add3A_141 = arith.addf %add3A, %mul3A_140 : vector<16x256xbf16>
      %get3A_142 = arith.index_cast %mul3A_43 : i32 to index
      %get3A_143 = arith.constant 512 : index
      %get3A_144 = vector.load %arg2[%get3A_142, %get3A_143] : memref<256x4096xf32, #tpu.memory_space<vmem>>, vector<16x256xf32>
      %get3A_145 = arith.index_cast %mul3A_43 : i32 to index
      %get3A_146 = arith.constant 512 : index
      %get3A_147 = vector.load %arg3[%get3A_145, %get3A_146] : memref<256x4096xf32, #tpu.memory_space<vmem>>, vector<16x256xf32>
      %convert_element_type3A_148 = arith.truncf %get3A_144 : vector<16x256xf32> to vector<16x256xbf16>
      %convert_element_type3A_149 = arith.truncf %get3A_147 : vector<16x256xf32> to vector<16x256xbf16>
      %sub3A_150 = arith.subf %convert_element_type3A_148, %convert_element_type3A_149 : vector<16x256xbf16>
      %mul3A_151 = arith.mulf %sub3A_150, %sub3A_150 : vector<16x256xbf16>
      %ge3A_152 = arith.constant 4.500000e+00 : bf16
      %ge3A_153 = vector.broadcast %ge3A_152 : bf16 to vector<16x256xbf16>
      %ge3A_154 = arith.cmpf oge, %convert_element_type3A_149, %ge3A_153 : vector<16x256xbf16>
      %sub3A_155 = arith.constant 5.000000e+00 : bf16
      %sub3A_156 = vector.broadcast %sub3A_155 : bf16 to vector<16x256xbf16>
      %sub3A_157 = arith.subf %convert_element_type3A_149, %sub3A_156 : vector<16x256xbf16>
      %select_n3A_158 = arith.select %ge3A_154, %sub3A_157, %convert_element_type3A_149 : vector<16x256xi1>, vector<16x256xbf16>
      %broadcast_in_dim3A_159 = vector.broadcast %convert_element_type3A_15 : bf16 to vector<16x256xbf16>
      %broadcast_in_dim3A_160 = vector.broadcast %convert_element_type3A : bf16 to vector<16x256xbf16>
      %select_n3A_161 = arith.select %ge3A_154, %broadcast_in_dim3A_159, %broadcast_in_dim3A_160 : vector<16x256xi1>, vector<16x256xbf16>
      %broadcast_in_dim3A_162 = vector.broadcast %convert_element_type3A_18 : bf16 to vector<16x256xbf16>
      %broadcast_in_dim3A_163 = vector.broadcast %convert_element_type3A_3 : bf16 to vector<16x256xbf16>
      %select_n3A_164 = arith.select %ge3A_154, %broadcast_in_dim3A_162, %broadcast_in_dim3A_163 : vector<16x256xi1>, vector<16x256xbf16>
      %broadcast_in_dim3A_165 = vector.broadcast %convert_element_type3A_21 : bf16 to vector<16x256xbf16>
      %broadcast_in_dim3A_166 = vector.broadcast %convert_element_type3A_6 : bf16 to vector<16x256xbf16>
      %select_n3A_167 = arith.select %ge3A_154, %broadcast_in_dim3A_165, %broadcast_in_dim3A_166 : vector<16x256xi1>, vector<16x256xbf16>
      %broadcast_in_dim3A_168 = vector.broadcast %convert_element_type3A_24 : bf16 to vector<16x256xbf16>
      %broadcast_in_dim3A_169 = vector.broadcast %convert_element_type3A_9 : bf16 to vector<16x256xbf16>
      %select_n3A_170 = arith.select %ge3A_154, %broadcast_in_dim3A_168, %broadcast_in_dim3A_169 : vector<16x256xi1>, vector<16x256xbf16>
      %broadcast_in_dim3A_171 = vector.broadcast %convert_element_type3A_27 : bf16 to vector<16x256xbf16>
      %broadcast_in_dim3A_172 = vector.broadcast %convert_element_type3A_12 : bf16 to vector<16x256xbf16>
      %select_n3A_173 = arith.select %ge3A_154, %broadcast_in_dim3A_171, %broadcast_in_dim3A_172 : vector<16x256xi1>, vector<16x256xbf16>
      %ge3A_174 = arith.constant 5.000000e-01 : bf16
      %ge3A_175 = vector.broadcast %ge3A_174 : bf16 to vector<16x256xbf16>
      %ge3A_176 = arith.cmpf oge, %select_n3A_158, %ge3A_175 : vector<16x256xbf16>
      %ge3A_177 = arith.constant 1.500000e+00 : bf16
      %ge3A_178 = vector.broadcast %ge3A_177 : bf16 to vector<16x256xbf16>
      %ge3A_179 = arith.cmpf oge, %select_n3A_158, %ge3A_178 : vector<16x256xbf16>
      %ge3A_180 = arith.constant 2.500000e+00 : bf16
      %ge3A_181 = vector.broadcast %ge3A_180 : bf16 to vector<16x256xbf16>
      %ge3A_182 = arith.cmpf oge, %select_n3A_158, %ge3A_181 : vector<16x256xbf16>
      %ge3A_183 = arith.constant 3.500000e+00 : bf16
      %ge3A_184 = vector.broadcast %ge3A_183 : bf16 to vector<16x256xbf16>
      %ge3A_185 = arith.cmpf oge, %select_n3A_158, %ge3A_184 : vector<16x256xbf16>
      %select_n3A_186 = arith.select %ge3A_176, %select_n3A_164, %select_n3A_161 : vector<16x256xi1>, vector<16x256xbf16>
      %select_n3A_187 = arith.select %ge3A_179, %select_n3A_167, %select_n3A_186 : vector<16x256xi1>, vector<16x256xbf16>
      %select_n3A_188 = arith.select %ge3A_182, %select_n3A_170, %select_n3A_187 : vector<16x256xi1>, vector<16x256xbf16>
      %select_n3A_189 = arith.select %ge3A_185, %select_n3A_173, %select_n3A_188 : vector<16x256xi1>, vector<16x256xbf16>
      %mul3A_190 = arith.mulf %mul3A_151, %select_n3A_189 : vector<16x256xbf16>
      %add3A_191 = arith.addf %add3A_141, %mul3A_190 : vector<16x256xbf16>
      %get3A_192 = arith.index_cast %mul3A_43 : i32 to index
      %get3A_193 = arith.constant 768 : index
      %get3A_194 = vector.load %arg2[%get3A_192, %get3A_193] : memref<256x4096xf32, #tpu.memory_space<vmem>>, vector<16x256xf32>
      %get3A_195 = arith.index_cast %mul3A_43 : i32 to index
      %get3A_196 = arith.constant 768 : index
      %get3A_197 = vector.load %arg3[%get3A_195, %get3A_196] : memref<256x4096xf32, #tpu.memory_space<vmem>>, vector<16x256xf32>
      %convert_element_type3A_198 = arith.truncf %get3A_194 : vector<16x256xf32> to vector<16x256xbf16>
      %convert_element_type3A_199 = arith.truncf %get3A_197 : vector<16x256xf32> to vector<16x256xbf16>
      %sub3A_200 = arith.subf %convert_element_type3A_198, %convert_element_type3A_199 : vector<16x256xbf16>
      %mul3A_201 = arith.mulf %sub3A_200, %sub3A_200 : vector<16x256xbf16>
      %ge3A_202 = arith.constant 4.500000e+00 : bf16
      %ge3A_203 = vector.broadcast %ge3A_202 : bf16 to vector<16x256xbf16>
      %ge3A_204 = arith.cmpf oge, %convert_element_type3A_199, %ge3A_203 : vector<16x256xbf16>
      %sub3A_205 = arith.constant 5.000000e+00 : bf16
      %sub3A_206 = vector.broadcast %sub3A_205 : bf16 to vector<16x256xbf16>
      %sub3A_207 = arith.subf %convert_element_type3A_199, %sub3A_206 : vector<16x256xbf16>
      %select_n3A_208 = arith.select %ge3A_204, %sub3A_207, %convert_element_type3A_199 : vector<16x256xi1>, vector<16x256xbf16>
      %broadcast_in_dim3A_209 = vector.broadcast %convert_element_type3A_15 : bf16 to vector<16x256xbf16>
      %broadcast_in_dim3A_210 = vector.broadcast %convert_element_type3A : bf16 to vector<16x256xbf16>
      %select_n3A_211 = arith.select %ge3A_204, %broadcast_in_dim3A_209, %broadcast_in_dim3A_210 : vector<16x256xi1>, vector<16x256xbf16>
      %broadcast_in_dim3A_212 = vector.broadcast %convert_element_type3A_18 : bf16 to vector<16x256xbf16>
      %broadcast_in_dim3A_213 = vector.broadcast %convert_element_type3A_3 : bf16 to vector<16x256xbf16>
      %select_n3A_214 = arith.select %ge3A_204, %broadcast_in_dim3A_212, %broadcast_in_dim3A_213 : vector<16x256xi1>, vector<16x256xbf16>
      %broadcast_in_dim3A_215 = vector.broadcast %convert_element_type3A_21 : bf16 to vector<16x256xbf16>
      %broadcast_in_dim3A_216 = vector.broadcast %convert_element_type3A_6 : bf16 to vector<16x256xbf16>
      %select_n3A_217 = arith.select %ge3A_204, %broadcast_in_dim3A_215, %broadcast_in_dim3A_216 : vector<16x256xi1>, vector<16x256xbf16>
      %broadcast_in_dim3A_218 = vector.broadcast %convert_element_type3A_24 : bf16 to vector<16x256xbf16>
      %broadcast_in_dim3A_219 = vector.broadcast %convert_element_type3A_9 : bf16 to vector<16x256xbf16>
      %select_n3A_220 = arith.select %ge3A_204, %broadcast_in_dim3A_218, %broadcast_in_dim3A_219 : vector<16x256xi1>, vector<16x256xbf16>
      %broadcast_in_dim3A_221 = vector.broadcast %convert_element_type3A_27 : bf16 to vector<16x256xbf16>
      %broadcast_in_dim3A_222 = vector.broadcast %convert_element_type3A_12 : bf16 to vector<16x256xbf16>
      %select_n3A_223 = arith.select %ge3A_204, %broadcast_in_dim3A_221, %broadcast_in_dim3A_222 : vector<16x256xi1>, vector<16x256xbf16>
      %ge3A_224 = arith.constant 5.000000e-01 : bf16
      %ge3A_225 = vector.broadcast %ge3A_224 : bf16 to vector<16x256xbf16>
      %ge3A_226 = arith.cmpf oge, %select_n3A_208, %ge3A_225 : vector<16x256xbf16>
      %ge3A_227 = arith.constant 1.500000e+00 : bf16
      %ge3A_228 = vector.broadcast %ge3A_227 : bf16 to vector<16x256xbf16>
      %ge3A_229 = arith.cmpf oge, %select_n3A_208, %ge3A_228 : vector<16x256xbf16>
      %ge3A_230 = arith.constant 2.500000e+00 : bf16
      %ge3A_231 = vector.broadcast %ge3A_230 : bf16 to vector<16x256xbf16>
      %ge3A_232 = arith.cmpf oge, %select_n3A_208, %ge3A_231 : vector<16x256xbf16>
      %ge3A_233 = arith.constant 3.500000e+00 : bf16
      %ge3A_234 = vector.broadcast %ge3A_233 : bf16 to vector<16x256xbf16>
      %ge3A_235 = arith.cmpf oge, %select_n3A_208, %ge3A_234 : vector<16x256xbf16>
      %select_n3A_236 = arith.select %ge3A_226, %select_n3A_214, %select_n3A_211 : vector<16x256xi1>, vector<16x256xbf16>
      %select_n3A_237 = arith.select %ge3A_229, %select_n3A_217, %select_n3A_236 : vector<16x256xi1>, vector<16x256xbf16>
      %select_n3A_238 = arith.select %ge3A_232, %select_n3A_220, %select_n3A_237 : vector<16x256xi1>, vector<16x256xbf16>
      %select_n3A_239 = arith.select %ge3A_235, %select_n3A_223, %select_n3A_238 : vector<16x256xi1>, vector<16x256xbf16>
      %mul3A_240 = arith.mulf %mul3A_201, %select_n3A_239 : vector<16x256xbf16>
      %add3A_241 = arith.addf %add3A_191, %mul3A_240 : vector<16x256xbf16>
      %get3A_242 = arith.index_cast %mul3A_43 : i32 to index
      %get3A_243 = arith.constant 1024 : index
      %get3A_244 = vector.load %arg2[%get3A_242, %get3A_243] : memref<256x4096xf32, #tpu.memory_space<vmem>>, vector<16x256xf32>
      %get3A_245 = arith.index_cast %mul3A_43 : i32 to index
      %get3A_246 = arith.constant 1024 : index
      %get3A_247 = vector.load %arg3[%get3A_245, %get3A_246] : memref<256x4096xf32, #tpu.memory_space<vmem>>, vector<16x256xf32>
      %convert_element_type3A_248 = arith.truncf %get3A_244 : vector<16x256xf32> to vector<16x256xbf16>
      %convert_element_type3A_249 = arith.truncf %get3A_247 : vector<16x256xf32> to vector<16x256xbf16>
      %sub3A_250 = arith.subf %convert_element_type3A_248, %convert_element_type3A_249 : vector<16x256xbf16>
      %mul3A_251 = arith.mulf %sub3A_250, %sub3A_250 : vector<16x256xbf16>
      %ge3A_252 = arith.constant 4.500000e+00 : bf16
      %ge3A_253 = vector.broadcast %ge3A_252 : bf16 to vector<16x256xbf16>
      %ge3A_254 = arith.cmpf oge, %convert_element_type3A_249, %ge3A_253 : vector<16x256xbf16>
      %sub3A_255 = arith.constant 5.000000e+00 : bf16
      %sub3A_256 = vector.broadcast %sub3A_255 : bf16 to vector<16x256xbf16>
      %sub3A_257 = arith.subf %convert_element_type3A_249, %sub3A_256 : vector<16x256xbf16>
      %select_n3A_258 = arith.select %ge3A_254, %sub3A_257, %convert_element_type3A_249 : vector<16x256xi1>, vector<16x256xbf16>
      %broadcast_in_dim3A_259 = vector.broadcast %convert_element_type3A_15 : bf16 to vector<16x256xbf16>
      %broadcast_in_dim3A_260 = vector.broadcast %convert_element_type3A : bf16 to vector<16x256xbf16>
      %select_n3A_261 = arith.select %ge3A_254, %broadcast_in_dim3A_259, %broadcast_in_dim3A_260 : vector<16x256xi1>, vector<16x256xbf16>
      %broadcast_in_dim3A_262 = vector.broadcast %convert_element_type3A_18 : bf16 to vector<16x256xbf16>
      %broadcast_in_dim3A_263 = vector.broadcast %convert_element_type3A_3 : bf16 to vector<16x256xbf16>
      %select_n3A_264 = arith.select %ge3A_254, %broadcast_in_dim3A_262, %broadcast_in_dim3A_263 : vector<16x256xi1>, vector<16x256xbf16>
      %broadcast_in_dim3A_265 = vector.broadcast %convert_element_type3A_21 : bf16 to vector<16x256xbf16>
      %broadcast_in_dim3A_266 = vector.broadcast %convert_element_type3A_6 : bf16 to vector<16x256xbf16>
      %select_n3A_267 = arith.select %ge3A_254, %broadcast_in_dim3A_265, %broadcast_in_dim3A_266 : vector<16x256xi1>, vector<16x256xbf16>
      %broadcast_in_dim3A_268 = vector.broadcast %convert_element_type3A_24 : bf16 to vector<16x256xbf16>
      %broadcast_in_dim3A_269 = vector.broadcast %convert_element_type3A_9 : bf16 to vector<16x256xbf16>
      %select_n3A_270 = arith.select %ge3A_254, %broadcast_in_dim3A_268, %broadcast_in_dim3A_269 : vector<16x256xi1>, vector<16x256xbf16>
      %broadcast_in_dim3A_271 = vector.broadcast %convert_element_type3A_27 : bf16 to vector<16x256xbf16>
      %broadcast_in_dim3A_272 = vector.broadcast %convert_element_type3A_12 : bf16 to vector<16x256xbf16>
      %select_n3A_273 = arith.select %ge3A_254, %broadcast_in_dim3A_271, %broadcast_in_dim3A_272 : vector<16x256xi1>, vector<16x256xbf16>
      %ge3A_274 = arith.constant 5.000000e-01 : bf16
      %ge3A_275 = vector.broadcast %ge3A_274 : bf16 to vector<16x256xbf16>
      %ge3A_276 = arith.cmpf oge, %select_n3A_258, %ge3A_275 : vector<16x256xbf16>
      %ge3A_277 = arith.constant 1.500000e+00 : bf16
      %ge3A_278 = vector.broadcast %ge3A_277 : bf16 to vector<16x256xbf16>
      %ge3A_279 = arith.cmpf oge, %select_n3A_258, %ge3A_278 : vector<16x256xbf16>
      %ge3A_280 = arith.constant 2.500000e+00 : bf16
      %ge3A_281 = vector.broadcast %ge3A_280 : bf16 to vector<16x256xbf16>
      %ge3A_282 = arith.cmpf oge, %select_n3A_258, %ge3A_281 : vector<16x256xbf16>
      %ge3A_283 = arith.constant 3.500000e+00 : bf16
      %ge3A_284 = vector.broadcast %ge3A_283 : bf16 to vector<16x256xbf16>
      %ge3A_285 = arith.cmpf oge, %select_n3A_258, %ge3A_284 : vector<16x256xbf16>
      %select_n3A_286 = arith.select %ge3A_276, %select_n3A_264, %select_n3A_261 : vector<16x256xi1>, vector<16x256xbf16>
      %select_n3A_287 = arith.select %ge3A_279, %select_n3A_267, %select_n3A_286 : vector<16x256xi1>, vector<16x256xbf16>
      %select_n3A_288 = arith.select %ge3A_282, %select_n3A_270, %select_n3A_287 : vector<16x256xi1>, vector<16x256xbf16>
      %select_n3A_289 = arith.select %ge3A_285, %select_n3A_273, %select_n3A_288 : vector<16x256xi1>, vector<16x256xbf16>
      %mul3A_290 = arith.mulf %mul3A_251, %select_n3A_289 : vector<16x256xbf16>
      %add3A_291 = arith.addf %add3A_241, %mul3A_290 : vector<16x256xbf16>
      %get3A_292 = arith.index_cast %mul3A_43 : i32 to index
      %get3A_293 = arith.constant 1280 : index
      %get3A_294 = vector.load %arg2[%get3A_292, %get3A_293] : memref<256x4096xf32, #tpu.memory_space<vmem>>, vector<16x256xf32>
      %get3A_295 = arith.index_cast %mul3A_43 : i32 to index
      %get3A_296 = arith.constant 1280 : index
      %get3A_297 = vector.load %arg3[%get3A_295, %get3A_296] : memref<256x4096xf32, #tpu.memory_space<vmem>>, vector<16x256xf32>
      %convert_element_type3A_298 = arith.truncf %get3A_294 : vector<16x256xf32> to vector<16x256xbf16>
      %convert_element_type3A_299 = arith.truncf %get3A_297 : vector<16x256xf32> to vector<16x256xbf16>
      %sub3A_300 = arith.subf %convert_element_type3A_298, %convert_element_type3A_299 : vector<16x256xbf16>
      %mul3A_301 = arith.mulf %sub3A_300, %sub3A_300 : vector<16x256xbf16>
      %ge3A_302 = arith.constant 4.500000e+00 : bf16
      %ge3A_303 = vector.broadcast %ge3A_302 : bf16 to vector<16x256xbf16>
      %ge3A_304 = arith.cmpf oge, %convert_element_type3A_299, %ge3A_303 : vector<16x256xbf16>
      %sub3A_305 = arith.constant 5.000000e+00 : bf16
      %sub3A_306 = vector.broadcast %sub3A_305 : bf16 to vector<16x256xbf16>
      %sub3A_307 = arith.subf %convert_element_type3A_299, %sub3A_306 : vector<16x256xbf16>
      %select_n3A_308 = arith.select %ge3A_304, %sub3A_307, %convert_element_type3A_299 : vector<16x256xi1>, vector<16x256xbf16>
      %broadcast_in_dim3A_309 = vector.broadcast %convert_element_type3A_15 : bf16 to vector<16x256xbf16>
      %broadcast_in_dim3A_310 = vector.broadcast %convert_element_type3A : bf16 to vector<16x256xbf16>
      %select_n3A_311 = arith.select %ge3A_304, %broadcast_in_dim3A_309, %broadcast_in_dim3A_310 : vector<16x256xi1>, vector<16x256xbf16>
      %broadcast_in_dim3A_312 = vector.broadcast %convert_element_type3A_18 : bf16 to vector<16x256xbf16>
      %broadcast_in_dim3A_313 = vector.broadcast %convert_element_type3A_3 : bf16 to vector<16x256xbf16>
      %select_n3A_314 = arith.select %ge3A_304, %broadcast_in_dim3A_312, %broadcast_in_dim3A_313 : vector<16x256xi1>, vector<16x256xbf16>
      %broadcast_in_dim3A_315 = vector.broadcast %convert_element_type3A_21 : bf16 to vector<16x256xbf16>
      %broadcast_in_dim3A_316 = vector.broadcast %convert_element_type3A_6 : bf16 to vector<16x256xbf16>
      %select_n3A_317 = arith.select %ge3A_304, %broadcast_in_dim3A_315, %broadcast_in_dim3A_316 : vector<16x256xi1>, vector<16x256xbf16>
      %broadcast_in_dim3A_318 = vector.broadcast %convert_element_type3A_24 : bf16 to vector<16x256xbf16>
      %broadcast_in_dim3A_319 = vector.broadcast %convert_element_type3A_9 : bf16 to vector<16x256xbf16>
      %select_n3A_320 = arith.select %ge3A_304, %broadcast_in_dim3A_318, %broadcast_in_dim3A_319 : vector<16x256xi1>, vector<16x256xbf16>
      %broadcast_in_dim3A_321 = vector.broadcast %convert_element_type3A_27 : bf16 to vector<16x256xbf16>
      %broadcast_in_dim3A_322 = vector.broadcast %convert_element_type3A_12 : bf16 to vector<16x256xbf16>
      %select_n3A_323 = arith.select %ge3A_304, %broadcast_in_dim3A_321, %broadcast_in_dim3A_322 : vector<16x256xi1>, vector<16x256xbf16>
      %ge3A_324 = arith.constant 5.000000e-01 : bf16
      %ge3A_325 = vector.broadcast %ge3A_324 : bf16 to vector<16x256xbf16>
      %ge3A_326 = arith.cmpf oge, %select_n3A_308, %ge3A_325 : vector<16x256xbf16>
      %ge3A_327 = arith.constant 1.500000e+00 : bf16
      %ge3A_328 = vector.broadcast %ge3A_327 : bf16 to vector<16x256xbf16>
      %ge3A_329 = arith.cmpf oge, %select_n3A_308, %ge3A_328 : vector<16x256xbf16>
      %ge3A_330 = arith.constant 2.500000e+00 : bf16
      %ge3A_331 = vector.broadcast %ge3A_330 : bf16 to vector<16x256xbf16>
      %ge3A_332 = arith.cmpf oge, %select_n3A_308, %ge3A_331 : vector<16x256xbf16>
      %ge3A_333 = arith.constant 3.500000e+00 : bf16
      %ge3A_334 = vector.broadcast %ge3A_333 : bf16 to vector<16x256xbf16>
      %ge3A_335 = arith.cmpf oge, %select_n3A_308, %ge3A_334 : vector<16x256xbf16>
      %select_n3A_336 = arith.select %ge3A_326, %select_n3A_314, %select_n3A_311 : vector<16x256xi1>, vector<16x256xbf16>
      %select_n3A_337 = arith.select %ge3A_329, %select_n3A_317, %select_n3A_336 : vector<16x256xi1>, vector<16x256xbf16>
      %select_n3A_338 = arith.select %ge3A_332, %select_n3A_320, %select_n3A_337 : vector<16x256xi1>, vector<16x256xbf16>
      %select_n3A_339 = arith.select %ge3A_335, %select_n3A_323, %select_n3A_338 : vector<16x256xi1>, vector<16x256xbf16>
      %mul3A_340 = arith.mulf %mul3A_301, %select_n3A_339 : vector<16x256xbf16>
      %add3A_341 = arith.addf %add3A_291, %mul3A_340 : vector<16x256xbf16>
      %get3A_342 = arith.index_cast %mul3A_43 : i32 to index
      %get3A_343 = arith.constant 1536 : index
      %get3A_344 = vector.load %arg2[%get3A_342, %get3A_343] : memref<256x4096xf32, #tpu.memory_space<vmem>>, vector<16x256xf32>
      %get3A_345 = arith.index_cast %mul3A_43 : i32 to index
      %get3A_346 = arith.constant 1536 : index
      %get3A_347 = vector.load %arg3[%get3A_345, %get3A_346] : memref<256x4096xf32, #tpu.memory_space<vmem>>, vector<16x256xf32>
      %convert_element_type3A_348 = arith.truncf %get3A_344 : vector<16x256xf32> to vector<16x256xbf16>
      %convert_element_type3A_349 = arith.truncf %get3A_347 : vector<16x256xf32> to vector<16x256xbf16>
      %sub3A_350 = arith.subf %convert_element_type3A_348, %convert_element_type3A_349 : vector<16x256xbf16>
      %mul3A_351 = arith.mulf %sub3A_350, %sub3A_350 : vector<16x256xbf16>
      %ge3A_352 = arith.constant 4.500000e+00 : bf16
      %ge3A_353 = vector.broadcast %ge3A_352 : bf16 to vector<16x256xbf16>
      %ge3A_354 = arith.cmpf oge, %convert_element_type3A_349, %ge3A_353 : vector<16x256xbf16>
      %sub3A_355 = arith.constant 5.000000e+00 : bf16
      %sub3A_356 = vector.broadcast %sub3A_355 : bf16 to vector<16x256xbf16>
      %sub3A_357 = arith.subf %convert_element_type3A_349, %sub3A_356 : vector<16x256xbf16>
      %select_n3A_358 = arith.select %ge3A_354, %sub3A_357, %convert_element_type3A_349 : vector<16x256xi1>, vector<16x256xbf16>
      %broadcast_in_dim3A_359 = vector.broadcast %convert_element_type3A_15 : bf16 to vector<16x256xbf16>
      %broadcast_in_dim3A_360 = vector.broadcast %convert_element_type3A : bf16 to vector<16x256xbf16>
      %select_n3A_361 = arith.select %ge3A_354, %broadcast_in_dim3A_359, %broadcast_in_dim3A_360 : vector<16x256xi1>, vector<16x256xbf16>
      %broadcast_in_dim3A_362 = vector.broadcast %convert_element_type3A_18 : bf16 to vector<16x256xbf16>
      %broadcast_in_dim3A_363 = vector.broadcast %convert_element_type3A_3 : bf16 to vector<16x256xbf16>
      %select_n3A_364 = arith.select %ge3A_354, %broadcast_in_dim3A_362, %broadcast_in_dim3A_363 : vector<16x256xi1>, vector<16x256xbf16>
      %broadcast_in_dim3A_365 = vector.broadcast %convert_element_type3A_21 : bf16 to vector<16x256xbf16>
      %broadcast_in_dim3A_366 = vector.broadcast %convert_element_type3A_6 : bf16 to vector<16x256xbf16>
      %select_n3A_367 = arith.select %ge3A_354, %broadcast_in_dim3A_365, %broadcast_in_dim3A_366 : vector<16x256xi1>, vector<16x256xbf16>
      %broadcast_in_dim3A_368 = vector.broadcast %convert_element_type3A_24 : bf16 to vector<16x256xbf16>
      %broadcast_in_dim3A_369 = vector.broadcast %convert_element_type3A_9 : bf16 to vector<16x256xbf16>
      %select_n3A_370 = arith.select %ge3A_354, %broadcast_in_dim3A_368, %broadcast_in_dim3A_369 : vector<16x256xi1>, vector<16x256xbf16>
      %broadcast_in_dim3A_371 = vector.broadcast %convert_element_type3A_27 : bf16 to vector<16x256xbf16>
      %broadcast_in_dim3A_372 = vector.broadcast %convert_element_type3A_12 : bf16 to vector<16x256xbf16>
      %select_n3A_373 = arith.select %ge3A_354, %broadcast_in_dim3A_371, %broadcast_in_dim3A_372 : vector<16x256xi1>, vector<16x256xbf16>
      %ge3A_374 = arith.constant 5.000000e-01 : bf16
      %ge3A_375 = vector.broadcast %ge3A_374 : bf16 to vector<16x256xbf16>
      %ge3A_376 = arith.cmpf oge, %select_n3A_358, %ge3A_375 : vector<16x256xbf16>
      %ge3A_377 = arith.constant 1.500000e+00 : bf16
      %ge3A_378 = vector.broadcast %ge3A_377 : bf16 to vector<16x256xbf16>
      %ge3A_379 = arith.cmpf oge, %select_n3A_358, %ge3A_378 : vector<16x256xbf16>
      %ge3A_380 = arith.constant 2.500000e+00 : bf16
      %ge3A_381 = vector.broadcast %ge3A_380 : bf16 to vector<16x256xbf16>
      %ge3A_382 = arith.cmpf oge, %select_n3A_358, %ge3A_381 : vector<16x256xbf16>
      %ge3A_383 = arith.constant 3.500000e+00 : bf16
      %ge3A_384 = vector.broadcast %ge3A_383 : bf16 to vector<16x256xbf16>
      %ge3A_385 = arith.cmpf oge, %select_n3A_358, %ge3A_384 : vector<16x256xbf16>
      %select_n3A_386 = arith.select %ge3A_376, %select_n3A_364, %select_n3A_361 : vector<16x256xi1>, vector<16x256xbf16>
      %select_n3A_387 = arith.select %ge3A_379, %select_n3A_367, %select_n3A_386 : vector<16x256xi1>, vector<16x256xbf16>
      %select_n3A_388 = arith.select %ge3A_382, %select_n3A_370, %select_n3A_387 : vector<16x256xi1>, vector<16x256xbf16>
      %select_n3A_389 = arith.select %ge3A_385, %select_n3A_373, %select_n3A_388 : vector<16x256xi1>, vector<16x256xbf16>
      %mul3A_390 = arith.mulf %mul3A_351, %select_n3A_389 : vector<16x256xbf16>
      %add3A_391 = arith.addf %add3A_341, %mul3A_390 : vector<16x256xbf16>
      %get3A_392 = arith.index_cast %mul3A_43 : i32 to index
      %get3A_393 = arith.constant 1792 : index
      %get3A_394 = vector.load %arg2[%get3A_392, %get3A_393] : memref<256x4096xf32, #tpu.memory_space<vmem>>, vector<16x256xf32>
      %get3A_395 = arith.index_cast %mul3A_43 : i32 to index
      %get3A_396 = arith.constant 1792 : index
      %get3A_397 = vector.load %arg3[%get3A_395, %get3A_396] : memref<256x4096xf32, #tpu.memory_space<vmem>>, vector<16x256xf32>
      %convert_element_type3A_398 = arith.truncf %get3A_394 : vector<16x256xf32> to vector<16x256xbf16>
      %convert_element_type3A_399 = arith.truncf %get3A_397 : vector<16x256xf32> to vector<16x256xbf16>
      %sub3A_400 = arith.subf %convert_element_type3A_398, %convert_element_type3A_399 : vector<16x256xbf16>
      %mul3A_401 = arith.mulf %sub3A_400, %sub3A_400 : vector<16x256xbf16>
      %ge3A_402 = arith.constant 4.500000e+00 : bf16
      %ge3A_403 = vector.broadcast %ge3A_402 : bf16 to vector<16x256xbf16>
      %ge3A_404 = arith.cmpf oge, %convert_element_type3A_399, %ge3A_403 : vector<16x256xbf16>
      %sub3A_405 = arith.constant 5.000000e+00 : bf16
      %sub3A_406 = vector.broadcast %sub3A_405 : bf16 to vector<16x256xbf16>
      %sub3A_407 = arith.subf %convert_element_type3A_399, %sub3A_406 : vector<16x256xbf16>
      %select_n3A_408 = arith.select %ge3A_404, %sub3A_407, %convert_element_type3A_399 : vector<16x256xi1>, vector<16x256xbf16>
      %broadcast_in_dim3A_409 = vector.broadcast %convert_element_type3A_15 : bf16 to vector<16x256xbf16>
      %broadcast_in_dim3A_410 = vector.broadcast %convert_element_type3A : bf16 to vector<16x256xbf16>
      %select_n3A_411 = arith.select %ge3A_404, %broadcast_in_dim3A_409, %broadcast_in_dim3A_410 : vector<16x256xi1>, vector<16x256xbf16>
      %broadcast_in_dim3A_412 = vector.broadcast %convert_element_type3A_18 : bf16 to vector<16x256xbf16>
      %broadcast_in_dim3A_413 = vector.broadcast %convert_element_type3A_3 : bf16 to vector<16x256xbf16>
      %select_n3A_414 = arith.select %ge3A_404, %broadcast_in_dim3A_412, %broadcast_in_dim3A_413 : vector<16x256xi1>, vector<16x256xbf16>
      %broadcast_in_dim3A_415 = vector.broadcast %convert_element_type3A_21 : bf16 to vector<16x256xbf16>
      %broadcast_in_dim3A_416 = vector.broadcast %convert_element_type3A_6 : bf16 to vector<16x256xbf16>
      %select_n3A_417 = arith.select %ge3A_404, %broadcast_in_dim3A_415, %broadcast_in_dim3A_416 : vector<16x256xi1>, vector<16x256xbf16>
      %broadcast_in_dim3A_418 = vector.broadcast %convert_element_type3A_24 : bf16 to vector<16x256xbf16>
      %broadcast_in_dim3A_419 = vector.broadcast %convert_element_type3A_9 : bf16 to vector<16x256xbf16>
      %select_n3A_420 = arith.select %ge3A_404, %broadcast_in_dim3A_418, %broadcast_in_dim3A_419 : vector<16x256xi1>, vector<16x256xbf16>
      %broadcast_in_dim3A_421 = vector.broadcast %convert_element_type3A_27 : bf16 to vector<16x256xbf16>
      %broadcast_in_dim3A_422 = vector.broadcast %convert_element_type3A_12 : bf16 to vector<16x256xbf16>
      %select_n3A_423 = arith.select %ge3A_404, %broadcast_in_dim3A_421, %broadcast_in_dim3A_422 : vector<16x256xi1>, vector<16x256xbf16>
      %ge3A_424 = arith.constant 5.000000e-01 : bf16
      %ge3A_425 = vector.broadcast %ge3A_424 : bf16 to vector<16x256xbf16>
      %ge3A_426 = arith.cmpf oge, %select_n3A_408, %ge3A_425 : vector<16x256xbf16>
      %ge3A_427 = arith.constant 1.500000e+00 : bf16
      %ge3A_428 = vector.broadcast %ge3A_427 : bf16 to vector<16x256xbf16>
      %ge3A_429 = arith.cmpf oge, %select_n3A_408, %ge3A_428 : vector<16x256xbf16>
      %ge3A_430 = arith.constant 2.500000e+00 : bf16
      %ge3A_431 = vector.broadcast %ge3A_430 : bf16 to vector<16x256xbf16>
      %ge3A_432 = arith.cmpf oge, %select_n3A_408, %ge3A_431 : vector<16x256xbf16>
      %ge3A_433 = arith.constant 3.500000e+00 : bf16
      %ge3A_434 = vector.broadcast %ge3A_433 : bf16 to vector<16x256xbf16>
      %ge3A_435 = arith.cmpf oge, %select_n3A_408, %ge3A_434 : vector<16x256xbf16>
      %select_n3A_436 = arith.select %ge3A_426, %select_n3A_414, %select_n3A_411 : vector<16x256xi1>, vector<16x256xbf16>
      %select_n3A_437 = arith.select %ge3A_429, %select_n3A_417, %select_n3A_436 : vector<16x256xi1>, vector<16x256xbf16>
      %select_n3A_438 = arith.select %ge3A_432, %select_n3A_420, %select_n3A_437 : vector<16x256xi1>, vector<16x256xbf16>
      %select_n3A_439 = arith.select %ge3A_435, %select_n3A_423, %select_n3A_438 : vector<16x256xi1>, vector<16x256xbf16>
      %mul3A_440 = arith.mulf %mul3A_401, %select_n3A_439 : vector<16x256xbf16>
      %add3A_441 = arith.addf %add3A_391, %mul3A_440 : vector<16x256xbf16>
      %get3A_442 = arith.index_cast %mul3A_43 : i32 to index
      %get3A_443 = arith.constant 2048 : index
      %get3A_444 = vector.load %arg2[%get3A_442, %get3A_443] : memref<256x4096xf32, #tpu.memory_space<vmem>>, vector<16x256xf32>
      %get3A_445 = arith.index_cast %mul3A_43 : i32 to index
      %get3A_446 = arith.constant 2048 : index
      %get3A_447 = vector.load %arg3[%get3A_445, %get3A_446] : memref<256x4096xf32, #tpu.memory_space<vmem>>, vector<16x256xf32>
      %convert_element_type3A_448 = arith.truncf %get3A_444 : vector<16x256xf32> to vector<16x256xbf16>
      %convert_element_type3A_449 = arith.truncf %get3A_447 : vector<16x256xf32> to vector<16x256xbf16>
      %sub3A_450 = arith.subf %convert_element_type3A_448, %convert_element_type3A_449 : vector<16x256xbf16>
      %mul3A_451 = arith.mulf %sub3A_450, %sub3A_450 : vector<16x256xbf16>
      %ge3A_452 = arith.constant 4.500000e+00 : bf16
      %ge3A_453 = vector.broadcast %ge3A_452 : bf16 to vector<16x256xbf16>
      %ge3A_454 = arith.cmpf oge, %convert_element_type3A_449, %ge3A_453 : vector<16x256xbf16>
      %sub3A_455 = arith.constant 5.000000e+00 : bf16
      %sub3A_456 = vector.broadcast %sub3A_455 : bf16 to vector<16x256xbf16>
      %sub3A_457 = arith.subf %convert_element_type3A_449, %sub3A_456 : vector<16x256xbf16>
      %select_n3A_458 = arith.select %ge3A_454, %sub3A_457, %convert_element_type3A_449 : vector<16x256xi1>, vector<16x256xbf16>
      %broadcast_in_dim3A_459 = vector.broadcast %convert_element_type3A_15 : bf16 to vector<16x256xbf16>
      %broadcast_in_dim3A_460 = vector.broadcast %convert_element_type3A : bf16 to vector<16x256xbf16>
      %select_n3A_461 = arith.select %ge3A_454, %broadcast_in_dim3A_459, %broadcast_in_dim3A_460 : vector<16x256xi1>, vector<16x256xbf16>
      %broadcast_in_dim3A_462 = vector.broadcast %convert_element_type3A_18 : bf16 to vector<16x256xbf16>
      %broadcast_in_dim3A_463 = vector.broadcast %convert_element_type3A_3 : bf16 to vector<16x256xbf16>
      %select_n3A_464 = arith.select %ge3A_454, %broadcast_in_dim3A_462, %broadcast_in_dim3A_463 : vector<16x256xi1>, vector<16x256xbf16>
      %broadcast_in_dim3A_465 = vector.broadcast %convert_element_type3A_21 : bf16 to vector<16x256xbf16>
      %broadcast_in_dim3A_466 = vector.broadcast %convert_element_type3A_6 : bf16 to vector<16x256xbf16>
      %select_n3A_467 = arith.select %ge3A_454, %broadcast_in_dim3A_465, %broadcast_in_dim3A_466 : vector<16x256xi1>, vector<16x256xbf16>
      %broadcast_in_dim3A_468 = vector.broadcast %convert_element_type3A_24 : bf16 to vector<16x256xbf16>
      %broadcast_in_dim3A_469 = vector.broadcast %convert_element_type3A_9 : bf16 to vector<16x256xbf16>
      %select_n3A_470 = arith.select %ge3A_454, %broadcast_in_dim3A_468, %broadcast_in_dim3A_469 : vector<16x256xi1>, vector<16x256xbf16>
      %broadcast_in_dim3A_471 = vector.broadcast %convert_element_type3A_27 : bf16 to vector<16x256xbf16>
      %broadcast_in_dim3A_472 = vector.broadcast %convert_element_type3A_12 : bf16 to vector<16x256xbf16>
      %select_n3A_473 = arith.select %ge3A_454, %broadcast_in_dim3A_471, %broadcast_in_dim3A_472 : vector<16x256xi1>, vector<16x256xbf16>
      %ge3A_474 = arith.constant 5.000000e-01 : bf16
      %ge3A_475 = vector.broadcast %ge3A_474 : bf16 to vector<16x256xbf16>
      %ge3A_476 = arith.cmpf oge, %select_n3A_458, %ge3A_475 : vector<16x256xbf16>
      %ge3A_477 = arith.constant 1.500000e+00 : bf16
      %ge3A_478 = vector.broadcast %ge3A_477 : bf16 to vector<16x256xbf16>
      %ge3A_479 = arith.cmpf oge, %select_n3A_458, %ge3A_478 : vector<16x256xbf16>
      %ge3A_480 = arith.constant 2.500000e+00 : bf16
      %ge3A_481 = vector.broadcast %ge3A_480 : bf16 to vector<16x256xbf16>
      %ge3A_482 = arith.cmpf oge, %select_n3A_458, %ge3A_481 : vector<16x256xbf16>
      %ge3A_483 = arith.constant 3.500000e+00 : bf16
      %ge3A_484 = vector.broadcast %ge3A_483 : bf16 to vector<16x256xbf16>
      %ge3A_485 = arith.cmpf oge, %select_n3A_458, %ge3A_484 : vector<16x256xbf16>
      %select_n3A_486 = arith.select %ge3A_476, %select_n3A_464, %select_n3A_461 : vector<16x256xi1>, vector<16x256xbf16>
      %select_n3A_487 = arith.select %ge3A_479, %select_n3A_467, %select_n3A_486 : vector<16x256xi1>, vector<16x256xbf16>
      %select_n3A_488 = arith.select %ge3A_482, %select_n3A_470, %select_n3A_487 : vector<16x256xi1>, vector<16x256xbf16>
      %select_n3A_489 = arith.select %ge3A_485, %select_n3A_473, %select_n3A_488 : vector<16x256xi1>, vector<16x256xbf16>
      %mul3A_490 = arith.mulf %mul3A_451, %select_n3A_489 : vector<16x256xbf16>
      %add3A_491 = arith.addf %add3A_441, %mul3A_490 : vector<16x256xbf16>
      %get3A_492 = arith.index_cast %mul3A_43 : i32 to index
      %get3A_493 = arith.constant 2304 : index
      %get3A_494 = vector.load %arg2[%get3A_492, %get3A_493] : memref<256x4096xf32, #tpu.memory_space<vmem>>, vector<16x256xf32>
      %get3A_495 = arith.index_cast %mul3A_43 : i32 to index
      %get3A_496 = arith.constant 2304 : index
      %get3A_497 = vector.load %arg3[%get3A_495, %get3A_496] : memref<256x4096xf32, #tpu.memory_space<vmem>>, vector<16x256xf32>
      %convert_element_type3A_498 = arith.truncf %get3A_494 : vector<16x256xf32> to vector<16x256xbf16>
      %convert_element_type3A_499 = arith.truncf %get3A_497 : vector<16x256xf32> to vector<16x256xbf16>
      %sub3A_500 = arith.subf %convert_element_type3A_498, %convert_element_type3A_499 : vector<16x256xbf16>
      %mul3A_501 = arith.mulf %sub3A_500, %sub3A_500 : vector<16x256xbf16>
      %ge3A_502 = arith.constant 4.500000e+00 : bf16
      %ge3A_503 = vector.broadcast %ge3A_502 : bf16 to vector<16x256xbf16>
      %ge3A_504 = arith.cmpf oge, %convert_element_type3A_499, %ge3A_503 : vector<16x256xbf16>
      %sub3A_505 = arith.constant 5.000000e+00 : bf16
      %sub3A_506 = vector.broadcast %sub3A_505 : bf16 to vector<16x256xbf16>
      %sub3A_507 = arith.subf %convert_element_type3A_499, %sub3A_506 : vector<16x256xbf16>
      %select_n3A_508 = arith.select %ge3A_504, %sub3A_507, %convert_element_type3A_499 : vector<16x256xi1>, vector<16x256xbf16>
      %broadcast_in_dim3A_509 = vector.broadcast %convert_element_type3A_15 : bf16 to vector<16x256xbf16>
      %broadcast_in_dim3A_510 = vector.broadcast %convert_element_type3A : bf16 to vector<16x256xbf16>
      %select_n3A_511 = arith.select %ge3A_504, %broadcast_in_dim3A_509, %broadcast_in_dim3A_510 : vector<16x256xi1>, vector<16x256xbf16>
      %broadcast_in_dim3A_512 = vector.broadcast %convert_element_type3A_18 : bf16 to vector<16x256xbf16>
      %broadcast_in_dim3A_513 = vector.broadcast %convert_element_type3A_3 : bf16 to vector<16x256xbf16>
      %select_n3A_514 = arith.select %ge3A_504, %broadcast_in_dim3A_512, %broadcast_in_dim3A_513 : vector<16x256xi1>, vector<16x256xbf16>
      %broadcast_in_dim3A_515 = vector.broadcast %convert_element_type3A_21 : bf16 to vector<16x256xbf16>
      %broadcast_in_dim3A_516 = vector.broadcast %convert_element_type3A_6 : bf16 to vector<16x256xbf16>
      %select_n3A_517 = arith.select %ge3A_504, %broadcast_in_dim3A_515, %broadcast_in_dim3A_516 : vector<16x256xi1>, vector<16x256xbf16>
      %broadcast_in_dim3A_518 = vector.broadcast %convert_element_type3A_24 : bf16 to vector<16x256xbf16>
      %broadcast_in_dim3A_519 = vector.broadcast %convert_element_type3A_9 : bf16 to vector<16x256xbf16>
      %select_n3A_520 = arith.select %ge3A_504, %broadcast_in_dim3A_518, %broadcast_in_dim3A_519 : vector<16x256xi1>, vector<16x256xbf16>
      %broadcast_in_dim3A_521 = vector.broadcast %convert_element_type3A_27 : bf16 to vector<16x256xbf16>
      %broadcast_in_dim3A_522 = vector.broadcast %convert_element_type3A_12 : bf16 to vector<16x256xbf16>
      %select_n3A_523 = arith.select %ge3A_504, %broadcast_in_dim3A_521, %broadcast_in_dim3A_522 : vector<16x256xi1>, vector<16x256xbf16>
      %ge3A_524 = arith.constant 5.000000e-01 : bf16
      %ge3A_525 = vector.broadcast %ge3A_524 : bf16 to vector<16x256xbf16>
      %ge3A_526 = arith.cmpf oge, %select_n3A_508, %ge3A_525 : vector<16x256xbf16>
      %ge3A_527 = arith.constant 1.500000e+00 : bf16
      %ge3A_528 = vector.broadcast %ge3A_527 : bf16 to vector<16x256xbf16>
      %ge3A_529 = arith.cmpf oge, %select_n3A_508, %ge3A_528 : vector<16x256xbf16>
      %ge3A_530 = arith.constant 2.500000e+00 : bf16
      %ge3A_531 = vector.broadcast %ge3A_530 : bf16 to vector<16x256xbf16>
      %ge3A_532 = arith.cmpf oge, %select_n3A_508, %ge3A_531 : vector<16x256xbf16>
      %ge3A_533 = arith.constant 3.500000e+00 : bf16
      %ge3A_534 = vector.broadcast %ge3A_533 : bf16 to vector<16x256xbf16>
      %ge3A_535 = arith.cmpf oge, %select_n3A_508, %ge3A_534 : vector<16x256xbf16>
      %select_n3A_536 = arith.select %ge3A_526, %select_n3A_514, %select_n3A_511 : vector<16x256xi1>, vector<16x256xbf16>
      %select_n3A_537 = arith.select %ge3A_529, %select_n3A_517, %select_n3A_536 : vector<16x256xi1>, vector<16x256xbf16>
      %select_n3A_538 = arith.select %ge3A_532, %select_n3A_520, %select_n3A_537 : vector<16x256xi1>, vector<16x256xbf16>
      %select_n3A_539 = arith.select %ge3A_535, %select_n3A_523, %select_n3A_538 : vector<16x256xi1>, vector<16x256xbf16>
      %mul3A_540 = arith.mulf %mul3A_501, %select_n3A_539 : vector<16x256xbf16>
      %add3A_541 = arith.addf %add3A_491, %mul3A_540 : vector<16x256xbf16>
      %get3A_542 = arith.index_cast %mul3A_43 : i32 to index
      %get3A_543 = arith.constant 2560 : index
      %get3A_544 = vector.load %arg2[%get3A_542, %get3A_543] : memref<256x4096xf32, #tpu.memory_space<vmem>>, vector<16x256xf32>
      %get3A_545 = arith.index_cast %mul3A_43 : i32 to index
      %get3A_546 = arith.constant 2560 : index
      %get3A_547 = vector.load %arg3[%get3A_545, %get3A_546] : memref<256x4096xf32, #tpu.memory_space<vmem>>, vector<16x256xf32>
      %convert_element_type3A_548 = arith.truncf %get3A_544 : vector<16x256xf32> to vector<16x256xbf16>
      %convert_element_type3A_549 = arith.truncf %get3A_547 : vector<16x256xf32> to vector<16x256xbf16>
      %sub3A_550 = arith.subf %convert_element_type3A_548, %convert_element_type3A_549 : vector<16x256xbf16>
      %mul3A_551 = arith.mulf %sub3A_550, %sub3A_550 : vector<16x256xbf16>
      %ge3A_552 = arith.constant 4.500000e+00 : bf16
      %ge3A_553 = vector.broadcast %ge3A_552 : bf16 to vector<16x256xbf16>
      %ge3A_554 = arith.cmpf oge, %convert_element_type3A_549, %ge3A_553 : vector<16x256xbf16>
      %sub3A_555 = arith.constant 5.000000e+00 : bf16
      %sub3A_556 = vector.broadcast %sub3A_555 : bf16 to vector<16x256xbf16>
      %sub3A_557 = arith.subf %convert_element_type3A_549, %sub3A_556 : vector<16x256xbf16>
      %select_n3A_558 = arith.select %ge3A_554, %sub3A_557, %convert_element_type3A_549 : vector<16x256xi1>, vector<16x256xbf16>
      %broadcast_in_dim3A_559 = vector.broadcast %convert_element_type3A_15 : bf16 to vector<16x256xbf16>
      %broadcast_in_dim3A_560 = vector.broadcast %convert_element_type3A : bf16 to vector<16x256xbf16>
      %select_n3A_561 = arith.select %ge3A_554, %broadcast_in_dim3A_559, %broadcast_in_dim3A_560 : vector<16x256xi1>, vector<16x256xbf16>
      %broadcast_in_dim3A_562 = vector.broadcast %convert_element_type3A_18 : bf16 to vector<16x256xbf16>
      %broadcast_in_dim3A_563 = vector.broadcast %convert_element_type3A_3 : bf16 to vector<16x256xbf16>
      %select_n3A_564 = arith.select %ge3A_554, %broadcast_in_dim3A_562, %broadcast_in_dim3A_563 : vector<16x256xi1>, vector<16x256xbf16>
      %broadcast_in_dim3A_565 = vector.broadcast %convert_element_type3A_21 : bf16 to vector<16x256xbf16>
      %broadcast_in_dim3A_566 = vector.broadcast %convert_element_type3A_6 : bf16 to vector<16x256xbf16>
      %select_n3A_567 = arith.select %ge3A_554, %broadcast_in_dim3A_565, %broadcast_in_dim3A_566 : vector<16x256xi1>, vector<16x256xbf16>
      %broadcast_in_dim3A_568 = vector.broadcast %convert_element_type3A_24 : bf16 to vector<16x256xbf16>
      %broadcast_in_dim3A_569 = vector.broadcast %convert_element_type3A_9 : bf16 to vector<16x256xbf16>
      %select_n3A_570 = arith.select %ge3A_554, %broadcast_in_dim3A_568, %broadcast_in_dim3A_569 : vector<16x256xi1>, vector<16x256xbf16>
      %broadcast_in_dim3A_571 = vector.broadcast %convert_element_type3A_27 : bf16 to vector<16x256xbf16>
      %broadcast_in_dim3A_572 = vector.broadcast %convert_element_type3A_12 : bf16 to vector<16x256xbf16>
      %select_n3A_573 = arith.select %ge3A_554, %broadcast_in_dim3A_571, %broadcast_in_dim3A_572 : vector<16x256xi1>, vector<16x256xbf16>
      %ge3A_574 = arith.constant 5.000000e-01 : bf16
      %ge3A_575 = vector.broadcast %ge3A_574 : bf16 to vector<16x256xbf16>
      %ge3A_576 = arith.cmpf oge, %select_n3A_558, %ge3A_575 : vector<16x256xbf16>
      %ge3A_577 = arith.constant 1.500000e+00 : bf16
      %ge3A_578 = vector.broadcast %ge3A_577 : bf16 to vector<16x256xbf16>
      %ge3A_579 = arith.cmpf oge, %select_n3A_558, %ge3A_578 : vector<16x256xbf16>
      %ge3A_580 = arith.constant 2.500000e+00 : bf16
      %ge3A_581 = vector.broadcast %ge3A_580 : bf16 to vector<16x256xbf16>
      %ge3A_582 = arith.cmpf oge, %select_n3A_558, %ge3A_581 : vector<16x256xbf16>
      %ge3A_583 = arith.constant 3.500000e+00 : bf16
      %ge3A_584 = vector.broadcast %ge3A_583 : bf16 to vector<16x256xbf16>
      %ge3A_585 = arith.cmpf oge, %select_n3A_558, %ge3A_584 : vector<16x256xbf16>
      %select_n3A_586 = arith.select %ge3A_576, %select_n3A_564, %select_n3A_561 : vector<16x256xi1>, vector<16x256xbf16>
      %select_n3A_587 = arith.select %ge3A_579, %select_n3A_567, %select_n3A_586 : vector<16x256xi1>, vector<16x256xbf16>
      %select_n3A_588 = arith.select %ge3A_582, %select_n3A_570, %select_n3A_587 : vector<16x256xi1>, vector<16x256xbf16>
      %select_n3A_589 = arith.select %ge3A_585, %select_n3A_573, %select_n3A_588 : vector<16x256xi1>, vector<16x256xbf16>
      %mul3A_590 = arith.mulf %mul3A_551, %select_n3A_589 : vector<16x256xbf16>
      %add3A_591 = arith.addf %add3A_541, %mul3A_590 : vector<16x256xbf16>
      %get3A_592 = arith.index_cast %mul3A_43 : i32 to index
      %get3A_593 = arith.constant 2816 : index
      %get3A_594 = vector.load %arg2[%get3A_592, %get3A_593] : memref<256x4096xf32, #tpu.memory_space<vmem>>, vector<16x256xf32>
      %get3A_595 = arith.index_cast %mul3A_43 : i32 to index
      %get3A_596 = arith.constant 2816 : index
      %get3A_597 = vector.load %arg3[%get3A_595, %get3A_596] : memref<256x4096xf32, #tpu.memory_space<vmem>>, vector<16x256xf32>
      %convert_element_type3A_598 = arith.truncf %get3A_594 : vector<16x256xf32> to vector<16x256xbf16>
      %convert_element_type3A_599 = arith.truncf %get3A_597 : vector<16x256xf32> to vector<16x256xbf16>
      %sub3A_600 = arith.subf %convert_element_type3A_598, %convert_element_type3A_599 : vector<16x256xbf16>
      %mul3A_601 = arith.mulf %sub3A_600, %sub3A_600 : vector<16x256xbf16>
      %ge3A_602 = arith.constant 4.500000e+00 : bf16
      %ge3A_603 = vector.broadcast %ge3A_602 : bf16 to vector<16x256xbf16>
      %ge3A_604 = arith.cmpf oge, %convert_element_type3A_599, %ge3A_603 : vector<16x256xbf16>
      %sub3A_605 = arith.constant 5.000000e+00 : bf16
      %sub3A_606 = vector.broadcast %sub3A_605 : bf16 to vector<16x256xbf16>
      %sub3A_607 = arith.subf %convert_element_type3A_599, %sub3A_606 : vector<16x256xbf16>
      %select_n3A_608 = arith.select %ge3A_604, %sub3A_607, %convert_element_type3A_599 : vector<16x256xi1>, vector<16x256xbf16>
      %broadcast_in_dim3A_609 = vector.broadcast %convert_element_type3A_15 : bf16 to vector<16x256xbf16>
      %broadcast_in_dim3A_610 = vector.broadcast %convert_element_type3A : bf16 to vector<16x256xbf16>
      %select_n3A_611 = arith.select %ge3A_604, %broadcast_in_dim3A_609, %broadcast_in_dim3A_610 : vector<16x256xi1>, vector<16x256xbf16>
      %broadcast_in_dim3A_612 = vector.broadcast %convert_element_type3A_18 : bf16 to vector<16x256xbf16>
      %broadcast_in_dim3A_613 = vector.broadcast %convert_element_type3A_3 : bf16 to vector<16x256xbf16>
      %select_n3A_614 = arith.select %ge3A_604, %broadcast_in_dim3A_612, %broadcast_in_dim3A_613 : vector<16x256xi1>, vector<16x256xbf16>
      %broadcast_in_dim3A_615 = vector.broadcast %convert_element_type3A_21 : bf16 to vector<16x256xbf16>
      %broadcast_in_dim3A_616 = vector.broadcast %convert_element_type3A_6 : bf16 to vector<16x256xbf16>
      %select_n3A_617 = arith.select %ge3A_604, %broadcast_in_dim3A_615, %broadcast_in_dim3A_616 : vector<16x256xi1>, vector<16x256xbf16>
      %broadcast_in_dim3A_618 = vector.broadcast %convert_element_type3A_24 : bf16 to vector<16x256xbf16>
      %broadcast_in_dim3A_619 = vector.broadcast %convert_element_type3A_9 : bf16 to vector<16x256xbf16>
      %select_n3A_620 = arith.select %ge3A_604, %broadcast_in_dim3A_618, %broadcast_in_dim3A_619 : vector<16x256xi1>, vector<16x256xbf16>
      %broadcast_in_dim3A_621 = vector.broadcast %convert_element_type3A_27 : bf16 to vector<16x256xbf16>
      %broadcast_in_dim3A_622 = vector.broadcast %convert_element_type3A_12 : bf16 to vector<16x256xbf16>
      %select_n3A_623 = arith.select %ge3A_604, %broadcast_in_dim3A_621, %broadcast_in_dim3A_622 : vector<16x256xi1>, vector<16x256xbf16>
      %ge3A_624 = arith.constant 5.000000e-01 : bf16
      %ge3A_625 = vector.broadcast %ge3A_624 : bf16 to vector<16x256xbf16>
      %ge3A_626 = arith.cmpf oge, %select_n3A_608, %ge3A_625 : vector<16x256xbf16>
      %ge3A_627 = arith.constant 1.500000e+00 : bf16
      %ge3A_628 = vector.broadcast %ge3A_627 : bf16 to vector<16x256xbf16>
      %ge3A_629 = arith.cmpf oge, %select_n3A_608, %ge3A_628 : vector<16x256xbf16>
      %ge3A_630 = arith.constant 2.500000e+00 : bf16
      %ge3A_631 = vector.broadcast %ge3A_630 : bf16 to vector<16x256xbf16>
      %ge3A_632 = arith.cmpf oge, %select_n3A_608, %ge3A_631 : vector<16x256xbf16>
      %ge3A_633 = arith.constant 3.500000e+00 : bf16
      %ge3A_634 = vector.broadcast %ge3A_633 : bf16 to vector<16x256xbf16>
      %ge3A_635 = arith.cmpf oge, %select_n3A_608, %ge3A_634 : vector<16x256xbf16>
      %select_n3A_636 = arith.select %ge3A_626, %select_n3A_614, %select_n3A_611 : vector<16x256xi1>, vector<16x256xbf16>
      %select_n3A_637 = arith.select %ge3A_629, %select_n3A_617, %select_n3A_636 : vector<16x256xi1>, vector<16x256xbf16>
      %select_n3A_638 = arith.select %ge3A_632, %select_n3A_620, %select_n3A_637 : vector<16x256xi1>, vector<16x256xbf16>
      %select_n3A_639 = arith.select %ge3A_635, %select_n3A_623, %select_n3A_638 : vector<16x256xi1>, vector<16x256xbf16>
      %mul3A_640 = arith.mulf %mul3A_601, %select_n3A_639 : vector<16x256xbf16>
      %add3A_641 = arith.addf %add3A_591, %mul3A_640 : vector<16x256xbf16>
      %get3A_642 = arith.index_cast %mul3A_43 : i32 to index
      %get3A_643 = arith.constant 3072 : index
      %get3A_644 = vector.load %arg2[%get3A_642, %get3A_643] : memref<256x4096xf32, #tpu.memory_space<vmem>>, vector<16x256xf32>
      %get3A_645 = arith.index_cast %mul3A_43 : i32 to index
      %get3A_646 = arith.constant 3072 : index
      %get3A_647 = vector.load %arg3[%get3A_645, %get3A_646] : memref<256x4096xf32, #tpu.memory_space<vmem>>, vector<16x256xf32>
      %convert_element_type3A_648 = arith.truncf %get3A_644 : vector<16x256xf32> to vector<16x256xbf16>
      %convert_element_type3A_649 = arith.truncf %get3A_647 : vector<16x256xf32> to vector<16x256xbf16>
      %sub3A_650 = arith.subf %convert_element_type3A_648, %convert_element_type3A_649 : vector<16x256xbf16>
      %mul3A_651 = arith.mulf %sub3A_650, %sub3A_650 : vector<16x256xbf16>
      %ge3A_652 = arith.constant 4.500000e+00 : bf16
      %ge3A_653 = vector.broadcast %ge3A_652 : bf16 to vector<16x256xbf16>
      %ge3A_654 = arith.cmpf oge, %convert_element_type3A_649, %ge3A_653 : vector<16x256xbf16>
      %sub3A_655 = arith.constant 5.000000e+00 : bf16
      %sub3A_656 = vector.broadcast %sub3A_655 : bf16 to vector<16x256xbf16>
      %sub3A_657 = arith.subf %convert_element_type3A_649, %sub3A_656 : vector<16x256xbf16>
      %select_n3A_658 = arith.select %ge3A_654, %sub3A_657, %convert_element_type3A_649 : vector<16x256xi1>, vector<16x256xbf16>
      %broadcast_in_dim3A_659 = vector.broadcast %convert_element_type3A_15 : bf16 to vector<16x256xbf16>
      %broadcast_in_dim3A_660 = vector.broadcast %convert_element_type3A : bf16 to vector<16x256xbf16>
      %select_n3A_661 = arith.select %ge3A_654, %broadcast_in_dim3A_659, %broadcast_in_dim3A_660 : vector<16x256xi1>, vector<16x256xbf16>
      %broadcast_in_dim3A_662 = vector.broadcast %convert_element_type3A_18 : bf16 to vector<16x256xbf16>
      %broadcast_in_dim3A_663 = vector.broadcast %convert_element_type3A_3 : bf16 to vector<16x256xbf16>
      %select_n3A_664 = arith.select %ge3A_654, %broadcast_in_dim3A_662, %broadcast_in_dim3A_663 : vector<16x256xi1>, vector<16x256xbf16>
      %broadcast_in_dim3A_665 = vector.broadcast %convert_element_type3A_21 : bf16 to vector<16x256xbf16>
      %broadcast_in_dim3A_666 = vector.broadcast %convert_element_type3A_6 : bf16 to vector<16x256xbf16>
      %select_n3A_667 = arith.select %ge3A_654, %broadcast_in_dim3A_665, %broadcast_in_dim3A_666 : vector<16x256xi1>, vector<16x256xbf16>
      %broadcast_in_dim3A_668 = vector.broadcast %convert_element_type3A_24 : bf16 to vector<16x256xbf16>
      %broadcast_in_dim3A_669 = vector.broadcast %convert_element_type3A_9 : bf16 to vector<16x256xbf16>
      %select_n3A_670 = arith.select %ge3A_654, %broadcast_in_dim3A_668, %broadcast_in_dim3A_669 : vector<16x256xi1>, vector<16x256xbf16>
      %broadcast_in_dim3A_671 = vector.broadcast %convert_element_type3A_27 : bf16 to vector<16x256xbf16>
      %broadcast_in_dim3A_672 = vector.broadcast %convert_element_type3A_12 : bf16 to vector<16x256xbf16>
      %select_n3A_673 = arith.select %ge3A_654, %broadcast_in_dim3A_671, %broadcast_in_dim3A_672 : vector<16x256xi1>, vector<16x256xbf16>
      %ge3A_674 = arith.constant 5.000000e-01 : bf16
      %ge3A_675 = vector.broadcast %ge3A_674 : bf16 to vector<16x256xbf16>
      %ge3A_676 = arith.cmpf oge, %select_n3A_658, %ge3A_675 : vector<16x256xbf16>
      %ge3A_677 = arith.constant 1.500000e+00 : bf16
      %ge3A_678 = vector.broadcast %ge3A_677 : bf16 to vector<16x256xbf16>
      %ge3A_679 = arith.cmpf oge, %select_n3A_658, %ge3A_678 : vector<16x256xbf16>
      %ge3A_680 = arith.constant 2.500000e+00 : bf16
      %ge3A_681 = vector.broadcast %ge3A_680 : bf16 to vector<16x256xbf16>
      %ge3A_682 = arith.cmpf oge, %select_n3A_658, %ge3A_681 : vector<16x256xbf16>
      %ge3A_683 = arith.constant 3.500000e+00 : bf16
      %ge3A_684 = vector.broadcast %ge3A_683 : bf16 to vector<16x256xbf16>
      %ge3A_685 = arith.cmpf oge, %select_n3A_658, %ge3A_684 : vector<16x256xbf16>
      %select_n3A_686 = arith.select %ge3A_676, %select_n3A_664, %select_n3A_661 : vector<16x256xi1>, vector<16x256xbf16>
      %select_n3A_687 = arith.select %ge3A_679, %select_n3A_667, %select_n3A_686 : vector<16x256xi1>, vector<16x256xbf16>
      %select_n3A_688 = arith.select %ge3A_682, %select_n3A_670, %select_n3A_687 : vector<16x256xi1>, vector<16x256xbf16>
      %select_n3A_689 = arith.select %ge3A_685, %select_n3A_673, %select_n3A_688 : vector<16x256xi1>, vector<16x256xbf16>
      %mul3A_690 = arith.mulf %mul3A_651, %select_n3A_689 : vector<16x256xbf16>
      %add3A_691 = arith.addf %add3A_641, %mul3A_690 : vector<16x256xbf16>
      %get3A_692 = arith.index_cast %mul3A_43 : i32 to index
      %get3A_693 = arith.constant 3328 : index
      %get3A_694 = vector.load %arg2[%get3A_692, %get3A_693] : memref<256x4096xf32, #tpu.memory_space<vmem>>, vector<16x256xf32>
      %get3A_695 = arith.index_cast %mul3A_43 : i32 to index
      %get3A_696 = arith.constant 3328 : index
      %get3A_697 = vector.load %arg3[%get3A_695, %get3A_696] : memref<256x4096xf32, #tpu.memory_space<vmem>>, vector<16x256xf32>
      %convert_element_type3A_698 = arith.truncf %get3A_694 : vector<16x256xf32> to vector<16x256xbf16>
      %convert_element_type3A_699 = arith.truncf %get3A_697 : vector<16x256xf32> to vector<16x256xbf16>
      %sub3A_700 = arith.subf %convert_element_type3A_698, %convert_element_type3A_699 : vector<16x256xbf16>
      %mul3A_701 = arith.mulf %sub3A_700, %sub3A_700 : vector<16x256xbf16>
      %ge3A_702 = arith.constant 4.500000e+00 : bf16
      %ge3A_703 = vector.broadcast %ge3A_702 : bf16 to vector<16x256xbf16>
      %ge3A_704 = arith.cmpf oge, %convert_element_type3A_699, %ge3A_703 : vector<16x256xbf16>
      %sub3A_705 = arith.constant 5.000000e+00 : bf16
      %sub3A_706 = vector.broadcast %sub3A_705 : bf16 to vector<16x256xbf16>
      %sub3A_707 = arith.subf %convert_element_type3A_699, %sub3A_706 : vector<16x256xbf16>
      %select_n3A_708 = arith.select %ge3A_704, %sub3A_707, %convert_element_type3A_699 : vector<16x256xi1>, vector<16x256xbf16>
      %broadcast_in_dim3A_709 = vector.broadcast %convert_element_type3A_15 : bf16 to vector<16x256xbf16>
      %broadcast_in_dim3A_710 = vector.broadcast %convert_element_type3A : bf16 to vector<16x256xbf16>
      %select_n3A_711 = arith.select %ge3A_704, %broadcast_in_dim3A_709, %broadcast_in_dim3A_710 : vector<16x256xi1>, vector<16x256xbf16>
      %broadcast_in_dim3A_712 = vector.broadcast %convert_element_type3A_18 : bf16 to vector<16x256xbf16>
      %broadcast_in_dim3A_713 = vector.broadcast %convert_element_type3A_3 : bf16 to vector<16x256xbf16>
      %select_n3A_714 = arith.select %ge3A_704, %broadcast_in_dim3A_712, %broadcast_in_dim3A_713 : vector<16x256xi1>, vector<16x256xbf16>
      %broadcast_in_dim3A_715 = vector.broadcast %convert_element_type3A_21 : bf16 to vector<16x256xbf16>
      %broadcast_in_dim3A_716 = vector.broadcast %convert_element_type3A_6 : bf16 to vector<16x256xbf16>
      %select_n3A_717 = arith.select %ge3A_704, %broadcast_in_dim3A_715, %broadcast_in_dim3A_716 : vector<16x256xi1>, vector<16x256xbf16>
      %broadcast_in_dim3A_718 = vector.broadcast %convert_element_type3A_24 : bf16 to vector<16x256xbf16>
      %broadcast_in_dim3A_719 = vector.broadcast %convert_element_type3A_9 : bf16 to vector<16x256xbf16>
      %select_n3A_720 = arith.select %ge3A_704, %broadcast_in_dim3A_718, %broadcast_in_dim3A_719 : vector<16x256xi1>, vector<16x256xbf16>
      %broadcast_in_dim3A_721 = vector.broadcast %convert_element_type3A_27 : bf16 to vector<16x256xbf16>
      %broadcast_in_dim3A_722 = vector.broadcast %convert_element_type3A_12 : bf16 to vector<16x256xbf16>
      %select_n3A_723 = arith.select %ge3A_704, %broadcast_in_dim3A_721, %broadcast_in_dim3A_722 : vector<16x256xi1>, vector<16x256xbf16>
      %ge3A_724 = arith.constant 5.000000e-01 : bf16
      %ge3A_725 = vector.broadcast %ge3A_724 : bf16 to vector<16x256xbf16>
      %ge3A_726 = arith.cmpf oge, %select_n3A_708, %ge3A_725 : vector<16x256xbf16>
      %ge3A_727 = arith.constant 1.500000e+00 : bf16
      %ge3A_728 = vector.broadcast %ge3A_727 : bf16 to vector<16x256xbf16>
      %ge3A_729 = arith.cmpf oge, %select_n3A_708, %ge3A_728 : vector<16x256xbf16>
      %ge3A_730 = arith.constant 2.500000e+00 : bf16
      %ge3A_731 = vector.broadcast %ge3A_730 : bf16 to vector<16x256xbf16>
      %ge3A_732 = arith.cmpf oge, %select_n3A_708, %ge3A_731 : vector<16x256xbf16>
      %ge3A_733 = arith.constant 3.500000e+00 : bf16
      %ge3A_734 = vector.broadcast %ge3A_733 : bf16 to vector<16x256xbf16>
      %ge3A_735 = arith.cmpf oge, %select_n3A_708, %ge3A_734 : vector<16x256xbf16>
      %select_n3A_736 = arith.select %ge3A_726, %select_n3A_714, %select_n3A_711 : vector<16x256xi1>, vector<16x256xbf16>
      %select_n3A_737 = arith.select %ge3A_729, %select_n3A_717, %select_n3A_736 : vector<16x256xi1>, vector<16x256xbf16>
      %select_n3A_738 = arith.select %ge3A_732, %select_n3A_720, %select_n3A_737 : vector<16x256xi1>, vector<16x256xbf16>
      %select_n3A_739 = arith.select %ge3A_735, %select_n3A_723, %select_n3A_738 : vector<16x256xi1>, vector<16x256xbf16>
      %mul3A_740 = arith.mulf %mul3A_701, %select_n3A_739 : vector<16x256xbf16>
      %add3A_741 = arith.addf %add3A_691, %mul3A_740 : vector<16x256xbf16>
      %get3A_742 = arith.index_cast %mul3A_43 : i32 to index
      %get3A_743 = arith.constant 3584 : index
      %get3A_744 = vector.load %arg2[%get3A_742, %get3A_743] : memref<256x4096xf32, #tpu.memory_space<vmem>>, vector<16x256xf32>
      %get3A_745 = arith.index_cast %mul3A_43 : i32 to index
      %get3A_746 = arith.constant 3584 : index
      %get3A_747 = vector.load %arg3[%get3A_745, %get3A_746] : memref<256x4096xf32, #tpu.memory_space<vmem>>, vector<16x256xf32>
      %convert_element_type3A_748 = arith.truncf %get3A_744 : vector<16x256xf32> to vector<16x256xbf16>
      %convert_element_type3A_749 = arith.truncf %get3A_747 : vector<16x256xf32> to vector<16x256xbf16>
      %sub3A_750 = arith.subf %convert_element_type3A_748, %convert_element_type3A_749 : vector<16x256xbf16>
      %mul3A_751 = arith.mulf %sub3A_750, %sub3A_750 : vector<16x256xbf16>
      %ge3A_752 = arith.constant 4.500000e+00 : bf16
      %ge3A_753 = vector.broadcast %ge3A_752 : bf16 to vector<16x256xbf16>
      %ge3A_754 = arith.cmpf oge, %convert_element_type3A_749, %ge3A_753 : vector<16x256xbf16>
      %sub3A_755 = arith.constant 5.000000e+00 : bf16
      %sub3A_756 = vector.broadcast %sub3A_755 : bf16 to vector<16x256xbf16>
      %sub3A_757 = arith.subf %convert_element_type3A_749, %sub3A_756 : vector<16x256xbf16>
      %select_n3A_758 = arith.select %ge3A_754, %sub3A_757, %convert_element_type3A_749 : vector<16x256xi1>, vector<16x256xbf16>
      %broadcast_in_dim3A_759 = vector.broadcast %convert_element_type3A_15 : bf16 to vector<16x256xbf16>
      %broadcast_in_dim3A_760 = vector.broadcast %convert_element_type3A : bf16 to vector<16x256xbf16>
      %select_n3A_761 = arith.select %ge3A_754, %broadcast_in_dim3A_759, %broadcast_in_dim3A_760 : vector<16x256xi1>, vector<16x256xbf16>
      %broadcast_in_dim3A_762 = vector.broadcast %convert_element_type3A_18 : bf16 to vector<16x256xbf16>
      %broadcast_in_dim3A_763 = vector.broadcast %convert_element_type3A_3 : bf16 to vector<16x256xbf16>
      %select_n3A_764 = arith.select %ge3A_754, %broadcast_in_dim3A_762, %broadcast_in_dim3A_763 : vector<16x256xi1>, vector<16x256xbf16>
      %broadcast_in_dim3A_765 = vector.broadcast %convert_element_type3A_21 : bf16 to vector<16x256xbf16>
      %broadcast_in_dim3A_766 = vector.broadcast %convert_element_type3A_6 : bf16 to vector<16x256xbf16>
      %select_n3A_767 = arith.select %ge3A_754, %broadcast_in_dim3A_765, %broadcast_in_dim3A_766 : vector<16x256xi1>, vector<16x256xbf16>
      %broadcast_in_dim3A_768 = vector.broadcast %convert_element_type3A_24 : bf16 to vector<16x256xbf16>
      %broadcast_in_dim3A_769 = vector.broadcast %convert_element_type3A_9 : bf16 to vector<16x256xbf16>
      %select_n3A_770 = arith.select %ge3A_754, %broadcast_in_dim3A_768, %broadcast_in_dim3A_769 : vector<16x256xi1>, vector<16x256xbf16>
      %broadcast_in_dim3A_771 = vector.broadcast %convert_element_type3A_27 : bf16 to vector<16x256xbf16>
      %broadcast_in_dim3A_772 = vector.broadcast %convert_element_type3A_12 : bf16 to vector<16x256xbf16>
      %select_n3A_773 = arith.select %ge3A_754, %broadcast_in_dim3A_771, %broadcast_in_dim3A_772 : vector<16x256xi1>, vector<16x256xbf16>
      %ge3A_774 = arith.constant 5.000000e-01 : bf16
      %ge3A_775 = vector.broadcast %ge3A_774 : bf16 to vector<16x256xbf16>
      %ge3A_776 = arith.cmpf oge, %select_n3A_758, %ge3A_775 : vector<16x256xbf16>
      %ge3A_777 = arith.constant 1.500000e+00 : bf16
      %ge3A_778 = vector.broadcast %ge3A_777 : bf16 to vector<16x256xbf16>
      %ge3A_779 = arith.cmpf oge, %select_n3A_758, %ge3A_778 : vector<16x256xbf16>
      %ge3A_780 = arith.constant 2.500000e+00 : bf16
      %ge3A_781 = vector.broadcast %ge3A_780 : bf16 to vector<16x256xbf16>
      %ge3A_782 = arith.cmpf oge, %select_n3A_758, %ge3A_781 : vector<16x256xbf16>
      %ge3A_783 = arith.constant 3.500000e+00 : bf16
      %ge3A_784 = vector.broadcast %ge3A_783 : bf16 to vector<16x256xbf16>
      %ge3A_785 = arith.cmpf oge, %select_n3A_758, %ge3A_784 : vector<16x256xbf16>
      %select_n3A_786 = arith.select %ge3A_776, %select_n3A_764, %select_n3A_761 : vector<16x256xi1>, vector<16x256xbf16>
      %select_n3A_787 = arith.select %ge3A_779, %select_n3A_767, %select_n3A_786 : vector<16x256xi1>, vector<16x256xbf16>
      %select_n3A_788 = arith.select %ge3A_782, %select_n3A_770, %select_n3A_787 : vector<16x256xi1>, vector<16x256xbf16>
      %select_n3A_789 = arith.select %ge3A_785, %select_n3A_773, %select_n3A_788 : vector<16x256xi1>, vector<16x256xbf16>
      %mul3A_790 = arith.mulf %mul3A_751, %select_n3A_789 : vector<16x256xbf16>
      %add3A_791 = arith.addf %add3A_741, %mul3A_790 : vector<16x256xbf16>
      %get3A_792 = arith.index_cast %mul3A_43 : i32 to index
      %get3A_793 = arith.constant 3840 : index
      %get3A_794 = vector.load %arg2[%get3A_792, %get3A_793] : memref<256x4096xf32, #tpu.memory_space<vmem>>, vector<16x256xf32>
      %get3A_795 = arith.index_cast %mul3A_43 : i32 to index
      %get3A_796 = arith.constant 3840 : index
      %get3A_797 = vector.load %arg3[%get3A_795, %get3A_796] : memref<256x4096xf32, #tpu.memory_space<vmem>>, vector<16x256xf32>
      %convert_element_type3A_798 = arith.truncf %get3A_794 : vector<16x256xf32> to vector<16x256xbf16>
      %convert_element_type3A_799 = arith.truncf %get3A_797 : vector<16x256xf32> to vector<16x256xbf16>
      %sub3A_800 = arith.subf %convert_element_type3A_798, %convert_element_type3A_799 : vector<16x256xbf16>
      %mul3A_801 = arith.mulf %sub3A_800, %sub3A_800 : vector<16x256xbf16>
      %ge3A_802 = arith.constant 4.500000e+00 : bf16
      %ge3A_803 = vector.broadcast %ge3A_802 : bf16 to vector<16x256xbf16>
      %ge3A_804 = arith.cmpf oge, %convert_element_type3A_799, %ge3A_803 : vector<16x256xbf16>
      %sub3A_805 = arith.constant 5.000000e+00 : bf16
      %sub3A_806 = vector.broadcast %sub3A_805 : bf16 to vector<16x256xbf16>
      %sub3A_807 = arith.subf %convert_element_type3A_799, %sub3A_806 : vector<16x256xbf16>
      %select_n3A_808 = arith.select %ge3A_804, %sub3A_807, %convert_element_type3A_799 : vector<16x256xi1>, vector<16x256xbf16>
      %broadcast_in_dim3A_809 = vector.broadcast %convert_element_type3A_15 : bf16 to vector<16x256xbf16>
      %broadcast_in_dim3A_810 = vector.broadcast %convert_element_type3A : bf16 to vector<16x256xbf16>
      %select_n3A_811 = arith.select %ge3A_804, %broadcast_in_dim3A_809, %broadcast_in_dim3A_810 : vector<16x256xi1>, vector<16x256xbf16>
      %broadcast_in_dim3A_812 = vector.broadcast %convert_element_type3A_18 : bf16 to vector<16x256xbf16>
      %broadcast_in_dim3A_813 = vector.broadcast %convert_element_type3A_3 : bf16 to vector<16x256xbf16>
      %select_n3A_814 = arith.select %ge3A_804, %broadcast_in_dim3A_812, %broadcast_in_dim3A_813 : vector<16x256xi1>, vector<16x256xbf16>
      %broadcast_in_dim3A_815 = vector.broadcast %convert_element_type3A_21 : bf16 to vector<16x256xbf16>
      %broadcast_in_dim3A_816 = vector.broadcast %convert_element_type3A_6 : bf16 to vector<16x256xbf16>
      %select_n3A_817 = arith.select %ge3A_804, %broadcast_in_dim3A_815, %broadcast_in_dim3A_816 : vector<16x256xi1>, vector<16x256xbf16>
      %broadcast_in_dim3A_818 = vector.broadcast %convert_element_type3A_24 : bf16 to vector<16x256xbf16>
      %broadcast_in_dim3A_819 = vector.broadcast %convert_element_type3A_9 : bf16 to vector<16x256xbf16>
      %select_n3A_820 = arith.select %ge3A_804, %broadcast_in_dim3A_818, %broadcast_in_dim3A_819 : vector<16x256xi1>, vector<16x256xbf16>
      %broadcast_in_dim3A_821 = vector.broadcast %convert_element_type3A_27 : bf16 to vector<16x256xbf16>
      %broadcast_in_dim3A_822 = vector.broadcast %convert_element_type3A_12 : bf16 to vector<16x256xbf16>
      %select_n3A_823 = arith.select %ge3A_804, %broadcast_in_dim3A_821, %broadcast_in_dim3A_822 : vector<16x256xi1>, vector<16x256xbf16>
      %ge3A_824 = arith.constant 5.000000e-01 : bf16
      %ge3A_825 = vector.broadcast %ge3A_824 : bf16 to vector<16x256xbf16>
      %ge3A_826 = arith.cmpf oge, %select_n3A_808, %ge3A_825 : vector<16x256xbf16>
      %ge3A_827 = arith.constant 1.500000e+00 : bf16
      %ge3A_828 = vector.broadcast %ge3A_827 : bf16 to vector<16x256xbf16>
      %ge3A_829 = arith.cmpf oge, %select_n3A_808, %ge3A_828 : vector<16x256xbf16>
      %ge3A_830 = arith.constant 2.500000e+00 : bf16
      %ge3A_831 = vector.broadcast %ge3A_830 : bf16 to vector<16x256xbf16>
      %ge3A_832 = arith.cmpf oge, %select_n3A_808, %ge3A_831 : vector<16x256xbf16>
      %ge3A_833 = arith.constant 3.500000e+00 : bf16
      %ge3A_834 = vector.broadcast %ge3A_833 : bf16 to vector<16x256xbf16>
      %ge3A_835 = arith.cmpf oge, %select_n3A_808, %ge3A_834 : vector<16x256xbf16>
      %select_n3A_836 = arith.select %ge3A_826, %select_n3A_814, %select_n3A_811 : vector<16x256xi1>, vector<16x256xbf16>
      %select_n3A_837 = arith.select %ge3A_829, %select_n3A_817, %select_n3A_836 : vector<16x256xi1>, vector<16x256xbf16>
      %select_n3A_838 = arith.select %ge3A_832, %select_n3A_820, %select_n3A_837 : vector<16x256xi1>, vector<16x256xbf16>
      %select_n3A_839 = arith.select %ge3A_835, %select_n3A_823, %select_n3A_838 : vector<16x256xi1>, vector<16x256xbf16>
      %mul3A_840 = arith.mulf %mul3A_801, %select_n3A_839 : vector<16x256xbf16>
      %add3A_841 = arith.addf %add3A_791, %mul3A_840 : vector<16x256xbf16>
      %convert_element_type3A_842 = arith.extf %add3A_841 : vector<16x256xbf16> to vector<16x256xf32>
      %add3A_843 = arith.addf %scan3A_42, %convert_element_type3A_842 : vector<16x256xf32>
      scf.yield %add3A_843 : vector<16x256xf32>
    }
    %scan3A_33 = arith.constant 16 : i32
    %reduce_sum3A = vector.shape_cast %scan3A_32 : vector<16x256xf32> to vector<1x16x256xf32>
    %reduce_sum3A_34 = arith.constant dense<0.000000e+00> : vector<1xf32>
    %reduce_sum3A_35 = vector.multi_reduction <add>, %reduce_sum3A, %reduce_sum3A_34 [1, 2] : vector<1x16x256xf32> to vector<1xf32>
    %reduce_sum3A_36 = vector.shape_cast %reduce_sum3A_35 : vector<1xf32> to vector<1x1x1xf32>
    %reduce_sum3A_37 = vector.extract %reduce_sum3A_36[0, 0, 0] : f32 from vector<1x1x1xf32>
    %swap3A = arith.constant 0 : index
    %swap3A_38 = arith.constant 0 : index
    %swap3A_39 = arith.constant 0 : index
    %swap3A_40 = memref.load %arg4[%swap3A, %swap3A_38, %swap3A_39] : memref<1x1x1xf32, #tpu.memory_space<smem>>
    memref.store %reduce_sum3A_37, %arg4[%swap3A, %swap3A_38, %swap3A_39] : memref<1x1x1xf32, #tpu.memory_space<smem>>
    return
  }
  func.func @transform_0(%arg0: i32) -> i32 {
    %c0_i32 = arith.constant 0 : i32
    %c0_i32_0 = arith.constant 0 : i32
    return %c0_i32 : i32
  }
  func.func @transform_1(%arg0: i32) -> (i32, i32) {
    %add3A = arith.constant 15 : i32
    %add3A_0 = arith.addi %arg0, %add3A : i32
    %c0_i32 = arith.constant 0 : i32
    %c0_i32_1 = arith.constant 0 : i32
    return %add3A_0, %c0_i32 : i32, i32
  }
  func.func @transform_2(%arg0: i32) -> (i32, i32) {
    %add3A = arith.constant 15 : i32
    %add3A_0 = arith.addi %arg0, %add3A : i32
    %c0_i32 = arith.constant 0 : i32
    %c0_i32_1 = arith.constant 0 : i32
    return %add3A_0, %c0_i32 : i32, i32
  }
  func.func @transform_3(%arg0: i32) -> (i32, i32, i32) {
    %c0_i32 = arith.constant 0 : i32
    %c0_i32_0 = arith.constant 0 : i32
    %c0_i32_1 = arith.constant 0 : i32
    return %arg0, %c0_i32, %c0_i32_0 : i32, i32, i32
  }
}

</mosaic_0001>

<sc_bundles>
// kernel: kernel.4.cloned.1.call-start
scs
__scs_entry_jumppad:
0x0: {  	(pc) =	sbr.rel $0x88, $3  }
0x1: {  	(tag) =	ssettag $0x0;
	lr =	simm.s32 $0x1  }
0x2: {  	[smem:$0x3F9E] =	sst lr;
	_ =	strace $0xD0000000  }
0x3: {  	_ = 	snop  }
0x4: {  	_ = 	snop  }
0x5: {  	_ = 	snop  }
0x6: {  	_ = 	snop  }
0x7: {  	_ = 	snop  }
__scs_overlays_trampoline_lowered:
0x8: {  	[smem:$0x3FAD] =	sst s0  }
0x9: {  	[smem:$0x3FAE] =	sst s1  }
0xa: {  	[smem:$0x3FAF] =	sst s2  }
0xb: {  	[smem:$0x3FB0] =	sst s3  }
0xc: {  	[smem:$0x3FB1] =	sst s4  }
0xd: {  	[smem:$0x3FB2] =	sst s5  }
0xe: {  	[smem:$0x3FB3] =	sst s6  }
0xf: {  	[smem:$0x3FB4] =	sst s7  }
0x10: {  	[smem:$0x3FB5] =	sst s8  }
0x11: {  	[smem:$0x3FB6] =	sst s9;
	s0 =	simm.s32 @!p0 $0x0  }
0x12: {  	s1 =	sld [smem:$0x3F9C];
	s0 =	simm.s32 @p0 $0x1  }
0x13: {  	[smem:$0x3FB7] =	sst s0;
	s0 =	simm.s32 @!p1 $0x0  }
0x14: {  	s2 =	sld [smem:$0x3F9B];
	s0 =	simm.s32 @p1 $0x1  }
0x15: {  	[smem:$0x3FB8] =	sst s0;
	s0 =	simm.s32 @!p2 $0x0  }
0x16: {  	s3 =	sld [smem:$0x3FDB];
	s0 =	simm.s32 @p2 $0x1  }
0x17: {  	s4 =	simm.s32 $0x1BF5;
	[smem:$0x3FBA] =	sst s0  }
0x18: {  	s0 =	sld [smem:$0x3F9D];
	_ =	swait.ge [sflag:s4], $0x0  }
0x19: {  	s7 =	sld [smem:$0x3F9E]  }
0x1a: {  	s8 =	sadd.s32 $0xFFFFE003, lr  }
0x1b: {  	s9 =	sadd.s32 $0xFFFFFEF7, lr;
	s5 =	simm.s32 $0xFFFFFFFF;
	p2 =	slt.u32 s8, $0xFFFFF086  }
0x1c: {  	p1 =	slt.u32 s9, $0xF7A;
	s5 =	simm.s32 @!p2 $0x0  }
0x1d: {  	s5 =	simm.s32 @p1 $0x1;
	p0 =	seq.s32 s7, s2  }
0x1e: {  	s7 =	smul.u32 @!p0 $0xF7A, s2;
	p2 =	seq.s32 @!p0 s5, $0x0  }
0x1f: {  	s9 =	smul.u32 $0xF7A, s1;
	s8 =	simm.s32 @!p0 $0x1BF5;
	p2 =	por !p2, p0  }
0x20: {  	[sflag:s8] =	ssyncset.s32 @!p0 $0xFFFFF086;
	s6 =	sadd.s32 @!p0 s3, s7;
	s7 =	simm.s32 @!p0 $0x108  }
0x21: {  	s3 =	sadd.s32 s3, s9;
	s6 =	sadd.s32 @!p0 $0x88, s6;
	s7 =	simm.s32 @p2 $0x1082  }
0x22: {  	[simem:s7], [sflag:s8] =	dma.local @!p0 [hbm:s6], $0xF7A  }
0x23: {  	s9 =	sor.u32 $0xD0000000, s2;
	s6 =	simm.s32 $0x108;
	_ =	swait.ge @!p0 [sflag:s8], $0x0  }
0x24: {  	s3 =	sadd.s32 $0x88, s3;
	s6 =	simm.s32 @!p1 $0x1082;
	[sflag:s4] =	ssyncset.s32 $0xFFFFF086  }
0x25: {  	[simem:s6], [sflag:s4] =	dma.local [hbm:s3], $0xF7A  }
0x26: {  	[smem:$0x3F9E] =	sst s1;
	(tag) =	ssettag s2;
	_ =	strace s9  }
0x27: {  	s1 =	sld [smem:$0x3FAE]  }
0x28: {  	s2 =	sld [smem:$0x3FAF]  }
0x29: {  	s4 =	sld [smem:$0x3FB1]  }
0x2a: {  	p0 =	seq.s32 s5, $0x0;
	s5 =	sld [smem:$0x3FB2]  }
0x2b: {  	s6 =	sld [smem:$0x3FB3]  }
0x2c: {  	s7 =	sld [smem:$0x3FB4]  }
0x2d: {  	s3 =	simm.s32 $0x108;
	s8 =	sld [smem:$0x3FB5]  }
0x2e: {  	s3 =	simm.s32 @!p0 $0x1082;
	s9 =	sld [smem:$0x3FB6]  }
0x2f: {  	lr =	sadd.s32 s0, s3;
	s0 =	sld [smem:$0x3FAD]  }
0x30: {  	s3 =	sld [smem:$0x3FB0]  }
0x31: {  	[smem:$0x3FB9] =	sst s10  }
0x32: {  	s10 =	sld [smem:$0x3FB7];
	_ =	sdelay $0x3  }
0x33: {  	p0 =	seq.s32 s10, $0x1;
	s10 =	sld [smem:$0x3FB9];
	_ =	sdelay $0x3  }
0x34: {  	[smem:$0x3FB9] =	sst s10  }
0x35: {  	s10 =	sld [smem:$0x3FB8];
	_ =	sdelay $0x3  }
0x36: {  	p1 =	seq.s32 s10, $0x1;
	s10 =	sld [smem:$0x3FB9];
	_ =	sdelay $0x3  }
0x37: {  	[smem:$0x3FB9] =	sst s10  }
0x38: {  	s10 =	sld [smem:$0x3FBA]  }
0x39: {  	_ = 	snop;
	(pc) =	sbr.ind lr, $3  }
0x3a: {  	_ = 	snop  }
0x3b: {  	_ = 	snop  }
0x3c: {  	p2 =	seq.s32 s10, $0x1;
	s10 =	sld [smem:$0x3FB9]  }
0x3d: {  	_ =	shalt  }
0x3e: {  	_ =	shalt  }
0x3f: {  	_ =	shalt  }
0x40: {  	_ =	shalt  }
0x41: {  	_ =	shalt  }
0x42: {  	_ =	shalt  }
0x43: {  	_ =	shalt  }
0x44: {  	_ =	shalt  }
0x45: {  	_ =	shalt  }
0x46: {  	_ =	shalt  }
0x47: {  	_ =	shalt  }
0x48: {  	_ =	shalt  }
0x49: {  	_ =	shalt  }
0x4a: {  	_ =	shalt  }
0x4b: {  	_ =	shalt  }
0x4c: {  	_ =	shalt  }
0x4d: {  	_ =	shalt  }
0x4e: {  	_ =	shalt  }
0x4f: {  	_ =	shalt  }
0x50: {  	_ =	shalt  }
0x51: {  	_ =	shalt  }
0x52: {  	_ =	shalt  }
0x53: {  	_ =	shalt  }
0x54: {  	_ =	shalt  }
0x55: {  	_ =	shalt  }
0x56: {  	_ =	shalt  }
0x57: {  	_ =	shalt  }
0x58: {  	_ =	shalt  }
0x59: {  	_ =	shalt  }
0x5a: {  	_ =	shalt  }
0x5b: {  	_ =	shalt  }
0x5c: {  	_ =	shalt  }
0x5d: {  	_ =	shalt  }
0x5e: {  	_ =	shalt  }
0x5f: {  	_ =	shalt  }
0x60: {  	_ =	shalt  }
0x61: {  	_ =	shalt  }
0x62: {  	_ =	shalt  }
0x63: {  	_ =	shalt  }
0x64: {  	_ =	shalt  }
0x65: {  	_ =	shalt  }
0x66: {  	_ =	shalt  }
0x67: {  	_ =	shalt  }
0x68: {  	_ =	shalt  }
0x69: {  	_ =	shalt  }
0x6a: {  	_ =	shalt  }
0x6b: {  	_ =	shalt  }
0x6c: {  	_ =	shalt  }
0x6d: {  	_ =	shalt  }
0x6e: {  	_ =	shalt  }
0x6f: {  	_ =	shalt  }
0x70: {  	_ =	shalt  }
0x71: {  	_ =	shalt  }
0x72: {  	_ =	shalt  }
0x73: {  	_ =	shalt  }
0x74: {  	_ =	shalt  }
0x75: {  	_ =	shalt  }
0x76: {  	_ =	shalt  }
0x77: {  	_ =	shalt  }
0x78: {  	_ =	shalt  }
0x79: {  	_ =	shalt  }
0x7a: {  	_ =	shalt  }
0x7b: {  	_ =	shalt  }
0x7c: {  	_ =	shalt  }
0x7d: {  	_ =	shalt  }
0x7e: {  	_ =	shalt  }
0x7f: {  	_ =	shalt  }
0x80: {  	_ =	shalt  }
0x81: {  	_ =	shalt  }
0x82: {  	_ =	shalt  }
0x83: {  	_ =	shalt  }
0x84: {  	_ =	shalt  }
0x85: {  	_ =	shalt  }
0x86: {  	_ =	shalt  }
0x87: {  	_ =	shalt  }
.Lfunc_end0:
.L_simem_size_0:
called_computation_lowered:
.L_overlay_start_0:
0x88: {  	s0 =	sld [smem:$0x3FD9]  }
0x89: {  	s1 =	sld [smem:$0x3FFE];
	_ =	sdelay $0x3  }
0x8a: {  	s0 =	sadd.s32 s1, s0  }
0x8b: {  	[smem:$0x3FC5] =	sst s0  }
0x8c: {  	_ = 	snop  }
0x8d: {  	s0 =	sld [smem:$0x3FC9]  }
0x8e: {  	s16 =	sld [smem:$0x3FC8];
	(tm) =	ssettm $0x1  }
0x8f: {  	s2 =	sld [smem:$0x3FFB];
	_ =	sdelay $0x3  }
0x90: {  	_ =	strace s2  }
0x91: {  	s2 =	sld [smem:$0x3FFC];
	_ =	sdelay $0x3  }
0x92: {  	_ =	strace s2  }
0x93: {  	s2 =	sld [smem:$0x3FFD];
	_ =	sdelay $0x3  }
0x94: {  	_ =	strace s2  }
0x95: {  	_ =	strace $0x8FFFFFFF  }
0x96: {  	s17 =	sld [smem:$0x3FDB];
	_ =	sdelay $0x1  }
0x97: {  	s3 =	simm.s32 $_scs_section_size  }
0x98: {  	s4 =	simm.s32 $_size__tile_overlayer_lowered;
	s5 =	simm.s32 $_tile_overlayer_lowered  }
0x99: {  	s20 =	simm.s32 $0x1BFF;
	s19 =	sshll.u32 s5, $0x1;
	s2 =	sadd.s32 s3, s17  }
0x9a: {  	s6 =	simm.s32 $0x0;
	s18 =	sshll.u32 s4, $0x1;
	s4 =	sadd.s32 s19, s2  }
0x9b: {  	[timem:s6], [sflag:s20] =	dma.local [hbm:s4], s18  }
0x9c: {  	_ =	swait.ge [sflag:s20], s18  }
0x9d: {  	s3 =	ssub.s32 $0x0, s18;
	[sflag:s20] =	ssyncset.done $0x0  }
0x9e: {  	[sflag:s20] =	ssyncadd.s32 s3;
	_ =	sdelay $0x1  }
0x9f: {  	s21 =	simm.s32 $0x1B8B  }
0xa0: {  	_ =	swait.ge [sflag:s21], $0x1  }
0xa1: {  	[sflag:s21] =	ssyncset.done $0x0  }
0xa2: {  	s23 =	simm.s32 $0x1B8E;
	s22 =	sld [smem:$0x3FFE];
	[sflag:s21] =	ssyncadd.s32 $0xFFFFFFFF  }
0xa3: {  	s24 =	simm.s32 $execute0_lowered;
	[smem:$0x3FD2] =	sst s23  }
0xa4: {  	s4 =	sshll.u32 s24, $0x1;
	_ =	strace $0x80000046;
	[dreg:$0x1] =	wrdreg $0xFFFFFFFF  }
0xa5: {  	s25 =	simm.s32 $_size_execute0_lowered;
	s2 =	sadd.s32 s2, s4;
	[dreg:$0x0] =	wrdreg $0x0  }
0xa6: {  	s4 =	sshll.u32 s25, $0x1;
	[dreg:$0x2] =	wrdreg s2  }
0xa7: {  	[dreg:$0x3] =	wrdreg s4  }
0xa8: {  	[dreg:$0x4] =	wrdreg $0xC0  }
0xa9: {  	_ =	task [dreg:s6], $0x5FFFF  }
0xaa: {  	[dreg:$0x1] =	wrdreg $0xFFFFFFFF  }
0xab: {  	[dreg:$0x0] =	wrdreg $0x60  }
0xac: {  	[dreg:$0x2] =	wrdreg s0  }
0xad: {  	[dreg:$0x3] =	wrdreg s16  }
0xae: {  	[dreg:$0x4] =	wrdreg s22  }
0xaf: {  	[dreg:$0x5] =	wrdreg $0x9  }
0xb0: {  	_ =	task.clear_ibuf [dreg:s6], $0x6FFFF;
	_ =	strace $0x90000046  }
0xb1: {  	s26 =	simm.s32 $0x9;
	_ =	strace $0x80000051  }
0xb2: {  	_ =	swait.ge [sflag:s26], $0x1  }
0xb3: {  	[sflag:s26] =	ssyncadd.s32 $0xFFFFFFFF  }
0xb4: {  	_ =	strace $0x90000051  }
0xb5: {  	_ =	sfence  }
0xb6: {  	s28 =	sld [smem:$0x0];
	_ =	sdelay $0x1  }
0xb7: {  	s29 =	srdreg.scid  }
0xb8: {  	s30 =	sshll.u32 s29, $0xD;
	s31 =	sshrl.u32 s29, $0x2  }
0xb9: {  	s1 =	sand.u32 $0x1, s29;
	s2 =	sand.u32 $0x4000, s30;
	s0 =	sadd.s32 s31, s28  }
0xba: {  	s1 =	sor.u32 s2, s1;
	s0 =	sshll.u32 s0, $0x11  }
0xbb: {  	s0 =	sor.u32 s0, s1  }
0xbc: {  	s0 =	sadd.s32 $0x8F2B, s0  }
0xbd: {  	[sflag:s0] =	ssyncadd.remote.s32 $0x1  }
0xbe: {  	_ =	sfence.sel $0xFFFF  }
0xbf: {  	[dreg:$0x0] =	wrdreg $0xFFFFFFFF;
	(pc) =	sbr.abs _section_cstart, $3  }
0xc0: {  	[dreg:$0x1] =	wrdreg $0xFFFFFFFF  }
0xc1: {  	_ =	task.clear_ibuf [dreg:s6], $0x2FFFF;
	_ =	strace $0x9FFFFFFF  }
0xc2: {  	(tm) =	ssettm $0x7FFFFFFF  }
0xc3: {  	_ =	shalt  }
tec
execute0_lowered:
.L_overlay_start_1:
0x0: {  	(tag) =	ssettag $0x1  }
0x1: {  	s2 =	rddreg [dreg:$0x0]  }
0x2: {  	s3 =	rddreg [dreg:$0x1]  }
0x3: {  	s6 =	rddreg [dreg:$0x2]  }
0x4: {  	s0 =	rddreg [dreg:$0x3];
	s4 =	simm.s32 $0x0  }
0x5: {  	[smem:$0x7FF] =	sst s4  }
0x6: {  	s5 =	simm.s32 $0x1;
	s1 =	stileid.u32;
	_ =	strace $0x80000047  }
0x7: {  	[tilespmem:s4], [sflag:$0x1] =	stream.linear.gather [hbm4b:s6+s4], $0x80, $0x38;
	[tilespmem:$0x10100] =	vst v63  }
0x8: {  	s9 =	simm.s32 $0x200;
	s10 =	simm.s32 $0x400;
	_ =	swait.ge [sflag:s5], $0x80  }
0x9: {  	s11 =	simm.s32 $0x80;
	s7 =	smul.u32 $0x1E000, s1;
	[sflag:s5] =	ssyncset.done $0x0  }
0xa: {  	s31 =	simm.s32 $0x8080;
	s12 =	simm.s32 $0x1;
	[sflag:s5] =	ssyncadd.s32 $0xFFFFFF80  }
0xb: {  	s13 =	simm.s32 $0x0;
	s8 =	sadd.s32 s2, s7;
	_ =	strace $0x80000048  }
0xc: {  	[tilespmem:s11], [sflag:$0x1] =	stream.strided.gather [hbm4b:s8+s9], $0x4000, s10, s9, $0x200038;
	[tilespmem:$0x10100] =	vst v63  }
0xd: {  	s14 =	simm.s32 $0x0;
	s6 =	sadd.s32 $0x200, s6;
	s7 =	sadd.s32 s3, s7  }
0xe: {  	[tilespmem:s31], [sflag:$0x3] =	stream.strided.gather [hbm4b:s7+s9], $0x4000, s10, s9, $0x200038;
	[tilespmem:$0x10100] =	vst v63  }
0xf: {  	s8 =	simm.s32 $0x0;
	s11 =	simm.s32 $0x0;
	s7 =	smul.u32 $0x3C, s1  }
0x10: {  	s9 =	simm.s32 $0x0;
	s10 =	simm.s32 $0x0;
	_ =	strace $0x90000048  }
.LBB2_1:
0x11: {  	s15 =	smov.u32 s8;
	s8 =	sadd.s32 $0x1, s8  }
0x12: {  	p0 =	seq.s32 s8, $0x3C  }
0x13: {  	s8 =	simm.s32 @p0 $0x0;
	p0 =	seq.s32 s14, $0x3B  }
0x14: {  	p1 =	seq.s32 @!p0 s15, s8  }
0x15: {  	p2 =	por p1, p0  }
0x16: {  	s16 =	sadd.s32 @!p2 s7, s8  }
0x17: {  	s17 =	sshll.u32 @!p2 s8, $0x9;
	s16 =	sshll.u32 @!p2 s16, $0xE  }
0x18: {  	s18 =	sand.u32 @!p2 $0x1, s5;
	s17 =	sand.u32 @!p2 $0x200, s17;
	s16 =	sand.u32 @!p2 $0xFFFF8000, s16  }
0x19: {  	_ =	strace @!p2 $0x80000049;
	s21 =	simm.s32 @!p2 $0x200;
	s16 =	sor.u32 @!p2 s17, s16  }
0x1a: {  	s22 =	simm.s32 @!p2 $0x400;
	s17 =	sshll.u32 @!p2 s18, $0xE;
	s16 =	sshrl.u32 @!p2 s16, $0x3  }
0x1b: {  	s18 =	sadd.s32 @!p2 $0x1, s18;
	s17 =	sor.u32 @!p2 $0x80, s17;
	s19 =	sadd.s32 @!p2 s2, s16  }
0x1c: {  	[tilespmem:s17], [sflag:s18] =	stream.strided.gather @!p2 [hbm4b:s19+s21], $0x4000, s22, s21, $0x200038;
	[tilespmem:$0x10100] =	vst v63  }
0x1d: {  	s17 =	sand.u32 @!p2 $0x1, s12  }
0x1e: {  	s16 =	sadd.s32 @!p2 s3, s16;
	_ =	strace @!p2 $0x90000049;
	s18 =	sshll.u32 @!p2 s17, $0xE  }
0x1f: {  	s17 =	sadd.s32 @!p2 $0x3, s17;
	_ =	strace @!p2 $0x8000004A;
	s18 =	sor.u32 @!p2 $0x8080, s18  }
0x20: {  	[tilespmem:s18], [sflag:s17] =	stream.strided.gather @!p2 [hbm4b:s16+s21], $0x4000, s22, s21, $0x200038;
	[tilespmem:$0x10100] =	vst v63  }
0x21: {  	s21 =	sand.u32 $0x1, s13;
	_ =	strace @!p2 $0x9000004A  }
0x22: {  	s22 =	sadd.s32 $0x1, s21;
	_ =	strace $0x8000004B  }
0x23: {  	_ =	swait.ge [sflag:s22], $0x4000  }
0x24: {  	[sflag:s22] =	ssyncset.done $0x0  }
0x25: {  	s23 =	sand.u32 $0x1, s11;
	[sflag:s22] =	ssyncadd.s32 $0xFFFFC000  }
0x26: {  	s17 =	sshll.u32 s23, $0xE;
	_ =	strace $0x9000004B  }
0x27: {  	s24 =	sadd.s32 $0x3, s23;
	s18 =	sor.u32 $0x8080, s17;
	_ =	strace $0x8000004C  }
0x28: {  	v1 =	vmov s18;
	_ =	swait.ge [sflag:s24], $0x4000  }
0x29: {  	[sflag:s24] =	ssyncset.done $0x0  }
0x2a: {  	s25 =	sand.u32 $0x40, s4;
	s16 =	sshll.u32 s21, $0xE;
	[sflag:s24] =	ssyncadd.s32 $0xFFFFC000  }
0x2b: {  	s26 =	sand.u32 $0x3E00, s4;
	s16 =	sor.u32 $0x80, s16;
	_ =	strace $0x9000004C  }
0x2c: {  	s17 =	sor.u32 s25, s26;
	v0 =	vmov s16;
	_ =	strace $0x8000004D  }
0x2d: {  	v5 =	vld.idx.msk [tilespmem:v1+s17+$0x0 ss:$0x1], $0xffff  }
0x2e: {  	s19 =	sor.u32 $0x10, s17  }
0x2f: {  	s28 =	sor.u32 $0x20, s17;
	v6 =	vld.idx.msk [tilespmem:v1+s19+$0x0 ss:$0x1], $0xffff  }
0x30: {  	v7 =	vld.idx.msk [tilespmem:v1+s28+$0x0 ss:$0x1], $0xffff  }
0x31: {  	v8 =	vld.idx.msk [tilespmem:v0+s17+$0x0 ss:$0x1], $0xffff  }
0x32: {  	s17 =	sor.u32 $0x30, s17;
	v13 =	vld.idx.msk [tilespmem:v0+s28+$0x0 ss:$0x1], $0xffff;
	v2 =	vtrunc.f32 v5  }
0x33: {  	s29 =	simm.s32 $0x40;
	s23 =	simm.s32 $0x100;
	v12 =	vld.idx.msk [tilespmem:v1+s17+$0x0 ss:$0x1], $0xffff;
	v3 =	vcvt.f32.s32 v2  }
0x34: {  	s23 =	sand.u32 $0x3E00, s23;
	s22 =	sand.u32 $0x40, s29;
	v11 =	vld.idx.msk [tilespmem:v0+s19+$0x0 ss:$0x1], $0xffff;
	v4 =	vtrunc.f32 v6  }
0x35: {  	s22 =	sor.u32 s22, s23;
	v14 =	vld.idx.msk [tilespmem:v0+s17+$0x0 ss:$0x1], $0xffff;
	v9 =	vcvt.f32.s32 v4  }
0x36: {  	v8 =	vsub.f32 v8, v5;
	v5 =	vld.idx.msk [tilespmem:v0+s22+$0x0 ss:$0x1], $0xffff;
	v4 =	vtrunc.f32 v7  }
0x37: {  	s21 =	sor.u32 $0x10, s22;
	v2 =	vld.idx.msk [tilespmem:v1+s22+$0x0 ss:$0x1], $0xffff;
	v10 =	vcvt.f32.s32 v4  }
0x38: {  	v15 =	vtrunc.f32 v12;
	v4 =	vld.idx.msk [tilespmem:v1+s21+$0x0 ss:$0x1], $0xffff  }
0x39: {  	s25 =	sor.u32 $0x20, s22;
	v15 =	vcvt.f32.s32 v15;
	v16 =	vld.idx.msk [tilespmem:v3+s4+$0x0], $0xffff  }
0x3a: {  	v6 =	vsub.f32 v11, v6;
	v3 =	vld.idx.msk [tilespmem:v1+s25+$0x0 ss:$0x1], $0xffff  }
0x3b: {  	s24 =	sor.u32 $0x30, s22;
	v17 =	vld.idx.msk [tilespmem:v9+s4+$0x0], $0xffff  }
0x3c: {  	v22 =	vsub.f32 v13, v7;
	v7 =	vld.idx.msk [tilespmem:v0+s24+$0x0 ss:$0x1], $0xffff;
	v19 =	vmul.f32 v8, v8;
	v21 =	vmul.f32 v6, v6  }
0x3d: {  	s20 =	smov.u32 s5;
	s30 =	simm.s32 $0x80;
	s23 =	simm.s32 $0x200;
	v18 =	vtrunc.f32 v2;
	v20 =	vtrunc.f32 v4;
	v9 =	vld.idx.msk [tilespmem:v10+s4+$0x0], $0xffff  }
0x3e: {  	p1 =	por !p1, p0;
	s31 =	sand.u32 $0x3E00, s23;
	s17 =	sand.u32 $0x40, s30;
	v8 =	vld.idx.msk [tilespmem:v1+s24+$0x0 ss:$0x1], $0xffff;
	v10 =	vcvt.f32.s32 v18;
	v18 =	vimm.f32 $0.0e+00;
	v19 =	vmul.f32 v19, v16  }
0x3f: {  	s19 =	sadd.s32 @!p2 $0x1, s5;
	s22 =	sor.u32 s17, s31;
	s17 =	simm.s32 $0x0;
	v11 =	vld.idx.msk [tilespmem:v15+s4+$0x0], $0xffff;
	v13 =	vcvt.f32.s32 v20;
	v15 =	vsub.f32 v14, v12;
	v20 =	vtrunc.f32 v3  }
0x40: {  	s5 =	smov.u32 @p1 s19;
	s19 =	sadd.s32 s7, s15;
	v6 =	vld.idx.msk [tilespmem:v1+s22+$0x0 ss:$0x1], $0xffff;
	s17 =	simm.s32 @p1 $0x1;
	v16 =	vmul.f32 v21, v17;
	v17 =	vmul.f32 v22, v22;
	v18 =	vadd.f32 v19, v18  }
0x41: {  	s5 =	smov.u32 @p0 s20;
	s24 =	simm.s32 $0xC0;
	s17 =	simm.s32 @p0 $0x0;
	v12 =	vld.idx.msk [tilespmem:v0+s25+$0x0 ss:$0x1], $0xffff;
	v14 =	vcvt.f32.s32 v20  }
.LBB2_2:
0x42: {  	p1 =	sne.s32 s24, $0xFC0;
	v19 =	vld.idx.msk [tilespmem:v0+s21+$0x0 ss:$0x1], $0xffff;
	s21 =	sor.u32 $0x10, s22;
	v16 =	vadd.f32 v16, v18;
	v9 =	vmul.f32 v17, v9;
	v15 =	vmul.f32 v15, v15  }
0x43: {  	s20 =	simm.s32 $0x0;
	v18 =	vtrunc.f32 v8;
	v20 =	vmov v8;
	v17 =	vld.idx.msk [tilespmem:v1+s21+$0x0 ss:$0x1], $0xffff  }
0x44: {  	s25 =	sor.u32 $0x20, s22;
	v18 =	vcvt.f32.s32 v18;
	v21 =	vld.idx.msk [tilespmem:v10+s20+$0x0], $0xffff;
	v8 =	vadd.f32 v9, v16;
	v9 =	vmul.f32 v15, v11  }
0x45: {  	v16 =	vld.idx.msk [tilespmem:v1+s25+$0x0 ss:$0x1], $0xffff  }
0x46: {  	v10 =	vsub.f32 v5, v2;
	v2 =	vmov v6;
	v22 =	vld.idx.msk [tilespmem:v13+s20+$0x0], $0xffff;
	v23 =	vadd.f32 v9, v8  }
0x47: {  	v5 =	vld.idx.msk [tilespmem:v0+s22+$0x0 ss:$0x1], $0xffff  }
0x48: {  	s26 =	sor.u32 $0x30, s22;
	s23 =	sadd.s32 $0x100, s23;
	v6 =	vtrunc.f32 v2;
	v11 =	vmul.f32 v10, v10;
	v13 =	vsub.f32 v19, v4;
	v9 =	vld.idx.msk [tilespmem:v14+s20+$0x0], $0xffff  }
.Ltmp0:
0x49: {  	s28 =	sand.u32 $0x3E00, s23;
	v10 =	vcvt.f32.s32 v6;
	s22 =	sand.u32 $0x40, s24;
	v14 =	vtrunc.f32 v17;
	v4 =	vmov v17;
	v8 =	vld.idx.msk [tilespmem:v1+s26+$0x0 ss:$0x1], $0xffff;
	(pc) =	sbr.rel @p1 .LBB2_2-.Ltmp0, $4  }
0x4a: {  	v12 =	vsub.f32 v12, v3;
	s22 =	sor.u32 s22, s28;
	v17 =	vmul.f32 v11, v21;
	v19 =	vmul.f32 v13, v13;
	v11 =	vld.idx.msk [tilespmem:v18+s20+$0x0], $0xffff  }
0x4b: {  	v15 =	vsub.f32 v7, v20;
	v13 =	vcvt.f32.s32 v14;
	v14 =	vtrunc.f32 v16;
	v3 =	vmovc v16;
	v6 =	vld.idx.msk [tilespmem:v1+s22+$0x0 ss:$0x1], $0xffff  }
0x4c: {  	v18 =	vadd.f32 v17, v23;
	v16 =	vmul.f32 v19, v22;
	v17 =	vmul.f32 v12, v12;
	v7 =	vld.idx.msk [tilespmem:v0+s26+$0x0 ss:$0x1], $0xffff  }
0x4d: {  	s24 =	sadd.s32 $0x40, s24;
	v14 =	vcvt.f32.s32 v14;
	v12 =	vld.idx.msk [tilespmem:v0+s25+$0x0 ss:$0x1], $0xffff  }
0x4e: {  	_ =	sdelay $0x3  }
0x4f: {  	v19 =	vld.idx.msk [tilespmem:v0+s21+$0x0 ss:$0x1], $0xffff  }
0x50: {  	s23 =	sor.u32 $0x10, s22;
	v10 =	vld.idx.msk [tilespmem:v10+s20+$0x0], $0xffff  }
0x51: {  	v16 =	vadd.f32 v16, v18;
	v43 =	vtrunc.f32 v8;
	v20 =	vld.idx.msk [tilespmem:v1+s23+$0x0 ss:$0x1], $0xffff  }
0x52: {  	s29 =	sor.u32 $0x20, s22;
	v9 =	vmul.f32 v17, v9;
	v2 =	vsub.f32 v5, v2;
	v44 =	vcvt.f32.s32 v43  }
0x53: {  	v15 =	vmul.f32 v15, v15;
	v45 =	vld.idx.msk [tilespmem:v1+s29+$0x0 ss:$0x1], $0xffff  }
0x54: {  	v13 =	vld.idx.msk [tilespmem:v13+s20+$0x0], $0xffff;
	s24 =	sor.u32 $0x30, s22;
	v9 =	vadd.f32 v9, v16;
	v46 =	vtrunc.f32 v6;
	v2 =	vmul.f32 v2, v2  }
0x55: {  	v1 =	vld.idx.msk [tilespmem:v1+s24+$0x0 ss:$0x1], $0xffff;
	v11 =	vmul.f32 v15, v11;
	v47 =	vcvt.f32.s32 v46;
	v4 =	vsub.f32 v19, v4  }
0x56: {  	v14 =	vld.idx.msk [tilespmem:v14+s20+$0x0], $0xffff;
	v3 =	vsub.f32 v12, v3;
	v2 =	vmul.f32 v2, v10;
	v48 =	vtrunc.f32 v20  }
0x57: {  	v49 =	vld.idx.msk [tilespmem:v0+s22+$0x0 ss:$0x1], $0xffff;
	v9 =	vadd.f32 v11, v9;
	v4 =	vmul.f32 v4, v4;
	v50 =	vcvt.f32.s32 v48  }
0x58: {  	v7 =	vsub.f32 v7, v8;
	v52 =	vtrunc.f32 v45;
	v3 =	vmul.f32 v3, v3;
	v51 =	vld.idx.msk [tilespmem:v44+s20+$0x0], $0xffff  }
0x59: {  	v54 =	vld.idx.msk [tilespmem:v0+s23+$0x0 ss:$0x1], $0xffff;
	v2 =	vadd.f32 v2, v9;
	v53 =	vcvt.f32.s32 v52;
	v4 =	vmul.f32 v4, v13  }
0x5a: {  	v55 =	vld.idx.msk [tilespmem:v0+s29+$0x0 ss:$0x1], $0xffff;
	v57 =	vmul.f32 v7, v7;
	v56 =	vtrunc.f32 v1  }
0x5b: {  	v3 =	vmul.f32 v3, v14;
	v14 =	vcvt.f32.s32 v56;
	v58 =	vld.idx.msk [tilespmem:v47+s20+$0x0], $0xffff;
	v2 =	vadd.f32 v4, v2  }
0x5c: {  	v0 =	vld.idx.msk [tilespmem:v0+s24+$0x0 ss:$0x1], $0xffff;
	v59 =	vsub.f32 v49, v6  }
0x5d: {  	v2 =	vadd.f32 v3, v2;
	v3 =	vmul.f32 v57, v51;
	v60 =	vld.idx.msk [tilespmem:v50+s20+$0x0], $0xffff  }
0x5e: {  	v6 =	vmul.f32 v59, v59;
	v9 =	vsub.f32 v54, v20  }
0x5f: {  	v2 =	vadd.f32 v3, v2;
	v3 =	vld.idx.msk [tilespmem:v53+s20+$0x0], $0xffff  }
0x60: {  	v5 =	vsub.f32 v55, v45;
	v61 =	vmul.f32 v9, v9;
	v6 =	vmul.f32 v6, v58  }
0x61: {  	v0 =	vsub.f32 v0, v1;
	v62 =	vld.idx.msk [tilespmem:v14+s20+$0x0], $0xffff  }
0x62: {  	v63 =	vmul.f32 v5, v5;
	v1 =	vadd.f32 v6, v2;
	v2 =	vmul.f32 v61, v60  }
0x63: {  	p2 =	por $0x1, $0x1  }
.Ltmp1:
0x64: {  	v0 =	vmul.f32 v0, v0;
	v1 =	vadd.f32 v2, v1;
	v2 =	vmul.f32 v63, v3;
	(pc) =	sbr.rel @!p2 .LBB2_4-.Ltmp1, $4  }
0x65: {  	_ = 	snop  }
0x66: {  	s30 =	sand.u32 $0x40, s20;
	s31 =	sand.u32 $0x3E00, s20;
	v0 =	vmul.f32 v0, v62;
	v1 =	vadd.f32 v2, v1  }
0x67: {  	p3 =	por $0x0, $0x0;
	s22 =	sor.u32 s30, s31  }
0x68: {  	p1 =	por $0x0, $0x0;
	s23 =	simm.s32 $0x40;
	s21 =	sor.u32 $0x90, s22;
	v0 =	vadd.f32 v0, v1  }
0x69: {  	s25 =	sor.u32 $0x80, s22;
	s26 =	sadd.s32 s21, s18  }
0x6a: {  	s24 =	sadd.s32 s25, s18;
	v14 =	vld [tilespmem:s26+$0x0]  }
0x6b: {  	v15 =	vld [tilespmem:s24+$0x0];
	s24 =	sor.u32 $0xA0, s22  }
0x6c: {  	s30 =	sadd.s32 s24, s18  }
0x6d: {  	s31 =	sor.u32 $0xB0, s22;
	p4 =	por $0x1, $0x1;
	v9 =	vld [tilespmem:s30+$0x0]  }
.Ltmp2:
0x6e: {  	s29 =	sadd.s32 s31, s16;
	(pc) =	sbr.rel @!p4 .LBB2_6-.Ltmp2, $4  }
0x6f: {  	s28 =	simm.s32 $0x100;
	v6 =	vld [tilespmem:s29+$0x0];
	s22 =	sadd.s32 s31, s18  }
0x70: {  	s23 =	sand.u32 $0x40, s23;
	s31 =	sadd.s32 s21, s16;
	v13 =	vld [tilespmem:s22+$0x0];
	s30 =	sand.u32 $0x3E00, s28;
	v3 =	vtrunc.f32 v14  }
0x71: {  	p3 =	por $0x1, $0x1;
	s24 =	sadd.s32 s24, s16;
	v4 =	vld [tilespmem:s31+$0x0];
	s22 =	sor.u32 s23, s30;
	v1 =	vtrunc.f32 v15;
	v3 =	vcvt.f32.s32 v3  }
0x72: {  	s25 =	sadd.s32 s25, s16;
	s21 =	sor.u32 $0x90, s22;
	v2 =	vcvt.f32.s32 v1;
	v1 =	vld [tilespmem:s24+$0x0];
	s24 =	simm.s32 $0x80;
	v16 =	vtrunc.f32 v9  }
0x73: {  	_ =	sdelay $0x1  }
0x74: {  	s26 =	sor.u32 $0x80, s22;
	s23 =	sadd.s32 s21, s18;
	v7 =	vld [tilespmem:s25+$0x0]  }
0x75: {  	s30 =	sadd.s32 s26, s18;
	v5 =	vld [tilespmem:s23+$0x0]  }
0x76: {  	v12 =	vcvt.f32.s32 v16;
	s28 =	sor.u32 $0xB0, s22;
	v11 =	vld [tilespmem:s30+$0x0]  }
0x77: {  	s25 =	sor.u32 $0xA0, s22;
	v16 =	vld.idx.msk [tilespmem:v2+s20+$0x0], $0xffff;
	s29 =	sadd.s32 s28, s16;
	v8 =	vtrunc.f32 v13  }
0x78: {  	s31 =	sadd.s32 s25, s18;
	v10 =	vld [tilespmem:s29+$0x0];
	v17 =	vcvt.f32.s32 v8;
	v4 =	vsub.f32 v4, v14  }
0x79: {  	v8 =	vld [tilespmem:s31+$0x0];
	v2 =	vsub.f32 v7, v15  }
0x7a: {  	p5 =	por $0x1, $0x1;
	s22 =	sadd.s32 s28, s18;
	v9 =	vsub.f32 v1, v9;
	v15 =	vld.idx.msk [tilespmem:v3+s20+$0x0], $0xffff;
	v19 =	vmul.f32 v4, v4  }
.Ltmp3:
0x7b: {  	v14 =	vld [tilespmem:s22+$0x0];
	v3 =	vtrunc.f32 v11;
	v18 =	vmul.f32 v2, v2;
	(pc) =	sbr.rel @!p5 .LBB2_8-.Ltmp3, $4  }
0x7c: {  	s23 =	simm.s32 $0x200;
	s25 =	sadd.s32 s25, s16;
	v7 =	vld.idx.msk [tilespmem:v12+s20+$0x0], $0xffff;
	v20 =	vmul.f32 v9, v9;
	v2 =	vcvt.f32.s32 v3  }
0x7d: {  	s30 =	sand.u32 $0x40, s24;
	s31 =	sand.u32 $0x3E00, s23;
	v1 =	vld [tilespmem:s25+$0x0];
	v3 =	vtrunc.f32 v5;
	v18 =	vmul.f32 v18, v16  }
0x7e: {  	p4 =	por $0x1, $0x1;
	s28 =	sadd.s32 s21, s16;
	s22 =	sor.u32 s30, s31;
	v12 =	vld.idx.msk [tilespmem:v17+s20+$0x0], $0xffff;
	v3 =	vcvt.f32.s32 v3;
	v16 =	vtrunc.f32 v8  }
0x7f: {  	s24 =	simm.s32 $0xC0;
	s25 =	sadd.s32 s26, s16;
	s21 =	sor.u32 $0x90, s22;
	v4 =	vld [tilespmem:s28+$0x0];
	v17 =	vsub.f32 v6, v13;
	v19 =	vmul.f32 v19, v15;
	v18 =	vadd.f32 v18, v0  }
.LBB2_9:
0x80: {  	p5 =	sne.s32 s24, $0xFC0;
	s26 =	sor.u32 $0x80, s22;
	s28 =	sadd.s32 s21, s18;
	v6 =	vld [tilespmem:s25+$0x0];
	v9 =	vcvt.f32.s32 v16  }
0x81: {  	v16 =	vmul.f32 v17, v17;
	s25 =	sadd.s32 s26, s18;
	v13 =	vld [tilespmem:s28+$0x0];
	v15 =	vadd.f32 v19, v18;
	v7 =	vmul.f32 v20, v7;
	v17 =	vmovc v14  }
0x82: {  	v18 =	vld [tilespmem:s25+$0x0];
	s25 =	sor.u32 $0xA0, s22;
	v14 =	vtrunc.f32 v17  }
0x83: {  	s28 =	sadd.s32 s25, s18;
	v19 =	vld.idx.msk [tilespmem:v2+s20+$0x0], $0xffff;
	v20 =	vcvt.f32.s32 v14;
	v2 =	vadd.f32 v7, v15;
	v7 =	vmul.f32 v16, v12  }
0x84: {  	s22 =	sor.u32 $0xB0, s22;
	v15 =	vld [tilespmem:s28+$0x0]  }
0x85: {  	s28 =	sadd.s32 s22, s16;
	v6 =	vsub.f32 v6, v11;
	v21 =	vld.idx.msk [tilespmem:v3+s20+$0x0], $0xffff;
	v22 =	vadd.f32 v7, v2  }
0x86: {  	v23 =	vld [tilespmem:s28+$0x0]  }
.Ltmp4:
0x87: {  	s22 =	sadd.s32 s22, s18;
	v4 =	vsub.f32 v4, v5;
	v5 =	vmovc v13;
	v2 =	vtrunc.f32 v18;
	v3 =	vmul.f32 v6, v6;
	v7 =	vld.idx.msk [tilespmem:v9+s20+$0x0], $0xffff;
	(pc) =	sbr.rel @p5 .LBB2_9-.Ltmp4, $4  }
0x88: {  	s23 =	sadd.s32 $0x100, s23;
	v6 =	vtrunc.f32 v5;
	v11 =	vmov v18;
	v2 =	vcvt.f32.s32 v2;
	v14 =	vld [tilespmem:s22+$0x0]  }
0x89: {  	s25 =	sadd.s32 s25, s16;
	v24 =	vsub.f32 v1, v8;
	s28 =	sand.u32 $0x3E00, s23;
	v13 =	vmul.f32 v4, v4;
	s22 =	sand.u32 $0x40, s24;
	v9 =	vmul.f32 v3, v19;
	v12 =	vld.idx.msk [tilespmem:v20+s20+$0x0], $0xffff  }
0x8a: {  	v17 =	vsub.f32 v10, v17;
	s22 =	sor.u32 s22, s28;
	s28 =	sadd.s32 s21, s16;
	v3 =	vcvt.f32.s32 v6;
	v16 =	vtrunc.f32 v15;
	v8 =	vmovc v15;
	v1 =	vld [tilespmem:s25+$0x0]  }
0x8b: {  	s24 =	sadd.s32 $0x40, s24;
	v20 =	vmul.f32 v24, v24;
	s21 =	sor.u32 $0x90, s22;
	s25 =	sadd.s32 s26, s16;
	v19 =	vmul.f32 v13, v21;
	v4 =	vld [tilespmem:s28+$0x0];
	v18 =	vadd.f32 v9, v22;
	v10 =	vmovc v23  }
0x8c: {  	_ = 	snop  }
0x8d: {  	v15 =	vmovc v11;
	v9 =	vmovc v8;
	v6 =	vmov v10;
	v13 =	vmov v14;
	v14 =	vmov v5  }
.LBB2_11:
0x8e: {  	_ =	sdelay $0x2  }
0x8f: {  	s23 =	sor.u32 $0x80, s22;
	v5 =	vld @p3 [tilespmem:s25+$0x0]  }
0x90: {  	v10 =	vcvt.f32.s32 @p3 v16;
	v2 =	vld.idx.msk @p3 [tilespmem:v2+s20+$0x0], $0xffff;
	s24 =	sadd.s32 s23, s18  }
0x91: {  	v7 =	vmul.f32 @p4 v20, v7;
	v11 =	vmov @p3 v13;
	v8 =	vld [tilespmem:s24+$0x0]  }
0x92: {  	s29 =	sadd.s32 s21, s18;
	v13 =	vadd.f32 @p4 v19, v18;
	v16 =	vmul.f32 @p4 v17, v17;
	s30 =	sor.u32 $0xA0, s22;
	v3 =	vld.idx.msk @p3 [tilespmem:v3+s20+$0x0], $0xffff;
	v17 =	vtrunc.f32 @p3 v11  }
0x93: {  	s26 =	sor.u32 $0xB0, s22;
	v44 =	vld [tilespmem:s29+$0x0];
	s31 =	sadd.s32 s30, s18;
	v1 =	vsub.f32 @p3 v1, v9;
	v17 =	vcvt.f32.s32 @p3 v17  }
0x94: {  	s28 =	sadd.s32 s26, s18;
	v7 =	vadd.f32 @p4 v7, v13;
	v45 =	vld [tilespmem:s31+$0x0];
	v5 =	vsub.f32 @p3 v5, v15  }
0x95: {  	v12 =	vmul.f32 @p4 v16, v12;
	v4 =	vsub.f32 @p3 v4, v14;
	v49 =	vld [tilespmem:s28+$0x0];
	v1 =	vmul.f32 @p3 v1, v1  }
0x96: {  	v6 =	vsub.f32 @p3 v6, v11;
	v10 =	vld.idx.msk @p3 [tilespmem:v10+s20+$0x0], $0xffff;
	v46 =	vtrunc.f32 v8;
	v5 =	vmul.f32 @p3 v5, v5  }
0x97: {  	s23 =	sadd.s32 s23, s16;
	v7 =	vadd.f32 @p4 v12, v7;
	v4 =	vmul.f32 @p3 v4, v4;
	v47 =	vcvt.f32.s32 v46  }
0x98: {  	v51 =	vld [tilespmem:s23+$0x0];
	v6 =	vpsel p3, v6, v0;
	v48 =	vtrunc.f32 v44;
	v2 =	vmul.f32 @p3 v5, v2  }
0x99: {  	v1 =	vpsel p3, v1, v0;
	v7 =	vpsel p4, v7, v0;
	v9 =	vld.idx.msk @p3 [tilespmem:v17+s20+$0x0], $0xffff;
	v5 =	vcvt.f32.s32 v48  }
0x9a: {  	s29 =	sadd.s32 s21, s16;
	v3 =	vmul.f32 @p3 v4, v3;
	v50 =	vtrunc.f32 v45;
	v2 =	vadd.f32 @p3 v2, v7  }
0x9b: {  	s30 =	sadd.s32 s30, s16;
	v52 =	vld [tilespmem:s29+$0x0];
	v54 =	vtrunc.f32 v49;
	v4 =	vcvt.f32.s32 v50;
	v10 =	vpsel p3, v10, v0  }
0x9c: {  	v53 =	vld [tilespmem:s30+$0x0];
	v3 =	vpsel p3, v3, v0;
	v1 =	vmul.f32 @p3 v1, v10;
	v2 =	vpsel p3, v2, v0  }
0x9d: {  	s31 =	sadd.s32 s26, s16;
	v10 =	vcvt.f32.s32 v54;
	v2 =	vadd.f32 @p3 v3, v2;
	v3 =	vmul.f32 @p3 v6, v6;
	v55 =	vld.idx.msk [tilespmem:v47+s20+$0x0], $0xffff  }
0x9e: {  	v56 =	vld [tilespmem:s31+$0x0];
	v7 =	vsub.f32 v51, v8;
	v9 =	vpsel p3, v9, v0  }
0x9f: {  	v1 =	vadd.f32 @p3 v1, v2;
	v2 =	vmul.f32 @p3 v3, v9;
	v3 =	vld.idx.msk [tilespmem:v5+s20+$0x0], $0xffff  }
0xa0: {  	v58 =	vsub.f32 v52, v44;
	v57 =	vmul.f32 v7, v7  }
0xa1: {  	v1 =	vadd.f32 @p3 v2, v1;
	v2 =	vld.idx.msk [tilespmem:v4+s20+$0x0], $0xffff  }
0xa2: {  	v61 =	vsub.f32 v53, v45;
	v60 =	vmul.f32 v58, v58;
	v59 =	vmul.f32 v57, v55  }
0xa3: {  	v63 =	vsub.f32 v56, v49;
	v62 =	vld.idx.msk [tilespmem:v10+s20+$0x0], $0xffff;
	v0 =	vpsel p3, v1, v0  }
0xa4: {  	v0 =	vadd.f32 v59, v0;
	v1 =	vmul.f32 v60, v3;
	v3 =	vmul.f32 v61, v61;
	_ =	sdelay $0x1  }
.Ltmp5:
0xa5: {  	v0 =	vadd.f32 v1, v0;
	v1 =	vmul.f32 v3, v2;
	v2 =	vmul.f32 v63, v63;
	(pc) =	sbr.rel @!p2 .LBB2_12-.Ltmp5, $4  }
0xa6: {  	s20 =	simm.s32 $0x1  }
0xa7: {  	s20 =	simm.s32 @!p1 $0x0;
	v0 =	vadd.f32 v1, v0;
	v1 =	vmul.f32 v2, v62  }
0xa8: {  	s20 =	sshll.u32 s20, $0x6  }
0xa9: {  	s22 =	sadd.s32 $0x0, s20;
	v0 =	vadd.f32 v1, v0  }
0xaa: {  	s21 =	sor.u32 $0x100, s22  }
0xab: {  	s23 =	sor.u32 $0x110, s22;
	s24 =	sadd.s32 s21, s18  }
0xac: {  	s25 =	sadd.s32 s23, s18;
	v14 =	vld [tilespmem:s24+$0x0];
	s24 =	sor.u32 $0x120, s22  }
0xad: {  	v10 =	vld [tilespmem:s25+$0x0];
	s28 =	sadd.s32 s24, s18  }
0xae: {  	p4 =	por $0x1, $0x1;
	v8 =	vld [tilespmem:s28+$0x0]  }
.Ltmp6:
0xaf: {  	s29 =	sor.u32 $0x130, s22;
	(pc) =	sbr.rel @!p4 .LBB2_14-.Ltmp6, $4  }
0xb0: {  	p3 =	por !p1, !p1;
	s26 =	simm.s32 $0x1;
	s30 =	sadd.s32 s29, s16  }
0xb1: {  	s26 =	simm.s32 @!p3 $0x0;
	v3 =	vld [tilespmem:s30+$0x0];
	s22 =	sadd.s32 s29, s18;
	v1 =	vtrunc.f32 v14  }
0xb2: {  	s31 =	sshll.u32 s26, $0x6;
	v13 =	vld [tilespmem:s22+$0x0];
	s24 =	sadd.s32 s24, s16;
	v2 =	vcvt.f32.s32 v1;
	v1 =	vtrunc.f32 v10  }
0xb3: {  	p2 =	por $0x1, $0x1;
	s26 =	sadd.s32 s23, s16;
	s22 =	sadd.s32 $0x100, s31;
	v4 =	vcvt.f32.s32 v1;
	v1 =	vld [tilespmem:s24+$0x0];
	v17 =	vtrunc.f32 v8  }
0xb4: {  	s28 =	sor.u32 $0x110, s22;
	s23 =	sadd.s32 s21, s16;
	v7 =	vld [tilespmem:s26+$0x0]  }
0xb5: {  	s21 =	sor.u32 $0x100, s22;
	s24 =	sadd.s32 s28, s18;
	v6 =	vld [tilespmem:s23+$0x0]  }
0xb6: {  	s25 =	sadd.s32 s21, s18;
	v5 =	vld [tilespmem:s24+$0x0]  }
0xb7: {  	v12 =	vcvt.f32.s32 v17;
	s26 =	sor.u32 $0x120, s22;
	s23 =	simm.s32 $0x0;
	v11 =	vld [tilespmem:s25+$0x0]  }
0xb8: {  	s25 =	sadd.s32 s26, s18;
	v15 =	vld.idx.msk [tilespmem:v2+s23+$0x0], $0xffff;
	v9 =	vtrunc.f32 v13  }
0xb9: {  	s29 =	sor.u32 $0x130, s22;
	v17 =	vcvt.f32.s32 v9;
	v9 =	vld [tilespmem:s25+$0x0]  }
0xba: {  	p5 =	por $0x1, $0x1;
	s30 =	sadd.s32 s29, s16;
	v2 =	vsub.f32 v6, v14;
	v6 =	vld.idx.msk [tilespmem:v4+s23+$0x0], $0xffff  }
.Ltmp7:
0xbb: {  	s22 =	sadd.s32 s29, s18;
	v18 =	vsub.f32 v7, v10;
	v14 =	vld [tilespmem:s30+$0x0];
	(pc) =	sbr.rel @!p5 .LBB2_16-.Ltmp7, $4  }
0xbc: {  	p4 =	por !p3, !p3;
	s25 =	simm.s32 $0x1;
	v10 =	vld [tilespmem:s22+$0x0];
	v4 =	vtrunc.f32 v11;
	v16 =	vmul.f32 v2, v2  }
0xbd: {  	s29 =	sadd.s32 s26, s16;
	s25 =	simm.s32 @!p4 $0x0;
	v7 =	vld.idx.msk [tilespmem:v12+s23+$0x0], $0xffff;
	v19 =	vmul.f32 v18, v18;
	v2 =	vcvt.f32.s32 v4  }
0xbe: {  	p3 =	por $0x1, $0x1;
	s24 =	simm.s32 $0x200;
	s31 =	sshll.u32 s25, $0x6;
	v18 =	vsub.f32 v1, v8;
	v1 =	vld [tilespmem:s29+$0x0];
	v4 =	vtrunc.f32 v5;
	v16 =	vmul.f32 v16, v15  }
0xbf: {  	s26 =	sadd.s32 s28, s16;
	v20 =	vsub.f32 v3, v13;
	s25 =	simm.s32 $0xC0;
	s22 =	sadd.s32 $0x200, s31;
	v4 =	vcvt.f32.s32 v4;
	v12 =	vld.idx.msk [tilespmem:v17+s23+$0x0], $0xffff;
	v17 =	vtrunc.f32 v9;
	v15 =	vmovc v0  }
.LBB2_17:
0xc0: {  	p5 =	sne.s32 s25, $0xFC0;
	s28 =	sor.u32 $0x110, s22;
	s29 =	sadd.s32 s21, s16;
	v3 =	vld [tilespmem:s26+$0x0];
	v8 =	vadd.f32 v16, v15;
	v6 =	vmul.f32 v19, v6;
	v15 =	vmul.f32 v18, v18;
	v21 =	vmovc v14  }
0xc1: {  	s21 =	sor.u32 $0x100, s22;
	v16 =	vcvt.f32.s32 v17;
	s26 =	sadd.s32 s28, s18;
	v14 =	vld [tilespmem:s29+$0x0]  }
0xc2: {  	s29 =	sadd.s32 s21, s18;
	v17 =	vld [tilespmem:s26+$0x0];
	v6 =	vadd.f32 v6, v8;
	v7 =	vmul.f32 v15, v7;
	v8 =	vmul.f32 v20, v20;
	v13 =	vmovc v10  }
0xc3: {  	s26 =	sor.u32 $0x120, s22;
	v18 =	vld [tilespmem:s29+$0x0];
	v10 =	vtrunc.f32 v13  }
0xc4: {  	s29 =	sadd.s32 s26, s18;
	v19 =	vld.idx.msk [tilespmem:v2+s23+$0x0], $0xffff;
	v20 =	vcvt.f32.s32 v10;
	v2 =	vadd.f32 v7, v6;
	v7 =	vmul.f32 v8, v12  }
0xc5: {  	s22 =	sor.u32 $0x130, s22;
	v8 =	vld [tilespmem:s29+$0x0]  }
0xc6: {  	s29 =	sadd.s32 s22, s16;
	v10 =	vsub.f32 v14, v11;
	v6 =	vld.idx.msk [tilespmem:v4+s23+$0x0], $0xffff;
	v15 =	vadd.f32 v7, v2  }
.Ltmp8:
0xc7: {  	v14 =	vld [tilespmem:s29+$0x0];
	(pc) =	sbr.rel @p5 .LBB2_17-.Ltmp8, $4  }
0xc8: {  	p4 =	por !p4, !p4;
	s22 =	sadd.s32 s22, s18;
	v3 =	vsub.f32 v3, v5;
	v5 =	vmovc v17;
	s29 =	simm.s32 $0x1;
	v2 =	vtrunc.f32 v18;
	v4 =	vmul.f32 v10, v10;
	v7 =	vld.idx.msk [tilespmem:v16+s23+$0x0], $0xffff  }
0xc9: {  	s29 =	simm.s32 @!p4 $0x0;
	v17 =	vtrunc.f32 v5;
	v11 =	vmov v18;
	v2 =	vcvt.f32.s32 v2;
	v10 =	vld [tilespmem:s22+$0x0]  }
0xca: {  	s24 =	sadd.s32 $0x100, s24;
	v18 =	vsub.f32 v1, v9;
	s22 =	sshll.u32 s29, $0x6;
	s29 =	sadd.s32 s26, s16;
	v16 =	vmul.f32 v4, v19;
	v19 =	vmul.f32 v3, v3;
	v12 =	vld.idx.msk [tilespmem:v20+s23+$0x0], $0xffff  }
0xcb: {  	s25 =	sadd.s32 $0x40, s25;
	s26 =	sadd.s32 s28, s16;
	s22 =	sadd.s32 s22, s24;
	v4 =	vcvt.f32.s32 v17;
	v17 =	vtrunc.f32 v8;
	v20 =	vsub.f32 v21, v13;
	v9 =	vmovc v8;
	v1 =	vld [tilespmem:s29+$0x0]  }
0xcc: {  	_ =	sdelay $0x1  }
0xcd: {  	v3 =	vmovc v14;
	v14 =	vmovc v11;
	v8 =	vmov v9;
	v13 =	vmov v10;
	v10 =	vmov v5  }
.LBB2_19:
0xce: {  	s21 =	sadd.s32 @p2 s21, s16  }
0xcf: {  	s23 =	sor.u32 $0x100, s22;
	v5 =	vld @p2 [tilespmem:s21+$0x0]  }
0xd0: {  	v9 =	vld @p2 [tilespmem:s26+$0x0];
	v11 =	vadd.f32 @p3 v16, v15;
	v6 =	vmul.f32 @p3 v19, v6;
	v15 =	vcvt.f32.s32 @p2 v17;
	s21 =	sor.u32 $0x110, s22;
	s24 =	sadd.s32 s23, s18  }
0xd1: {  	v17 =	vmul.f32 @p3 v18, v18;
	v19 =	vtrunc.f32 @p2 v13;
	s25 =	sadd.s32 s21, s18;
	v44 =	vld [tilespmem:s24+$0x0]  }
0xd2: {  	s30 =	sor.u32 $0x120, s22;
	v1 =	vsub.f32 @p2 v1, v8;
	s24 =	simm.s32 @p2 $0x0;
	v6 =	vadd.f32 @p3 v6, v11;
	v11 =	vmul.f32 @p3 v20, v20;
	v45 =	vld [tilespmem:s25+$0x0]  }
0xd3: {  	s31 =	sadd.s32 s30, s18;
	v7 =	vmul.f32 @p3 v17, v7;
	v17 =	vcvt.f32.s32 @p2 v19;
	v2 =	vld.idx.msk @p2 [tilespmem:v2+s24+$0x0], $0xffff  }
0xd4: {  	s28 =	sor.u32 $0x130, s22;
	v46 =	vld [tilespmem:s31+$0x0];
	v1 =	vpsel p2, v1, v0;
	v11 =	vmul.f32 @p3 v11, v12;
	v5 =	vsub.f32 @p2 v5, v14  }
0xd5: {  	s29 =	sadd.s32 s28, s18;
	v4 =	vld.idx.msk @p2 [tilespmem:v4+s24+$0x0], $0xffff;
	v6 =	vadd.f32 @p3 v7, v6;
	v1 =	vmul.f32 @p2 v1, v1;
	v9 =	vsub.f32 @p2 v9, v10  }
0xd6: {  	v3 =	vsub.f32 @p2 v3, v13;
	v49 =	vld [tilespmem:s29+$0x0];
	v47 =	vtrunc.f32 v44;
	v5 =	vmul.f32 @p2 v5, v5  }
0xd7: {  	s23 =	sadd.s32 s23, s16;
	v10 =	vld.idx.msk @p2 [tilespmem:v15+s24+$0x0], $0xffff;
	v6 =	vadd.f32 @p3 v11, v6;
	v9 =	vmul.f32 @p2 v9, v9;
	v7 =	vcvt.f32.s32 v47  }
0xd8: {  	v52 =	vld [tilespmem:s23+$0x0];
	v3 =	vpsel p2, v3, v0;
	v48 =	vtrunc.f32 v45;
	v2 =	vmul.f32 @p2 v5, v2  }
0xd9: {  	v51 =	vtrunc.f32 v46;
	v11 =	vld.idx.msk @p2 [tilespmem:v17+s24+$0x0], $0xffff;
	v6 =	vpsel p3, v6, v0;
	v50 =	vcvt.f32.s32 v48  }
0xda: {  	s21 =	sadd.s32 s21, s16;
	v4 =	vpsel p2, v4, v0;
	v9 =	vpsel p2, v9, v0;
	v2 =	vpsel p2, v2, v0  }
0xdb: {  	s30 =	sadd.s32 s30, s16;
	v53 =	vld [tilespmem:s21+$0x0];
	v54 =	vcvt.f32.s32 v51;
	v4 =	vmul.f32 @p2 v9, v4;
	v2 =	vadd.f32 @p2 v2, v6  }
0xdc: {  	v55 =	vld [tilespmem:s30+$0x0];
	s31 =	simm.s32 $0x0;
	v3 =	vmul.f32 @p2 v3, v3;
	v56 =	vtrunc.f32 v49;
	v10 =	vpsel p2, v10, v0  }
0xdd: {  	s22 =	sadd.s32 s28, s16;
	v58 =	vcvt.f32.s32 v56;
	v1 =	vmul.f32 @p2 v1, v10;
	v57 =	vld.idx.msk [tilespmem:v7+s31+$0x0], $0xffff;
	v2 =	vadd.f32 @p2 v4, v2  }
0xde: {  	v59 =	vld [tilespmem:s22+$0x0];
	v13 =	vsub.f32 v52, v44;
	v11 =	vpsel p2, v11, v0  }
0xdf: {  	v1 =	vadd.f32 @p2 v1, v2;
	v2 =	vmul.f32 @p2 v3, v11;
	v3 =	vld.idx.msk [tilespmem:v50+s31+$0x0], $0xffff  }
0xe0: {  	v61 =	vsub.f32 v53, v45;
	v60 =	vmul.f32 v13, v13  }
0xe1: {  	v1 =	vadd.f32 @p2 v2, v1;
	v2 =	vld.idx.msk [tilespmem:v54+s31+$0x0], $0xffff  }
0xe2: {  	v63 =	vsub.f32 v55, v46;
	v62 =	vmul.f32 v61, v61;
	v4 =	vmul.f32 v60, v57  }
0xe3: {  	v5 =	vsub.f32 v59, v49;
	v7 =	vld.idx.msk [tilespmem:v58+s31+$0x0], $0xffff;
	v0 =	vpsel p2, v1, v0  }
0xe4: {  	v0 =	vadd.f32 v4, v0;
	v1 =	vmul.f32 v62, v3;
	v3 =	vmul.f32 v63, v63  }
0xe5: {  	p4 =	por $0x1, $0x1  }
.Ltmp9:
0xe6: {  	v0 =	vadd.f32 v1, v0;
	v1 =	vmul.f32 v3, v2;
	v2 =	vmul.f32 v5, v5;
	(pc) =	sbr.rel @!p4 .LBB2_20-.Ltmp9, $3  }
0xe7: {  	_ = 	snop  }
0xe8: {  	v0 =	vadd.f32 v1, v0;
	v1 =	vmul.f32 v2, v7;
	_ =	sdelay $0x1  }
0xe9: {  	s21 =	sadd.s32 $0x0, s20;
	p3 =	por $0x0, $0x0;
	p2 =	por $0x0, $0x0;
	v0 =	vadd.f32 v1, v0  }
0xea: {  	s20 =	sor.u32 $0x180, s21  }
0xeb: {  	s22 =	sor.u32 $0x190, s21;
	s23 =	sadd.s32 s20, s18  }
0xec: {  	s26 =	sor.u32 $0x1A0, s21;
	s24 =	sadd.s32 s22, s18;
	v14 =	vld [tilespmem:s23+$0x0]  }
0xed: {  	s28 =	sadd.s32 s26, s18;
	v11 =	vld [tilespmem:s24+$0x0]  }
0xee: {  	p4 =	por $0x1, $0x1;
	v8 =	vld [tilespmem:s28+$0x0]  }
.Ltmp10:
0xef: {  	s29 =	sor.u32 $0x1B0, s21;
	(pc) =	sbr.rel @!p4 .LBB2_22-.Ltmp10, $4  }
0xf0: {  	p1 =	por !p1, !p1;
	s25 =	simm.s32 $0x1;
	s30 =	sadd.s32 s29, s16  }
0xf1: {  	s21 =	sadd.s32 s29, s18;
	s25 =	simm.s32 @!p1 $0x0;
	v3 =	vld [tilespmem:s30+$0x0];
	v1 =	vtrunc.f32 v14  }
0xf2: {  	v13 =	vld [tilespmem:s21+$0x0];
	s31 =	sshll.u32 s25, $0x6;
	s23 =	sadd.s32 s26, s16;
	v2 =	vcvt.f32.s32 v1;
	v1 =	vtrunc.f32 v11  }
0xf3: {  	p2 =	por $0x1, $0x1;
	s24 =	sadd.s32 s22, s16;
	s21 =	sadd.s32 $0x100, s31;
	v17 =	vtrunc.f32 v8;
	v4 =	vcvt.f32.s32 v1;
	v1 =	vld [tilespmem:s23+$0x0]  }
0xf4: {  	_ =	sdelay $0x1  }
0xf5: {  	s22 =	sadd.s32 s20, s16;
	v7 =	vld [tilespmem:s24+$0x0]  }
0xf6: {  	s20 =	sor.u32 $0x180, s21;
	v6 =	vld [tilespmem:s22+$0x0]  }
0xf7: {  	s25 =	sor.u32 $0x190, s21;
	v15 =	vld.idx.msk [tilespmem:v2+s4+$0x0], $0xffff;
	s24 =	sadd.s32 s20, s18  }
0xf8: {  	v12 =	vcvt.f32.s32 v17;
	s26 =	sor.u32 $0x1A0, s21;
	s23 =	sadd.s32 s25, s18;
	v10 =	vld [tilespmem:s24+$0x0]  }
0xf9: {  	s28 =	sadd.s32 s26, s18;
	v5 =	vld [tilespmem:s23+$0x0];
	v9 =	vtrunc.f32 v13  }
0xfa: {  	s29 =	sor.u32 $0x1B0, s21;
	v17 =	vcvt.f32.s32 v9;
	v9 =	vld [tilespmem:s28+$0x0]  }
0xfb: {  	p4 =	por $0x1, $0x1;
	s30 =	sadd.s32 s29, s16;
	v2 =	vsub.f32 v6, v14;
	v6 =	vld.idx.msk [tilespmem:v4+s4+$0x0], $0xffff  }
.Ltmp11:
0xfc: {  	s21 =	sadd.s32 s29, s18;
	v18 =	vsub.f32 v7, v11;
	v14 =	vld [tilespmem:s30+$0x0];
	(pc) =	sbr.rel @!p4 .LBB2_24-.Ltmp11, $4  }
0xfd: {  	p1 =	por !p1, !p1;
	s23 =	simm.s32 $0x1;
	v11 =	vld [tilespmem:s21+$0x0];
	v4 =	vtrunc.f32 v10;
	v16 =	vmul.f32 v2, v2  }
0xfe: {  	s26 =	sadd.s32 s26, s16;
	s23 =	simm.s32 @!p1 $0x0;
	v7 =	vld.idx.msk [tilespmem:v12+s4+$0x0], $0xffff;
	v19 =	vmul.f32 v18, v18;
	v2 =	vcvt.f32.s32 v4  }
0xff: {  	p3 =	por $0x1, $0x1;
	s22 =	simm.s32 $0x200;
	s31 =	sshll.u32 s23, $0x6;
	v18 =	vsub.f32 v1, v8;
	v1 =	vld [tilespmem:s26+$0x0];
	v4 =	vtrunc.f32 v5;
	v16 =	vmul.f32 v16, v15  }
0x100: {  	s24 =	sadd.s32 s25, s16;
	v20 =	vsub.f32 v3, v13;
	s23 =	simm.s32 $0xC0;
	s21 =	sadd.s32 $0x200, s31;
	v4 =	vcvt.f32.s32 v4;
	v12 =	vld.idx.msk [tilespmem:v17+s4+$0x0], $0xffff;
	v17 =	vtrunc.f32 v9;
	v15 =	vmovc v0  }
.LBB2_25:
0x101: {  	p4 =	sne.s32 s23, $0xFC0;
	s25 =	sor.u32 $0x190, s21;
	s26 =	sadd.s32 s20, s16;
	v3 =	vld [tilespmem:s24+$0x0];
	v8 =	vadd.f32 v16, v15;
	v6 =	vmul.f32 v19, v6;
	v15 =	vmul.f32 v18, v18;
	v21 =	vmovc v14  }
0x102: {  	s20 =	sor.u32 $0x180, s21;
	v16 =	vcvt.f32.s32 v17;
	s24 =	sadd.s32 s25, s18;
	v14 =	vld [tilespmem:s26+$0x0]  }
0x103: {  	s26 =	sadd.s32 s20, s18;
	v17 =	vld [tilespmem:s24+$0x0];
	v6 =	vadd.f32 v6, v8;
	v7 =	vmul.f32 v15, v7;
	v8 =	vmul.f32 v20, v20;
	v13 =	vmovc v11  }
0x104: {  	s24 =	sor.u32 $0x1A0, s21;
	v18 =	vld [tilespmem:s26+$0x0];
	v11 =	vtrunc.f32 v13  }
0x105: {  	s26 =	sadd.s32 s24, s18;
	v19 =	vld.idx.msk [tilespmem:v2+s4+$0x0], $0xffff;
	v20 =	vcvt.f32.s32 v11;
	v2 =	vadd.f32 v7, v6;
	v7 =	vmul.f32 v8, v12  }
0x106: {  	s21 =	sor.u32 $0x1B0, s21;
	v8 =	vld [tilespmem:s26+$0x0]  }
0x107: {  	s26 =	sadd.s32 s21, s16;
	v12 =	vsub.f32 v14, v10;
	v6 =	vld.idx.msk [tilespmem:v4+s4+$0x0], $0xffff;
	v15 =	vadd.f32 v7, v2  }
.Ltmp12:
0x108: {  	v14 =	vld [tilespmem:s26+$0x0];
	(pc) =	sbr.rel @p4 .LBB2_25-.Ltmp12, $4  }
0x109: {  	p1 =	por !p1, !p1;
	s21 =	sadd.s32 s21, s18;
	v3 =	vsub.f32 v3, v5;
	v5 =	vmovc v17;
	s26 =	simm.s32 $0x1;
	v2 =	vtrunc.f32 v18;
	v4 =	vmul.f32 v12, v12;
	v7 =	vld.idx.msk [tilespmem:v16+s4+$0x0], $0xffff  }
0x10a: {  	s26 =	simm.s32 @!p1 $0x0;
	v17 =	vtrunc.f32 v5;
	v10 =	vmov v18;
	v2 =	vcvt.f32.s32 v2;
	v11 =	vld [tilespmem:s21+$0x0]  }
0x10b: {  	s22 =	sadd.s32 $0x100, s22;
	v18 =	vsub.f32 v1, v9;
	s21 =	sshll.u32 s26, $0x6;
	s26 =	sadd.s32 s24, s16;
	v16 =	vmul.f32 v4, v19;
	v19 =	vmul.f32 v3, v3;
	v12 =	vld.idx.msk [tilespmem:v20+s4+$0x0], $0xffff  }
0x10c: {  	s23 =	sadd.s32 $0x40, s23;
	s24 =	sadd.s32 s25, s16;
	s21 =	sadd.s32 s21, s22;
	v4 =	vcvt.f32.s32 v17;
	v17 =	vtrunc.f32 v8;
	v20 =	vsub.f32 v21, v13;
	v9 =	vmovc v8;
	v1 =	vld [tilespmem:s26+$0x0]  }
0x10d: {  	_ =	sdelay $0x1  }
0x10e: {  	v3 =	vmovc v14;
	v14 =	vmovc v10;
	v8 =	vmov v9;
	v13 =	vmov v11;
	v11 =	vmov v5  }
.LBB2_27:
0x10f: {  	_ =	sdelay $0x1  }
0x110: {  	s20 =	sadd.s32 @p2 s20, s16;
	v9 =	vld @p2 [tilespmem:s24+$0x0]  }
0x111: {  	s22 =	sor.u32 $0x180, s21;
	v5 =	vld @p2 [tilespmem:s20+$0x0]  }
0x112: {  	s28 =	sor.u32 $0x190, s21;
	v10 =	vadd.f32 @p3 v16, v15;
	v6 =	vmul.f32 @p3 v19, v6;
	v15 =	vcvt.f32.s32 @p2 v17;
	v2 =	vld.idx.msk @p2 [tilespmem:v2+s4+$0x0], $0xffff;
	s23 =	sadd.s32 s22, s18  }
0x113: {  	v17 =	vmul.f32 @p3 v18, v18;
	v19 =	vtrunc.f32 @p2 v13;
	s29 =	sadd.s32 s28, s18;
	v36 =	vld [tilespmem:s23+$0x0]  }
0x114: {  	s30 =	sor.u32 $0x1A0, s21;
	v1 =	vsub.f32 @p2 v1, v8;
	v37 =	vld [tilespmem:s29+$0x0];
	v6 =	vadd.f32 @p3 v6, v10;
	v10 =	vmul.f32 @p3 v20, v20  }
0x115: {  	v4 =	vld.idx.msk @p2 [tilespmem:v4+s4+$0x0], $0xffff;
	s31 =	sadd.s32 s30, s18;
	v7 =	vmul.f32 @p3 v17, v7;
	v17 =	vcvt.f32.s32 @p2 v19  }
0x116: {  	s24 =	sor.u32 $0x1B0, s21;
	v3 =	vsub.f32 @p2 v3, v13;
	v38 =	vld [tilespmem:s31+$0x0];
	v1 =	vpsel p2, v1, v0;
	v5 =	vsub.f32 @p2 v5, v14  }
0x117: {  	s25 =	sadd.s32 s24, s18;
	v10 =	vmul.f32 @p3 v10, v12;
	v6 =	vadd.f32 @p3 v7, v6;
	v1 =	vmul.f32 @p2 v1, v1  }
0x118: {  	v41 =	vld [tilespmem:s25+$0x0];
	v9 =	vsub.f32 @p2 v9, v11;
	v39 =	vtrunc.f32 v36;
	v5 =	vmul.f32 @p2 v5, v5  }
0x119: {  	s26 =	sadd.s32 s22, s16;
	v3 =	vpsel p2, v3, v0;
	v11 =	vld.idx.msk @p2 [tilespmem:v15+s4+$0x0], $0xffff;
	v40 =	vtrunc.f32 v37;
	v7 =	vcvt.f32.s32 v39  }
0x11a: {  	v44 =	vld [tilespmem:s26+$0x0];
	v6 =	vadd.f32 @p3 v10, v6;
	v9 =	vmul.f32 @p2 v9, v9;
	v2 =	vmul.f32 @p2 v5, v2  }
0x11b: {  	v4 =	vpsel p2, v4, v0;
	v43 =	vtrunc.f32 v38;
	v42 =	vcvt.f32.s32 v40;
	v10 =	vld.idx.msk @p2 [tilespmem:v17+s4+$0x0], $0xffff  }
0x11c: {  	s28 =	sadd.s32 s28, s16;
	v6 =	vpsel p3, v6, v0;
	v9 =	vpsel p2, v9, v0;
	v2 =	vpsel p2, v2, v0  }
0x11d: {  	s29 =	sadd.s32 s30, s16;
	v45 =	vld [tilespmem:s28+$0x0];
	v46 =	vcvt.f32.s32 v43;
	v4 =	vmul.f32 @p2 v9, v4;
	v2 =	vadd.f32 @p2 v2, v6  }
0x11e: {  	v47 =	vld [tilespmem:s29+$0x0];
	v3 =	vmul.f32 @p2 v3, v3;
	v48 =	vtrunc.f32 v41;
	v11 =	vpsel p2, v11, v0  }
0x11f: {  	s30 =	sadd.s32 s24, s16;
	v50 =	vcvt.f32.s32 v48;
	v1 =	vmul.f32 @p2 v1, v11;
	v49 =	vld.idx.msk [tilespmem:v7+s4+$0x0], $0xffff;
	v2 =	vadd.f32 @p2 v4, v2  }
0x120: {  	v51 =	vld [tilespmem:s30+$0x0];
	v13 =	vsub.f32 v44, v36;
	v10 =	vpsel p2, v10, v0  }
0x121: {  	v52 =	vld.idx.msk [tilespmem:v42+s4+$0x0], $0xffff;
	v1 =	vadd.f32 @p2 v1, v2;
	v2 =	vmul.f32 @p2 v3, v10  }
0x122: {  	v54 =	vsub.f32 v45, v37;
	v53 =	vmul.f32 v13, v13  }
0x123: {  	v55 =	vld.idx.msk [tilespmem:v46+s4+$0x0], $0xffff;
	v1 =	vadd.f32 @p2 v2, v1  }
0x124: {  	v57 =	vsub.f32 v47, v38;
	v56 =	vmul.f32 v54, v54;
	v4 =	vmul.f32 v53, v49  }
0x125: {  	v5 =	vsub.f32 v51, v41;
	v7 =	vld.idx.msk [tilespmem:v50+s4+$0x0], $0xffff;
	v58 =	vpsel p2, v1, v0  }
0x126: {  	v60 =	vmul.f32 v57, v57;
	v59 =	vmul.f32 v56, v52;
	v0 =	vadd.f32 v4, v58;
	_ =	sdelay $0x1  }
0x127: {  	v62 =	vmul.f32 v5, v5;
	v61 =	vmul.f32 v60, v55;
	v0 =	vadd.f32 v59, v0;
	_ =	sdelay $0x1  }
0x128: {  	v63 =	vmul.f32 v62, v7;
	v0 =	vadd.f32 v61, v0;
	_ =	sdelay $0x1  }
0x129: {  	p1 =	sne.s32 s15, s8;
	s16 =	sand.u32 $0x1, s10;
	v0 =	vadd.f32 v63, v0  }
0x12a: {  	p0 =	por p0, p1;
	s31 =	sshll.u32 s16, $0x4  }
0x12b: {  	p1 =	seq.s32 s14, $0x0;
	s18 =	sshll.u32 @p0 s19, $0x1;
	s19 =	simm.s32 @p0 $0x0;
	[tilespmem:s31+$0x10080] =	vst v0  }
0x12c: {  	s18 =	sand.u32 @p0 $0x1FFFFFFE, s18;
	s16 =	sadd.s32 @p0 $0x5, s16;
	_ =	strace $0x9000004D  }
0x12d: {  	s15 =	sor.u32 $0x10080, s31;
	s18 =	sadd.s32 @p0 s6, s18;
	_ =	strace @p0 $0x8000004E  }
0x12e: {  	[hbm4b:s18+s19] =	stream.linear.scatter @p0 [tilespmem:s15], [sflag:s16], $0x10, $0x200038;
	[tilespmem:$0x10100] =	vst v63  }
0x12f: {  	s15 =	sand.u32 @!p1 $0x1, s9;
	_ =	strace @p0 $0x9000004E  }
0x130: {  	s15 =	sadd.s32 @!p1 $0x5, s15;
	_ =	strace @!p1 $0x8000004F  }
0x131: {  	s16 =	simm.s32 $0x1;
	_ =	swait.ge @!p1 [sflag:s15], $0x10  }
0x132: {  	s16 =	simm.s32 @!p0 $0x0;
	p0 =	sne.s32 s14, $0x0;
	[sflag:s15] =	ssyncset.done @!p1 $0x0  }
0x133: {  	s14 =	sadd.s32 $0x1, s14;
	[sflag:s15] =	ssyncadd.s32 @!p1 $0xFFFFFFF0;
	s15 =	simm.s32 $0x1  }
0x134: {  	s15 =	simm.s32 @!p0 $0x0;
	p0 =	sne.s32 s14, $0x3C  }
.Ltmp13:
0x135: {  	_ = 	snop;
	(pc) =	sbr.rel @p0 .LBB2_1-.Ltmp13, $4  }
.Ltmp14:
0x136: {  	_ = 	snop;
	(pc) =	sbr.rel @!p0 .LBB2_28-.Ltmp14, $4  }
0x137: {  	_ = 	snop  }
0x138: {  	s12 =	sadd.s32 s12, s17;
	s10 =	sadd.s32 s16, s10;
	s13 =	sadd.s32 s16, s13  }
0x139: {  	s11 =	sadd.s32 s16, s11;
	_ =	strace @!p1 $0x9000004F;
	s9 =	sadd.s32 s15, s9  }
0x13a: {  	_ = 	snop  }
.LBB2_4:
.Ltmp15:
0x13b: {  	(pc) =	sbr.rel .LBB2_11-.Ltmp15, $2  }
0x13c: {  	_ =	sdelay $0x2  }
0x13d: {  	p4 =	por $0x0, $0x0  }
.LBB2_12:
.Ltmp16:
0x13e: {  	(pc) =	sbr.rel .LBB2_19-.Ltmp16, $2  }
0x13f: {  	_ =	sdelay $0x2  }
0x140: {  	p2 =	por $0x0, $0x0;
	p3 =	por $0x0, $0x0;
	v15 =	vmov v0  }
.LBB2_20:
.Ltmp17:
0x141: {  	(pc) =	sbr.rel .LBB2_27-.Ltmp17, $2  }
0x142: {  	_ =	sdelay $0x2  }
0x143: {  	v15 =	vmov v0  }
.LBB2_6:
.Ltmp18:
0x144: {  	(pc) =	sbr.rel .LBB2_11-.Ltmp18, $2  }
0x145: {  	_ =	sdelay $0x2  }
0x146: {  	p4 =	por $0x0, $0x0  }
.LBB2_14:
.Ltmp19:
0x147: {  	(pc) =	sbr.rel .LBB2_19-.Ltmp19, $2  }
0x148: {  	_ =	sdelay $0x2  }
0x149: {  	v15 =	vmov v0;
	p3 =	por $0x0, $0x0  }
.LBB2_22:
.Ltmp20:
0x14a: {  	(pc) =	sbr.rel .LBB2_27-.Ltmp20, $2  }
0x14b: {  	_ =	sdelay $0x2  }
0x14c: {  	v15 =	vmov v0  }
.LBB2_8:
.Ltmp21:
0x14d: {  	(pc) =	sbr.rel .LBB2_11-.Ltmp21, $2  }
0x14e: {  	_ =	sdelay $0x2  }
0x14f: {  	v13 =	vmovc v14;
	v15 =	vmovc v11;
	v14 =	vmov v5;
	v9 =	vmov v8;
	v6 =	vmov v10  }
.LBB2_16:
.Ltmp22:
0x150: {  	(pc) =	sbr.rel .LBB2_19-.Ltmp22, $3  }
0x151: {  	_ =	sdelay $0x1  }
0x152: {  	v15 =	vmov v0  }
0x153: {  	v3 =	vmovc v14;
	v14 =	vmovc v11;
	v8 =	vmov v9;
	v13 =	vmov v10;
	v10 =	vmov v5  }
.LBB2_24:
.Ltmp23:
0x154: {  	(pc) =	sbr.rel .LBB2_27-.Ltmp23, $3  }
0x155: {  	_ =	sdelay $0x1  }
0x156: {  	v15 =	vmov v0  }
0x157: {  	v3 =	vmovc v14;
	v14 =	vmovc v10;
	v8 =	vmov v9;
	v13 =	vmov v11;
	v11 =	vmov v5  }
.LBB2_28:
0x158: {  	_ =	strace $0x80000050;
	s2 =	simm.s32 $0x6  }
0x159: {  	_ =	swait.ge [sflag:s2], $0x10  }
0x15a: {  	[sflag:s2] =	ssyncset.done $0x0  }
0x15b: {  	[sflag:s2] =	ssyncadd.s32 $0xFFFFFFF0  }
0x15c: {  	_ =	strace $0x90000050  }
0x15d: {  	_ =	sfence.sel $0x180000  }
0x15e: {  	[bflag:$0x0] =	sbarrier.arrive $0xFFFF  }
0x15f: {  	p0 =	sne.s32 s1, $0x0;
	_ =	strace $0x90000047  }
0x160: {  	s0 =	sadd.s32 @!p0 $0x100000, s0;
	[bflag:$0x2] =	sbarrier.arrive $0xFFFF  }
0x161: {  	[sflag:s0] =	ssyncadd.tile.s32 @!p0 $0x1;
	_ =	shalt  }
.Lfunc_end2:
_tile_overlayer_lowered:
.L_overlay_start_2:
0x162: {  	(tag) =	ssettag $0x2  }
0x163: {  	s0 =	rddreg [dreg:$0x0];
	s2 =	stileid.u32  }
0x164: {  	s1 =	rddreg [dreg:$0x1];
	p0 =	sne.s32 s2, $0x0  }
0x165: {  	s3 =	rddreg [dreg:$0x2];
	[bflag:$0x3] =	sbarrier.arrive $0xFFFF;
	s2 =	simm.s32 @!p0 $0x1C01  }
0x166: {  	[timem:s3], [sflag:s2] =	dma.local @!p0 [hbm:s0], s1  }
0x167: {  	s0 =	simm.s32 @!p0 $0x1  }
0x168: {  	_ =	swait.ge @!p0 [sflag:s0], s1  }
0x169: {  	s1 =	ssub.s32 @!p0 $0x0, s1;
	[sflag:s0] =	ssyncset.done @!p0 $0x0  }
0x16a: {  	[sflag:s0] =	ssyncadd.s32 @!p0 s1  }
0x16b: {  	[bflag:$0x3] =	sbarrier.arrive $0xFFFF  }
0x16c: {  	_ =	shalt  }

</sc_bundles>
